<compile_context>
chip_gen: v7x
topology: tpu7x:2x2x1
jax: 0.10.2.dev20260603
libtpu: 0.0.44.dev20260713+nightly
codegen_flags: <defaults>
</compile_context>

<pallas_src>
import functools

import jax
import jax.numpy as jnp
from jax import lax
from jax.experimental import pallas as pl
from jax.experimental.pallas import tpu as pltpu
from jax.experimental.pallas import tpu_sc as plsc

N_NODES = 10000
N_EDGES = 320000
D = 128
N_GRAPHS = 128

NC = 2
NS = 16
NW = NC * NS
CH = 128
E_PAD = 327680
CHUNKS = E_PAD // (NW * CH)
ACC_ROWS = 10240
ZROWS = ACC_ROWS // NS
SEG_C0 = 136
SEG_C1 = 2 * CHUNKS - SEG_C0
CNT_C0 = 84
CNT_C1 = 2 * CHUNKS - CNT_C0

_HIGH = lax.Precision.HIGHEST


def _seg_body(x_hbm, src_hbm, dst_hbm, z2_hbm, s_out,
              acc, src_v, dst_v, rows_v, gsem, isem):
    cid = lax.axis_index("c")
    sid = lax.axis_index("s")
    base = lax.select(cid == 0, sid * SEG_C0, NS * SEG_C0 + sid * SEG_C1)
    nch = lax.select(cid == 0, SEG_C0, SEG_C1)

    pltpu.sync_copy(z2_hbm, acc.at[pl.ds(sid * ZROWS, ZROWS)])
    plsc.subcore_barrier()

    def idx_fetch(b, j):
        pltpu.async_copy(src_hbm.at[base + j], src_v[b], isem[b])
        pltpu.async_copy(dst_hbm.at[base + j], dst_v[b], isem[b])

    def idx_wait(b, j):
        pltpu.make_async_copy(src_hbm.at[base + j], src_v[b], isem[b]).wait()
        pltpu.make_async_copy(dst_hbm.at[base + j], dst_v[b], isem[b]).wait()

    idx_fetch(0, 0)
    idx_fetch(1, 1)
    idx_wait(0, 0)
    pltpu.async_copy(x_hbm.at[src_v[0]], rows_v[0], gsem[0])
    idx_wait(1, 1)

    def round_(i, carry):
        j = 2 * i
        pltpu.async_copy(x_hbm.at[src_v[1]], rows_v[1], gsem[1])
        pltpu.make_async_copy(x_hbm.at[src_v[0]], rows_v[0], gsem[0]).wait()
        pltpu.async_copy(src_hbm.at[base + j + 2], src_v[0], isem[0])
        pltpu.sync_copy(rows_v[0], acc.at[dst_v[0]], add=True)
        pltpu.async_copy(dst_hbm.at[base + j + 2], dst_v[0], isem[0])
        idx_wait(0, j + 2)
        pltpu.async_copy(x_hbm.at[src_v[0]], rows_v[0], gsem[0])
        pltpu.make_async_copy(x_hbm.at[src_v[1]], rows_v[1], gsem[1]).wait()
        pltpu.async_copy(src_hbm.at[base + j + 3], src_v[1], isem[1])
        pltpu.sync_copy(rows_v[1], acc.at[dst_v[1]], add=True)
        pltpu.async_copy(dst_hbm.at[base + j + 3], dst_v[1], isem[1])
        idx_wait(1, j + 3)
        return carry

    lax.fori_loop(0, nch // 2 - 1, round_, 0)
    pltpu.async_copy(x_hbm.at[src_v[1]], rows_v[1], gsem[1])
    pltpu.make_async_copy(x_hbm.at[src_v[0]], rows_v[0], gsem[0]).wait()
    pltpu.sync_copy(rows_v[0], acc.at[dst_v[0]], add=True)
    pltpu.make_async_copy(x_hbm.at[src_v[1]], rows_v[1], gsem[1]).wait()
    pltpu.sync_copy(rows_v[1], acc.at[dst_v[1]], add=True)
    plsc.subcore_barrier()

    pltpu.sync_copy(acc.at[pl.ds(sid * ZROWS, ZROWS)],
                    s_out.at[pl.ds(cid * ACC_ROWS + sid * ZROWS, ZROWS)])


def _cnt_body(dst_hbm, z2_hbm, ones_hbm, c_out, acc, dst_v, rows_v, sems):
    cid = lax.axis_index("c")
    sid = lax.axis_index("s")
    base = lax.select(cid == 0, sid * CNT_C0, NS * CNT_C0 + sid * CNT_C1)
    nch = lax.select(cid == 0, CNT_C0, CNT_C1)
    pltpu.sync_copy(z2_hbm, acc.at[pl.ds(sid * ZROWS, ZROWS)])
    pltpu.sync_copy(ones_hbm, rows_v)
    plsc.subcore_barrier()

    for b in range(2):
        pltpu.sync_copy(dst_hbm.at[base + b], dst_v[b])
        pltpu.async_copy(rows_v, acc.at[dst_v[b]], sems[b], add=True)

    def round_(i, carry):
        for b in range(2):
            j = 2 * i + b
            pltpu.make_async_copy(rows_v, acc.at[dst_v[b]], sems[b]).wait()
            pltpu.sync_copy(dst_hbm.at[base + j + 2], dst_v[b])
            pltpu.async_copy(rows_v, acc.at[dst_v[b]], sems[b], add=True)
        return carry

    lax.fori_loop(0, nch // 2 - 1, round_, 0)
    for b in range(2):
        pltpu.make_async_copy(rows_v, acc.at[dst_v[b]], sems[b]).wait()
    plsc.subcore_barrier()
    pltpu.sync_copy(acc.at[pl.ds(sid * ZROWS, ZROWS)],
                    c_out.at[pl.ds(cid * ACC_ROWS + sid * ZROWS, ZROWS)])


def _sc_mesh():
    return plsc.VectorSubcoreMesh(core_axis_name="c", subcore_axis_name="s",
                                  num_cores=NC, num_subcores=NS)


@functools.lru_cache(maxsize=None)
def _make_seg_kernel():
    scratch = [
        pltpu.VMEM_SHARED((ACC_ROWS, D), jnp.float32),
        [pltpu.VMEM((CH,), jnp.int32)] * 2,
        [pltpu.VMEM((CH,), jnp.int32)] * 2,
        [pltpu.VMEM((CH, D), jnp.float32)] * 2,
        [pltpu.SemaphoreType.DMA] * 2,
        [pltpu.SemaphoreType.DMA] * 2,
    ]
    return pl.kernel(_seg_body,
                     out_type=jax.ShapeDtypeStruct((2 * ACC_ROWS, D), jnp.float32),
                     mesh=_sc_mesh(), scratch_types=scratch)


@functools.lru_cache(maxsize=None)
def _make_cnt_kernel():
    scratch = [
        pltpu.VMEM_SHARED((ACC_ROWS, D), jnp.float32),
        [pltpu.VMEM((CH,), jnp.int32)] * 2,
        pltpu.VMEM((CH, D), jnp.float32),
        [pltpu.SemaphoreType.DMA] * 2,
    ]
    return pl.kernel(_cnt_body,
                     out_type=jax.ShapeDtypeStruct((2 * ACC_ROWS, D), jnp.float32),
                     mesh=_sc_mesh(), scratch_types=scratch)



def _proj_body(x_ref, w_ref, b_ref, o_ref):
    o_ref[...] = jnp.dot(x_ref[...], w_ref[...],
                         preferred_element_type=jnp.float32,
                         precision=_HIGH) + b_ref[...]


def _tc_proj(x, w, b2):
    return pl.pallas_call(
        _proj_body,
        out_shape=jax.ShapeDtypeStruct((N_NODES, D), jnp.float32),
    )(x, w, b2)


def _conv_body(s0_ref, s1_ref, c0_ref, c1_ref, x_ref, wrel_ref, wroot_ref,
               b_ref, g_ref, be_ref, o_ref):
    s = s0_ref[...] + s1_ref[...]
    cnt = jnp.maximum(c0_ref[:, 0:1] + c1_ref[:, 0:1], 1.0)
    agg = jnp.dot(s, wrel_ref[...], preferred_element_type=jnp.float32,
                  precision=_HIGH) / cnt
    h = agg + jnp.dot(x_ref[...], wroot_ref[...],
                      preferred_element_type=jnp.float32,
                      precision=_HIGH) + b_ref[...]
    h = jnp.where(h > 0, h, jnp.exp(h) - 1.0)
    mu = jnp.mean(h, axis=-1, keepdims=True)
    var = jnp.mean((h - mu) ** 2, axis=-1, keepdims=True)
    o_ref[...] = (h - mu) / jnp.sqrt(var + 1e-5) * g_ref[...] + be_ref[...]


def _tc_conv(s0, s1, c0, c1, x, w_rel, w_root, b2, g2, be2):
    blk = 2000
    grid = N_NODES // blk
    return pl.pallas_call(
        _conv_body,
        grid=(grid,),
        in_specs=[
            pl.BlockSpec((blk, D), lambda i: (i, 0)),
            pl.BlockSpec((blk, D), lambda i: (i, 0)),
            pl.BlockSpec((blk, D), lambda i: (i, 0)),
            pl.BlockSpec((blk, D), lambda i: (i, 0)),
            pl.BlockSpec((blk, D), lambda i: (i, 0)),
            pl.BlockSpec((D, D), lambda i: (0, 0)),
            pl.BlockSpec((D, D), lambda i: (0, 0)),
            pl.BlockSpec((1, D), lambda i: (0, 0)),
            pl.BlockSpec((1, D), lambda i: (0, 0)),
            pl.BlockSpec((1, D), lambda i: (0, 0)),
        ],
        out_specs=pl.BlockSpec((blk, D), lambda i: (i, 0)),
        out_shape=jax.ShapeDtypeStruct((N_NODES, D), jnp.float32),
    )(s0, s1, c0, c1, x, w_rel, w_root, b2, g2, be2)


def _pool_body(x_ref, batch_ref, wh_ref, bh_ref, o_ref):
    b = batch_ref[...]
    gids = lax.broadcasted_iota(jnp.int32, (N_GRAPHS, N_NODES), 0)
    p = (gids == b).astype(jnp.float32)
    psum = jnp.dot(p, x_ref[...], preferred_element_type=jnp.float32,
                   precision=_HIGH)
    cnt_g = jnp.maximum(jnp.sum(p, axis=-1, keepdims=True), 1.0)
    pooled = psum / cnt_g
    o_ref[...] = jnp.dot(pooled, wh_ref[...], preferred_element_type=jnp.float32,
                         precision=_HIGH) + bh_ref[...]


def _tc_pool(x3, batch2, wh, bh2):
    return pl.pallas_call(
        _pool_body,
        out_shape=jax.ShapeDtypeStruct((N_GRAPHS, 2), jnp.float32),
    )(x3, batch2, wh, bh2)


def kernel(x_operator, edge_index_calledby, batch_operator, W_op, b_op,
           W_root, W_rel, b_conv, gamma, beta, W_mem, b_mem, W_time, b_time):
    src = edge_index_calledby[0].astype(jnp.int32)
    dst = edge_index_calledby[1].astype(jnp.int32)
    pad = E_PAD - N_EDGES
    src2 = jnp.concatenate([src, jnp.zeros((pad,), jnp.int32)]
                           ).reshape(NW * CHUNKS, CH)
    dst2 = jnp.concatenate([dst, jnp.full((pad,), N_NODES, jnp.int32)]
                           ).reshape(NW * CHUNKS, CH)
    batch2 = batch_operator.astype(jnp.int32).reshape(1, N_NODES)

    z2 = jnp.zeros((ZROWS, D), jnp.float32)
    on = jnp.ones((CH, D), jnp.float32)

    b2 = b_op.reshape(1, D)
    bc2 = b_conv.reshape(1, D)
    g2 = gamma.reshape(1, D)
    be2 = beta.reshape(1, D)
    wh = jnp.concatenate([W_mem, W_time], axis=1)
    bh2 = jnp.concatenate([b_mem, b_time]).reshape(1, 2)
    w_rel0 = W_rel[0]

    x1 = _tc_proj(x_operator, W_op, b2)
    cflat = _make_cnt_kernel()(dst2, z2, on)
    c0 = cflat[0:N_NODES]
    c1 = cflat[ACC_ROWS:ACC_ROWS + N_NODES]
    s1 = _make_seg_kernel()(x1, src2, dst2, z2)
    x2 = _tc_conv(s1[:N_NODES], s1[ACC_ROWS:ACC_ROWS + N_NODES],
                  c0, c1, x1, w_rel0, W_root, bc2, g2, be2)
    s2 = _make_seg_kernel()(x2, src2, dst2, z2)
    x3 = _tc_conv(s2[:N_NODES], s2[ACC_ROWS:ACC_ROWS + N_NODES],
                  c0, c1, x2, w_rel0, W_root, bc2, g2, be2)
    out = _tc_pool(x3, batch2, wh, bh2)
    return out[:, 0], out[:, 1]

# --- scband reference (transcript-rebuilt; emitter-appended) ---
"""Pipeline reference for scband-hetero-graph-rgcn-52974126629628 (READ-ONLY COPY).

The authoritative reference and input builder live on the scoring server;
editing this copy changes nothing except your own understanding.
"""

import jax, jax.numpy as jnp
import numpy as np

N_NODES = 10000
N_EDGES = 320000
D_FEAT = 128
HIDDEN = 128
OUT = 1
N_GRAPHS = 128
NUM_LAYERS = 2
NUM_REL = 1


def _layer_norm(x, gamma, beta, eps=1e-5):
    mu = x.mean(axis=-1, keepdims=True)
    var = ((x - mu) ** 2).mean(axis=-1, keepdims=True)
    return (x - mu) / jnp.sqrt(var + eps) * gamma + beta


def setup_inputs(seed: int = 0) -> dict:
    key = jax.random.key(seed)
    ks = jax.random.split(key, 12)
    x_operator = jax.random.normal(ks[0], (N_NODES, D_FEAT), dtype=jnp.float32)
    edge_index_calledby = jax.random.randint(ks[1], (2, N_EDGES), 0, N_NODES, dtype=jnp.int64)
    batch_operator = jnp.sort(jax.random.randint(ks[2], (N_NODES,), 0, N_GRAPHS, dtype=jnp.int64))
    s = 1.0 / np.sqrt(D_FEAT)
    W_op = jax.random.uniform(ks[3], (D_FEAT, HIDDEN), jnp.float32, -s, s)
    b_op = jnp.zeros((HIDDEN,), jnp.float32)
    sh = 1.0 / np.sqrt(HIDDEN)
    W_root = jax.random.uniform(ks[4], (HIDDEN, HIDDEN), jnp.float32, -sh, sh)
    W_rel = jax.random.uniform(ks[5], (NUM_REL, HIDDEN, HIDDEN), jnp.float32, -sh, sh)
    b_conv = jnp.zeros((HIDDEN,), jnp.float32)
    gamma = jnp.ones((HIDDEN,), jnp.float32)
    beta = jnp.zeros((HIDDEN,), jnp.float32)
    W_mem = jax.random.uniform(ks[6], (HIDDEN, OUT), jnp.float32, -sh, sh)
    b_mem = jnp.zeros((OUT,), jnp.float32)
    W_time = jax.random.uniform(ks[7], (HIDDEN, OUT), jnp.float32, -sh, sh)
    b_time = jnp.zeros((OUT,), jnp.float32)
    return {
        'x_operator': x_operator,
        'edge_index_calledby': edge_index_calledby,
        'batch_operator': batch_operator,
        'W_op': W_op, 'b_op': b_op,
        'W_root': W_root, 'W_rel': W_rel, 'b_conv': b_conv,
        'gamma': gamma, 'beta': beta,
        'W_mem': W_mem, 'b_mem': b_mem,
        'W_time': W_time, 'b_time': b_time,
    }


def reference(x_operator, edge_index_calledby, batch_operator, W_op, b_op, W_root, W_rel, b_conv, gamma, beta, W_mem, b_mem, W_time, b_time):
    # input projection for 'operator' nodes (only node type since encode_table_column=False)
    x = x_operator @ W_op + b_op
    src = edge_index_calledby[0]
    dst = edge_index_calledby[1]
    # RGCN conv with single relation ('operator','calledby','operator'), mean aggregation,
    # shared conv weights applied num_layers times (as in original module)
    ones_e = jnp.ones((N_EDGES,), jnp.float32)
    cnt = jax.ops.segment_sum(ones_e, dst, num_segments=N_NODES)
    cnt = jnp.maximum(cnt, 1.0)
    for _ in range(NUM_LAYERS):
        msg = x[src] @ W_rel[0]  # gather + per-relation transform
        agg = jax.ops.segment_sum(msg, dst, num_segments=N_NODES)  # scatter-add
        agg = agg / cnt[:, None]  # mean aggregation
        x = agg + x @ W_root + b_conv
        x = jax.nn.elu(x)
        x = _layer_norm(x, gamma, beta)
        # dropout p=0.0 -> identity
    # global mean pool over operator nodes per graph
    ones_n = jnp.ones((N_NODES,), jnp.float32)
    cnt_g = jnp.maximum(jax.ops.segment_sum(ones_n, batch_operator, num_segments=N_GRAPHS), 1.0)
    pooled = jax.ops.segment_sum(x, batch_operator, num_segments=N_GRAPHS) / cnt_g[:, None]
    mem_pred = (pooled @ W_mem + b_mem).squeeze()
    time_pred = (pooled @ W_time + b_time).squeeze()
    return (mem_pred, time_pred)

if __name__ == "__main__":
    import jax
    _d = setup_inputs()
    print(jax.jit(kernel)(*tuple(_d.values())))

</pallas_src>

<mosaic_0001>
#map = affine_map<(d0, d1) -> (0, 0)>
module attributes {stable_mosaic.version = 14 : i64} {
  func.func @_seg_body(%arg0: i32, %arg1: i32, %arg2: memref<10000x128xf32, #tpu.memory_space<hbm>>, %arg3: memref<2560x128xi32, #tpu.memory_space<hbm>>, %arg4: memref<2560x128xi32, #tpu.memory_space<hbm>>, %arg5: memref<640x128xf32, #tpu.memory_space<hbm>>, %arg6: memref<20480x128xf32, #tpu.memory_space<hbm>>, %arg7: memref<10240x128xf32, #tpu.memory_space<vmem_shared>>, %arg8: memref<128xi32, #tpu.memory_space<vmem>>, %arg9: memref<128xi32, #tpu.memory_space<vmem>>, %arg10: memref<128xi32, #tpu.memory_space<vmem>>, %arg11: memref<128xi32, #tpu.memory_space<vmem>>, %arg12: memref<128x128xf32, #tpu.memory_space<vmem>>, %arg13: memref<128x128xf32, #tpu.memory_space<vmem>>, %arg14: memref<!tpu.dma_semaphore, #tpu.memory_space<semaphore_mem>>, %arg15: memref<!tpu.dma_semaphore, #tpu.memory_space<semaphore_mem>>, %arg16: memref<!tpu.dma_semaphore, #tpu.memory_space<semaphore_mem>>, %arg17: memref<!tpu.dma_semaphore, #tpu.memory_space<semaphore_mem>>) attributes {dimension_semantics = [#tpu.dimension_semantics<core_parallel>, #tpu.dimension_semantics<subcore_parallel>], iteration_bounds = array<i64: 2, 16>, scalar_prefetch = 0 : i64, scratch_operands = 11 : i64, tpu.core_type = #tpu.core_type<sc_vector_subcore>, window_params = [{transform_indices = #map}, {transform_indices = #map}, {transform_indices = #map}, {transform_indices = #map}, {transform_indices = #map}]} {
    %eq3A = arith.constant 0 : i32
    %eq3A_0 = arith.cmpi eq, %arg0, %eq3A : i32
    %mul3A = arith.constant 136 : i32
    %mul3A_1 = arith.muli %arg1, %mul3A : i32
    %mul3A_2 = arith.constant 24 : i32
    %mul3A_3 = arith.muli %arg1, %mul3A_2 : i32
    %add3A = arith.constant 2176 : i32
    %add3A_4 = arith.addi %add3A, %mul3A_3 : i32
    %select_n3A = arith.select %eq3A_0, %mul3A_1, %add3A_4 : i32
    %eq3A_5 = arith.constant 0 : i32
    %eq3A_6 = arith.cmpi eq, %arg0, %eq3A_5 : i32
    %select_n3A_7 = arith.constant 24 : i32
    %select_n3A_8 = arith.constant 136 : i32
    %select_n3A_9 = arith.select %eq3A_6, %select_n3A_8, %select_n3A_7 : i32
    %mul3A_10 = arith.constant 640 : i32
    %mul3A_11 = arith.muli %arg1, %mul3A_10 : i32
    "tpu.region"() ({
      %run_scoped3A = tpu.sem_alloc : memref<!tpu.dma_semaphore, #tpu.memory_space<semaphore_mem>>
      %dma_start3A_122 = arith.constant 0 : i32
      %dma_start3A_123 = tpu.memref_slice %arg7[%mul3A_11, %dma_start3A_122] : memref<10240x128xf32, #tpu.memory_space<vmem_shared>> -> memref<640x128xf32, #tpu.memory_space<vmem_shared>>
      tpu.enqueue_dma source(%arg5 : memref<640x128xf32, #tpu.memory_space<hbm>>) target(%dma_start3A_123 : memref<640x128xf32, #tpu.memory_space<vmem_shared>>) target_semaphore(%run_scoped3A : memref<!tpu.dma_semaphore, #tpu.memory_space<semaphore_mem>>)
      %dma_wait3A_124 = arith.constant 0 : i32
      %dma_wait3A_125 = tpu.memref_slice %arg7[%mul3A_11, %dma_wait3A_124] : memref<10240x128xf32, #tpu.memory_space<vmem_shared>> -> memref<640x128xf32, #tpu.memory_space<vmem_shared>>
      tpu.wait_dma2 semaphore(%run_scoped3A : memref<!tpu.dma_semaphore, #tpu.memory_space<semaphore_mem>>) src(%arg5 : memref<640x128xf32, #tpu.memory_space<hbm>>) dst(%dma_wait3A_125 : memref<640x128xf32, #tpu.memory_space<vmem_shared>>)
      tpu.yield
    }) : () -> ()
    %barrier3A = arith.constant 0 : index
    tpu.barrier barrier_id(%barrier3A)
    %add3A_12 = arith.constant 0 : i32
    %add3A_13 = arith.addi %select_n3A, %add3A_12 : i32
    %dma_start3A = arith.constant 0 : i32
    %dma_start3A_14 = tpu.memref_slice %arg3[%add3A_13, %dma_start3A] : memref<2560x128xi32, #tpu.memory_space<hbm>> -> memref<1x128xi32, #tpu.memory_space<hbm>>
    %dma_start3A_15 = tpu.memref_squeeze %dma_start3A_14 : memref<1x128xi32, #tpu.memory_space<hbm>> -> memref<128xi32, #tpu.memory_space<hbm>>
    %dma_start3A_16 = arith.constant 0 : i32
    %dma_start3A_17 = tpu.memref_slice %arg3[%add3A_13, %dma_start3A_16] : memref<2560x128xi32, #tpu.memory_space<hbm>> -> memref<1x128xi32, #tpu.memory_space<hbm>>
    %dma_start3A_18 = tpu.memref_squeeze %dma_start3A_17 : memref<1x128xi32, #tpu.memory_space<hbm>> -> memref<128xi32, #tpu.memory_space<hbm>>
    tpu.enqueue_dma source(%dma_start3A_18 : memref<128xi32, #tpu.memory_space<hbm>>) target(%arg8 : memref<128xi32, #tpu.memory_space<vmem>>) target_semaphore(%arg16 : memref<!tpu.dma_semaphore, #tpu.memory_space<semaphore_mem>>)
    %add3A_19 = arith.constant 0 : i32
    %add3A_20 = arith.addi %select_n3A, %add3A_19 : i32
    %dma_start3A_21 = arith.constant 0 : i32
    %dma_start3A_22 = tpu.memref_slice %arg4[%add3A_20, %dma_start3A_21] : memref<2560x128xi32, #tpu.memory_space<hbm>> -> memref<1x128xi32, #tpu.memory_space<hbm>>
    %dma_start3A_23 = tpu.memref_squeeze %dma_start3A_22 : memref<1x128xi32, #tpu.memory_space<hbm>> -> memref<128xi32, #tpu.memory_space<hbm>>
    %dma_start3A_24 = arith.constant 0 : i32
    %dma_start3A_25 = tpu.memref_slice %arg4[%add3A_20, %dma_start3A_24] : memref<2560x128xi32, #tpu.memory_space<hbm>> -> memref<1x128xi32, #tpu.memory_space<hbm>>
    %dma_start3A_26 = tpu.memref_squeeze %dma_start3A_25 : memref<1x128xi32, #tpu.memory_space<hbm>> -> memref<128xi32, #tpu.memory_space<hbm>>
    tpu.enqueue_dma source(%dma_start3A_26 : memref<128xi32, #tpu.memory_space<hbm>>) target(%arg10 : memref<128xi32, #tpu.memory_space<vmem>>) target_semaphore(%arg16 : memref<!tpu.dma_semaphore, #tpu.memory_space<semaphore_mem>>)
    %add3A_27 = arith.constant 1 : i32
    %add3A_28 = arith.addi %select_n3A, %add3A_27 : i32
    %dma_start3A_29 = arith.constant 0 : i32
    %dma_start3A_30 = tpu.memref_slice %arg3[%add3A_28, %dma_start3A_29] : memref<2560x128xi32, #tpu.memory_space<hbm>> -> memref<1x128xi32, #tpu.memory_space<hbm>>
    %dma_start3A_31 = tpu.memref_squeeze %dma_start3A_30 : memref<1x128xi32, #tpu.memory_space<hbm>> -> memref<128xi32, #tpu.memory_space<hbm>>
    %dma_start3A_32 = arith.constant 0 : i32
    %dma_start3A_33 = tpu.memref_slice %arg3[%add3A_28, %dma_start3A_32] : memref<2560x128xi32, #tpu.memory_space<hbm>> -> memref<1x128xi32, #tpu.memory_space<hbm>>
    %dma_start3A_34 = tpu.memref_squeeze %dma_start3A_33 : memref<1x128xi32, #tpu.memory_space<hbm>> -> memref<128xi32, #tpu.memory_space<hbm>>
    tpu.enqueue_dma source(%dma_start3A_34 : memref<128xi32, #tpu.memory_space<hbm>>) target(%arg9 : memref<128xi32, #tpu.memory_space<vmem>>) target_semaphore(%arg17 : memref<!tpu.dma_semaphore, #tpu.memory_space<semaphore_mem>>)
    %add3A_35 = arith.constant 1 : i32
    %add3A_36 = arith.addi %select_n3A, %add3A_35 : i32
    %dma_start3A_37 = arith.constant 0 : i32
    %dma_start3A_38 = tpu.memref_slice %arg4[%add3A_36, %dma_start3A_37] : memref<2560x128xi32, #tpu.memory_space<hbm>> -> memref<1x128xi32, #tpu.memory_space<hbm>>
    %dma_start3A_39 = tpu.memref_squeeze %dma_start3A_38 : memref<1x128xi32, #tpu.memory_space<hbm>> -> memref<128xi32, #tpu.memory_space<hbm>>
    %dma_start3A_40 = arith.constant 0 : i32
    %dma_start3A_41 = tpu.memref_slice %arg4[%add3A_36, %dma_start3A_40] : memref<2560x128xi32, #tpu.memory_space<hbm>> -> memref<1x128xi32, #tpu.memory_space<hbm>>
    %dma_start3A_42 = tpu.memref_squeeze %dma_start3A_41 : memref<1x128xi32, #tpu.memory_space<hbm>> -> memref<128xi32, #tpu.memory_space<hbm>>
    tpu.enqueue_dma source(%dma_start3A_42 : memref<128xi32, #tpu.memory_space<hbm>>) target(%arg11 : memref<128xi32, #tpu.memory_space<vmem>>) target_semaphore(%arg17 : memref<!tpu.dma_semaphore, #tpu.memory_space<semaphore_mem>>)
    %add3A_43 = arith.constant 0 : i32
    %add3A_44 = arith.addi %select_n3A, %add3A_43 : i32
    %dma_wait3A = arith.constant 0 : i32
    %dma_wait3A_45 = tpu.memref_slice %arg3[%add3A_44, %dma_wait3A] : memref<2560x128xi32, #tpu.memory_space<hbm>> -> memref<1x128xi32, #tpu.memory_space<hbm>>
    %dma_wait3A_46 = tpu.memref_squeeze %dma_wait3A_45 : memref<1x128xi32, #tpu.memory_space<hbm>> -> memref<128xi32, #tpu.memory_space<hbm>>
    %dma_wait3A_47 = arith.constant 0 : i32
    %dma_wait3A_48 = tpu.memref_slice %arg3[%add3A_44, %dma_wait3A_47] : memref<2560x128xi32, #tpu.memory_space<hbm>> -> memref<1x128xi32, #tpu.memory_space<hbm>>
    %dma_wait3A_49 = tpu.memref_squeeze %dma_wait3A_48 : memref<1x128xi32, #tpu.memory_space<hbm>> -> memref<128xi32, #tpu.memory_space<hbm>>
    tpu.wait_dma2 semaphore(%arg16 : memref<!tpu.dma_semaphore, #tpu.memory_space<semaphore_mem>>) src(%dma_wait3A_49 : memref<128xi32, #tpu.memory_space<hbm>>) dst(%arg8 : memref<128xi32, #tpu.memory_space<vmem>>)
    %add3A_50 = arith.constant 0 : i32
    %add3A_51 = arith.addi %select_n3A, %add3A_50 : i32
    %dma_wait3A_52 = arith.constant 0 : i32
    %dma_wait3A_53 = tpu.memref_slice %arg4[%add3A_51, %dma_wait3A_52] : memref<2560x128xi32, #tpu.memory_space<hbm>> -> memref<1x128xi32, #tpu.memory_space<hbm>>
    %dma_wait3A_54 = tpu.memref_squeeze %dma_wait3A_53 : memref<1x128xi32, #tpu.memory_space<hbm>> -> memref<128xi32, #tpu.memory_space<hbm>>
    %dma_wait3A_55 = arith.constant 0 : i32
    %dma_wait3A_56 = tpu.memref_slice %arg4[%add3A_51, %dma_wait3A_55] : memref<2560x128xi32, #tpu.memory_space<hbm>> -> memref<1x128xi32, #tpu.memory_space<hbm>>
    %dma_wait3A_57 = tpu.memref_squeeze %dma_wait3A_56 : memref<1x128xi32, #tpu.memory_space<hbm>> -> memref<128xi32, #tpu.memory_space<hbm>>
    tpu.wait_dma2 semaphore(%arg16 : memref<!tpu.dma_semaphore, #tpu.memory_space<semaphore_mem>>) src(%dma_wait3A_57 : memref<128xi32, #tpu.memory_space<hbm>>) dst(%arg10 : memref<128xi32, #tpu.memory_space<vmem>>)
    %dma_start3A_58 = arith.constant 0 : i32
    %dma_start3A_59 = arith.constant 0 : i32
    %dma_start3A_60 = tpu.memref_slice %arg2[%dma_start3A_58, %dma_start3A_59] : memref<10000x128xf32, #tpu.memory_space<hbm>> -> memref<10000x128xf32, #tpu.memory_space<hbm>>
    tpu.enqueue_indirect_dma source(%dma_start3A_60 : memref<10000x128xf32, #tpu.memory_space<hbm>>) target(%arg12 : memref<128x128xf32, #tpu.memory_space<vmem>>) offsets(%arg8 : memref<128xi32, #tpu.memory_space<vmem>>) semaphore(%arg14 : memref<!tpu.dma_semaphore, #tpu.memory_space<semaphore_mem>>)
    %add3A_61 = arith.constant 1 : i32
    %add3A_62 = arith.addi %select_n3A, %add3A_61 : i32
    %dma_wait3A_63 = arith.constant 0 : i32
    %dma_wait3A_64 = tpu.memref_slice %arg3[%add3A_62, %dma_wait3A_63] : memref<2560x128xi32, #tpu.memory_space<hbm>> -> memref<1x128xi32, #tpu.memory_space<hbm>>
    %dma_wait3A_65 = tpu.memref_squeeze %dma_wait3A_64 : memref<1x128xi32, #tpu.memory_space<hbm>> -> memref<128xi32, #tpu.memory_space<hbm>>
    %dma_wait3A_66 = arith.constant 0 : i32
    %dma_wait3A_67 = tpu.memref_slice %arg3[%add3A_62, %dma_wait3A_66] : memref<2560x128xi32, #tpu.memory_space<hbm>> -> memref<1x128xi32, #tpu.memory_space<hbm>>
    %dma_wait3A_68 = tpu.memref_squeeze %dma_wait3A_67 : memref<1x128xi32, #tpu.memory_space<hbm>> -> memref<128xi32, #tpu.memory_space<hbm>>
    tpu.wait_dma2 semaphore(%arg17 : memref<!tpu.dma_semaphore, #tpu.memory_space<semaphore_mem>>) src(%dma_wait3A_68 : memref<128xi32, #tpu.memory_space<hbm>>) dst(%arg9 : memref<128xi32, #tpu.memory_space<vmem>>)
    %add3A_69 = arith.constant 1 : i32
    %add3A_70 = arith.addi %select_n3A, %add3A_69 : i32
    %dma_wait3A_71 = arith.constant 0 : i32
    %dma_wait3A_72 = tpu.memref_slice %arg4[%add3A_70, %dma_wait3A_71] : memref<2560x128xi32, #tpu.memory_space<hbm>> -> memref<1x128xi32, #tpu.memory_space<hbm>>
    %dma_wait3A_73 = tpu.memref_squeeze %dma_wait3A_72 : memref<1x128xi32, #tpu.memory_space<hbm>> -> memref<128xi32, #tpu.memory_space<hbm>>
    %dma_wait3A_74 = arith.constant 0 : i32
    %dma_wait3A_75 = tpu.memref_slice %arg4[%add3A_70, %dma_wait3A_74] : memref<2560x128xi32, #tpu.memory_space<hbm>> -> memref<1x128xi32, #tpu.memory_space<hbm>>
    %dma_wait3A_76 = tpu.memref_squeeze %dma_wait3A_75 : memref<1x128xi32, #tpu.memory_space<hbm>> -> memref<128xi32, #tpu.memory_space<hbm>>
    tpu.wait_dma2 semaphore(%arg17 : memref<!tpu.dma_semaphore, #tpu.memory_space<semaphore_mem>>) src(%dma_wait3A_76 : memref<128xi32, #tpu.memory_space<hbm>>) dst(%arg11 : memref<128xi32, #tpu.memory_space<vmem>>)
    %jit3A = arith.constant 2 : i32
    %div3A = arith.divsi %select_n3A_9, %jit3A : i32
    %sign3A = arith.constant 0 : i32
    %sign3A_77 = arith.cmpi sgt, %select_n3A_9, %sign3A : i32
    %sign3A_78 = arith.extui %sign3A_77 : i1 to i32
    %sign3A_79 = arith.constant 0 : i32
    %sign3A_80 = arith.cmpi slt, %select_n3A_9, %sign3A_79 : i32
    %sign3A_81 = arith.extui %sign3A_80 : i1 to i32
    %sign3A_82 = arith.subi %sign3A_78, %sign3A_81 : i32
    %sign3A_83 = arith.constant 0 : i32
    %sign3A_84 = arith.cmpi sgt, %jit3A, %sign3A_83 : i32
    %sign3A_85 = arith.extui %sign3A_84 : i1 to i32
    %sign3A_86 = arith.constant 0 : i32
    %sign3A_87 = arith.cmpi slt, %jit3A, %sign3A_86 : i32
    %sign3A_88 = arith.extui %sign3A_87 : i1 to i32
    %sign3A_89 = arith.subi %sign3A_85, %sign3A_88 : i32
    %ne3A = arith.cmpi ne, %sign3A_82, %sign3A_89 : i32
    %rem3A = arith.remsi %select_n3A_9, %jit3A : i32
    %ne3A_90 = arith.constant 0 : i32
    %ne3A_91 = arith.cmpi ne, %rem3A, %ne3A_90 : i32
    %and3A = arith.andi %ne3A, %ne3A_91 : i1
    %sub3A = arith.constant 1 : i32
    %sub3A_92 = arith.subi %div3A, %sub3A : i32
    %select_n3A_93 = arith.select %and3A, %sub3A_92, %div3A : i32
    %sub3A_94 = arith.constant 1 : i32
    %sub3A_95 = arith.subi %select_n3A_93, %sub3A_94 : i32
    %while3A = arith.constant 0 : i32
    %while3A_96 = arith.constant 0 : i32
    %while3A_97 = arith.subi %sub3A_95, %while3A_96 : i32
    %while3A_98 = arith.addi %while3A_96, %while3A_97 : i32
    %while3A_99 = arith.constant 1 : i32
    %while3A_100 = arith.divsi %while3A_97, %while3A_99 : i32
    %while3A_101 = arith.muli %while3A_100, %while3A_99 : i32
    %while3A_102 = arith.addi %while3A_96, %while3A_101 : i32
    %while3A_103 = arith.constant 1 : i32
    scf.for %while3A_122 = %while3A_96 to %while3A_102 step %while3A_103  : i32 {
      %mul3A_123 = arith.constant 2 : i32
      %mul3A_124 = arith.muli %mul3A_123, %while3A_122 : i32
      %dma_start3A_125 = arith.constant 0 : i32
      %dma_start3A_126 = arith.constant 0 : i32
      %dma_start3A_127 = tpu.memref_slice %arg2[%dma_start3A_125, %dma_start3A_126] : memref<10000x128xf32, #tpu.memory_space<hbm>> -> memref<10000x128xf32, #tpu.memory_space<hbm>>
      tpu.enqueue_indirect_dma source(%dma_start3A_127 : memref<10000x128xf32, #tpu.memory_space<hbm>>) target(%arg13 : memref<128x128xf32, #tpu.memory_space<vmem>>) offsets(%arg9 : memref<128xi32, #tpu.memory_space<vmem>>) semaphore(%arg15 : memref<!tpu.dma_semaphore, #tpu.memory_space<semaphore_mem>>)
      %dma_wait3A_128 = arith.constant 0 : i32
      %dma_wait3A_129 = arith.constant 0 : i32
      %dma_wait3A_130 = tpu.memref_slice %arg2[%dma_wait3A_128, %dma_wait3A_129] : memref<10000x128xf32, #tpu.memory_space<hbm>> -> memref<10000x128xf32, #tpu.memory_space<hbm>>
      tpu.wait_indirect_dma semaphore(%arg14 : memref<!tpu.dma_semaphore, #tpu.memory_space<semaphore_mem>>) src(%dma_wait3A_130 : memref<10000x128xf32, #tpu.memory_space<hbm>>) dst(%arg12 : memref<128x128xf32, #tpu.memory_space<vmem>>)
      %add3A_131 = arith.addi %select_n3A, %mul3A_124 : i32
      %add3A_132 = arith.constant 2 : i32
      %add3A_133 = arith.addi %add3A_131, %add3A_132 : i32
      %dma_start3A_134 = arith.constant 0 : i32
      %dma_start3A_135 = tpu.memref_slice %arg3[%add3A_133, %dma_start3A_134] : memref<2560x128xi32, #tpu.memory_space<hbm>> -> memref<1x128xi32, #tpu.memory_space<hbm>>
      %dma_start3A_136 = tpu.memref_squeeze %dma_start3A_135 : memref<1x128xi32, #tpu.memory_space<hbm>> -> memref<128xi32, #tpu.memory_space<hbm>>
      %dma_start3A_137 = arith.constant 0 : i32
      %dma_start3A_138 = tpu.memref_slice %arg3[%add3A_133, %dma_start3A_137] : memref<2560x128xi32, #tpu.memory_space<hbm>> -> memref<1x128xi32, #tpu.memory_space<hbm>>
      %dma_start3A_139 = tpu.memref_squeeze %dma_start3A_138 : memref<1x128xi32, #tpu.memory_space<hbm>> -> memref<128xi32, #tpu.memory_space<hbm>>
      tpu.enqueue_dma source(%dma_start3A_139 : memref<128xi32, #tpu.memory_space<hbm>>) target(%arg8 : memref<128xi32, #tpu.memory_space<vmem>>) target_semaphore(%arg16 : memref<!tpu.dma_semaphore, #tpu.memory_space<semaphore_mem>>)
      "tpu.region"() ({
        %run_scoped3A = tpu.sem_alloc : memref<!tpu.dma_semaphore, #tpu.memory_space<semaphore_mem>>
        %dma_start3A_205 = arith.constant 0 : i32
        %dma_start3A_206 = arith.constant 0 : i32
        %dma_start3A_207 = tpu.memref_slice %arg7[%dma_start3A_205, %dma_start3A_206] : memref<10240x128xf32, #tpu.memory_space<vmem_shared>> -> memref<10240x128xf32, #tpu.memory_space<vmem_shared>>
        tpu.enqueue_indirect_dma source(%arg12 : memref<128x128xf32, #tpu.memory_space<vmem>>) target(%dma_start3A_207 : memref<10240x128xf32, #tpu.memory_space<vmem_shared>>) offsets(%arg10 : memref<128xi32, #tpu.memory_space<vmem>>) semaphore(%run_scoped3A : memref<!tpu.dma_semaphore, #tpu.memory_space<semaphore_mem>>) {add = true}
        %dma_wait3A_208 = arith.constant 0 : i32
        %dma_wait3A_209 = arith.constant 0 : i32
        %dma_wait3A_210 = tpu.memref_slice %arg7[%dma_wait3A_208, %dma_wait3A_209] : memref<10240x128xf32, #tpu.memory_space<vmem_shared>> -> memref<10240x128xf32, #tpu.memory_space<vmem_shared>>
        tpu.wait_indirect_dma semaphore(%run_scoped3A : memref<!tpu.dma_semaphore, #tpu.memory_space<semaphore_mem>>) src(%arg12 : memref<128x128xf32, #tpu.memory_space<vmem>>) dst(%dma_wait3A_210 : memref<10240x128xf32, #tpu.memory_space<vmem_shared>>)
        tpu.yield
      }) : () -> ()
      %add3A_140 = arith.addi %select_n3A, %mul3A_124 : i32
      %add3A_141 = arith.constant 2 : i32
      %add3A_142 = arith.addi %add3A_140, %add3A_141 : i32
      %dma_start3A_143 = arith.constant 0 : i32
      %dma_start3A_144 = tpu.memref_slice %arg4[%add3A_142, %dma_start3A_143] : memref<2560x128xi32, #tpu.memory_space<hbm>> -> memref<1x128xi32, #tpu.memory_space<hbm>>
      %dma_start3A_145 = tpu.memref_squeeze %dma_start3A_144 : memref<1x128xi32, #tpu.memory_space<hbm>> -> memref<128xi32, #tpu.memory_space<hbm>>
      %dma_start3A_146 = arith.constant 0 : i32
      %dma_start3A_147 = tpu.memref_slice %arg4[%add3A_142, %dma_start3A_146] : memref<2560x128xi32, #tpu.memory_space<hbm>> -> memref<1x128xi32, #tpu.memory_space<hbm>>
      %dma_start3A_148 = tpu.memref_squeeze %dma_start3A_147 : memref<1x128xi32, #tpu.memory_space<hbm>> -> memref<128xi32, #tpu.memory_space<hbm>>
      tpu.enqueue_dma source(%dma_start3A_148 : memref<128xi32, #tpu.memory_space<hbm>>) target(%arg10 : memref<128xi32, #tpu.memory_space<vmem>>) target_semaphore(%arg16 : memref<!tpu.dma_semaphore, #tpu.memory_space<semaphore_mem>>)
      %add3A_149 = arith.constant 2 : i32
      %add3A_150 = arith.addi %mul3A_124, %add3A_149 : i32
      %add3A_151 = arith.addi %select_n3A, %add3A_150 : i32
      %dma_wait3A_152 = arith.constant 0 : i32
      %dma_wait3A_153 = tpu.memref_slice %arg3[%add3A_151, %dma_wait3A_152] : memref<2560x128xi32, #tpu.memory_space<hbm>> -> memref<1x128xi32, #tpu.memory_space<hbm>>
      %dma_wait3A_154 = tpu.memref_squeeze %dma_wait3A_153 : memref<1x128xi32, #tpu.memory_space<hbm>> -> memref<128xi32, #tpu.memory_space<hbm>>
      %dma_wait3A_155 = arith.constant 0 : i32
      %dma_wait3A_156 = tpu.memref_slice %arg3[%add3A_151, %dma_wait3A_155] : memref<2560x128xi32, #tpu.memory_space<hbm>> -> memref<1x128xi32, #tpu.memory_space<hbm>>
      %dma_wait3A_157 = tpu.memref_squeeze %dma_wait3A_156 : memref<1x128xi32, #tpu.memory_space<hbm>> -> memref<128xi32, #tpu.memory_space<hbm>>
      tpu.wait_dma2 semaphore(%arg16 : memref<!tpu.dma_semaphore, #tpu.memory_space<semaphore_mem>>) src(%dma_wait3A_157 : memref<128xi32, #tpu.memory_space<hbm>>) dst(%arg8 : memref<128xi32, #tpu.memory_space<vmem>>)
      %add3A_158 = arith.addi %select_n3A, %add3A_150 : i32
      %dma_wait3A_159 = arith.constant 0 : i32
      %dma_wait3A_160 = tpu.memref_slice %arg4[%add3A_158, %dma_wait3A_159] : memref<2560x128xi32, #tpu.memory_space<hbm>> -> memref<1x128xi32, #tpu.memory_space<hbm>>
      %dma_wait3A_161 = tpu.memref_squeeze %dma_wait3A_160 : memref<1x128xi32, #tpu.memory_space<hbm>> -> memref<128xi32, #tpu.memory_space<hbm>>
      %dma_wait3A_162 = arith.constant 0 : i32
      %dma_wait3A_163 = tpu.memref_slice %arg4[%add3A_158, %dma_wait3A_162] : memref<2560x128xi32, #tpu.memory_space<hbm>> -> memref<1x128xi32, #tpu.memory_space<hbm>>
      %dma_wait3A_164 = tpu.memref_squeeze %dma_wait3A_163 : memref<1x128xi32, #tpu.memory_space<hbm>> -> memref<128xi32, #tpu.memory_space<hbm>>
      tpu.wait_dma2 semaphore(%arg16 : memref<!tpu.dma_semaphore, #tpu.memory_space<semaphore_mem>>) src(%dma_wait3A_164 : memref<128xi32, #tpu.memory_space<hbm>>) dst(%arg10 : memref<128xi32, #tpu.memory_space<vmem>>)
      %dma_start3A_165 = arith.constant 0 : i32
      %dma_start3A_166 = arith.constant 0 : i32
      %dma_start3A_167 = tpu.memref_slice %arg2[%dma_start3A_165, %dma_start3A_166] : memref<10000x128xf32, #tpu.memory_space<hbm>> -> memref<10000x128xf32, #tpu.memory_space<hbm>>
      tpu.enqueue_indirect_dma source(%dma_start3A_167 : memref<10000x128xf32, #tpu.memory_space<hbm>>) target(%arg12 : memref<128x128xf32, #tpu.memory_space<vmem>>) offsets(%arg8 : memref<128xi32, #tpu.memory_space<vmem>>) semaphore(%arg14 : memref<!tpu.dma_semaphore, #tpu.memory_space<semaphore_mem>>)
      %dma_wait3A_168 = arith.constant 0 : i32
      %dma_wait3A_169 = arith.constant 0 : i32
      %dma_wait3A_170 = tpu.memref_slice %arg2[%dma_wait3A_168, %dma_wait3A_169] : memref<10000x128xf32, #tpu.memory_space<hbm>> -> memref<10000x128xf32, #tpu.memory_space<hbm>>
      tpu.wait_indirect_dma semaphore(%arg15 : memref<!tpu.dma_semaphore, #tpu.memory_space<semaphore_mem>>) src(%dma_wait3A_170 : memref<10000x128xf32, #tpu.memory_space<hbm>>) dst(%arg13 : memref<128x128xf32, #tpu.memory_space<vmem>>)
      %add3A_171 = arith.addi %select_n3A, %mul3A_124 : i32
      %add3A_172 = arith.constant 3 : i32
      %add3A_173 = arith.addi %add3A_171, %add3A_172 : i32
      %dma_start3A_174 = arith.constant 0 : i32
      %dma_start3A_175 = tpu.memref_slice %arg3[%add3A_173, %dma_start3A_174] : memref<2560x128xi32, #tpu.memory_space<hbm>> -> memref<1x128xi32, #tpu.memory_space<hbm>>
      %dma_start3A_176 = tpu.memref_squeeze %dma_start3A_175 : memref<1x128xi32, #tpu.memory_space<hbm>> -> memref<128xi32, #tpu.memory_space<hbm>>
      %dma_start3A_177 = arith.constant 0 : i32
      %dma_start3A_178 = tpu.memref_slice %arg3[%add3A_173, %dma_start3A_177] : memref<2560x128xi32, #tpu.memory_space<hbm>> -> memref<1x128xi32, #tpu.memory_space<hbm>>
      %dma_start3A_179 = tpu.memref_squeeze %dma_start3A_178 : memref<1x128xi32, #tpu.memory_space<hbm>> -> memref<128xi32, #tpu.memory_space<hbm>>
      tpu.enqueue_dma source(%dma_start3A_179 : memref<128xi32, #tpu.memory_space<hbm>>) target(%arg9 : memref<128xi32, #tpu.memory_space<vmem>>) target_semaphore(%arg17 : memref<!tpu.dma_semaphore, #tpu.memory_space<semaphore_mem>>)
      "tpu.region"() ({
        %run_scoped3A = tpu.sem_alloc : memref<!tpu.dma_semaphore, #tpu.memory_space<semaphore_mem>>
        %dma_start3A_205 = arith.constant 0 : i32
        %dma_start3A_206 = arith.constant 0 : i32
        %dma_start3A_207 = tpu.memref_slice %arg7[%dma_start3A_205, %dma_start3A_206] : memref<10240x128xf32, #tpu.memory_space<vmem_shared>> -> memref<10240x128xf32, #tpu.memory_space<vmem_shared>>
        tpu.enqueue_indirect_dma source(%arg13 : memref<128x128xf32, #tpu.memory_space<vmem>>) target(%dma_start3A_207 : memref<10240x128xf32, #tpu.memory_space<vmem_shared>>) offsets(%arg11 : memref<128xi32, #tpu.memory_space<vmem>>) semaphore(%run_scoped3A : memref<!tpu.dma_semaphore, #tpu.memory_space<semaphore_mem>>) {add = true}
        %dma_wait3A_208 = arith.constant 0 : i32
        %dma_wait3A_209 = arith.constant 0 : i32
        %dma_wait3A_210 = tpu.memref_slice %arg7[%dma_wait3A_208, %dma_wait3A_209] : memref<10240x128xf32, #tpu.memory_space<vmem_shared>> -> memref<10240x128xf32, #tpu.memory_space<vmem_shared>>
        tpu.wait_indirect_dma semaphore(%run_scoped3A : memref<!tpu.dma_semaphore, #tpu.memory_space<semaphore_mem>>) src(%arg13 : memref<128x128xf32, #tpu.memory_space<vmem>>) dst(%dma_wait3A_210 : memref<10240x128xf32, #tpu.memory_space<vmem_shared>>)
        tpu.yield
      }) : () -> ()
      %add3A_180 = arith.addi %select_n3A, %mul3A_124 : i32
      %add3A_181 = arith.constant 3 : i32
      %add3A_182 = arith.addi %add3A_180, %add3A_181 : i32
      %dma_start3A_183 = arith.constant 0 : i32
      %dma_start3A_184 = tpu.memref_slice %arg4[%add3A_182, %dma_start3A_183] : memref<2560x128xi32, #tpu.memory_space<hbm>> -> memref<1x128xi32, #tpu.memory_space<hbm>>
      %dma_start3A_185 = tpu.memref_squeeze %dma_start3A_184 : memref<1x128xi32, #tpu.memory_space<hbm>> -> memref<128xi32, #tpu.memory_space<hbm>>
      %dma_start3A_186 = arith.constant 0 : i32
      %dma_start3A_187 = tpu.memref_slice %arg4[%add3A_182, %dma_start3A_186] : memref<2560x128xi32, #tpu.memory_space<hbm>> -> memref<1x128xi32, #tpu.memory_space<hbm>>
      %dma_start3A_188 = tpu.memref_squeeze %dma_start3A_187 : memref<1x128xi32, #tpu.memory_space<hbm>> -> memref<128xi32, #tpu.memory_space<hbm>>
      tpu.enqueue_dma source(%dma_start3A_188 : memref<128xi32, #tpu.memory_space<hbm>>) target(%arg11 : memref<128xi32, #tpu.memory_space<vmem>>) target_semaphore(%arg17 : memref<!tpu.dma_semaphore, #tpu.memory_space<semaphore_mem>>)
      %add3A_189 = arith.constant 3 : i32
      %add3A_190 = arith.addi %mul3A_124, %add3A_189 : i32
      %add3A_191 = arith.addi %select_n3A, %add3A_190 : i32
      %dma_wait3A_192 = arith.constant 0 : i32
      %dma_wait3A_193 = tpu.memref_slice %arg3[%add3A_191, %dma_wait3A_192] : memref<2560x128xi32, #tpu.memory_space<hbm>> -> memref<1x128xi32, #tpu.memory_space<hbm>>
      %dma_wait3A_194 = tpu.memref_squeeze %dma_wait3A_193 : memref<1x128xi32, #tpu.memory_space<hbm>> -> memref<128xi32, #tpu.memory_space<hbm>>
      %dma_wait3A_195 = arith.constant 0 : i32
      %dma_wait3A_196 = tpu.memref_slice %arg3[%add3A_191, %dma_wait3A_195] : memref<2560x128xi32, #tpu.memory_space<hbm>> -> memref<1x128xi32, #tpu.memory_space<hbm>>
      %dma_wait3A_197 = tpu.memref_squeeze %dma_wait3A_196 : memref<1x128xi32, #tpu.memory_space<hbm>> -> memref<128xi32, #tpu.memory_space<hbm>>
      tpu.wait_dma2 semaphore(%arg17 : memref<!tpu.dma_semaphore, #tpu.memory_space<semaphore_mem>>) src(%dma_wait3A_197 : memref<128xi32, #tpu.memory_space<hbm>>) dst(%arg9 : memref<128xi32, #tpu.memory_space<vmem>>)
      %add3A_198 = arith.addi %select_n3A, %add3A_190 : i32
      %dma_wait3A_199 = arith.constant 0 : i32
      %dma_wait3A_200 = tpu.memref_slice %arg4[%add3A_198, %dma_wait3A_199] : memref<2560x128xi32, #tpu.memory_space<hbm>> -> memref<1x128xi32, #tpu.memory_space<hbm>>
      %dma_wait3A_201 = tpu.memref_squeeze %dma_wait3A_200 : memref<1x128xi32, #tpu.memory_space<hbm>> -> memref<128xi32, #tpu.memory_space<hbm>>
      %dma_wait3A_202 = arith.constant 0 : i32
      %dma_wait3A_203 = tpu.memref_slice %arg4[%add3A_198, %dma_wait3A_202] : memref<2560x128xi32, #tpu.memory_space<hbm>> -> memref<1x128xi32, #tpu.memory_space<hbm>>
      %dma_wait3A_204 = tpu.memref_squeeze %dma_wait3A_203 : memref<1x128xi32, #tpu.memory_space<hbm>> -> memref<128xi32, #tpu.memory_space<hbm>>
      tpu.wait_dma2 semaphore(%arg17 : memref<!tpu.dma_semaphore, #tpu.memory_space<semaphore_mem>>) src(%dma_wait3A_204 : memref<128xi32, #tpu.memory_space<hbm>>) dst(%arg11 : memref<128xi32, #tpu.memory_space<vmem>>)
    }
    %while3A_104 = arith.constant 1 : i32
    scf.for %while3A_122 = %while3A_102 to %while3A_98 step %while3A_104  : i32 {
      %mul3A_123 = arith.constant 2 : i32
      %mul3A_124 = arith.muli %mul3A_123, %while3A_122 : i32
      %dma_start3A_125 = arith.constant 0 : i32
      %dma_start3A_126 = arith.constant 0 : i32
      %dma_start3A_127 = tpu.memref_slice %arg2[%dma_start3A_125, %dma_start3A_126] : memref<10000x128xf32, #tpu.memory_space<hbm>> -> memref<10000x128xf32, #tpu.memory_space<hbm>>
      tpu.enqueue_indirect_dma source(%dma_start3A_127 : memref<10000x128xf32, #tpu.memory_space<hbm>>) target(%arg13 : memref<128x128xf32, #tpu.memory_space<vmem>>) offsets(%arg9 : memref<128xi32, #tpu.memory_space<vmem>>) semaphore(%arg15 : memref<!tpu.dma_semaphore, #tpu.memory_space<semaphore_mem>>)
      %dma_wait3A_128 = arith.constant 0 : i32
      %dma_wait3A_129 = arith.constant 0 : i32
      %dma_wait3A_130 = tpu.memref_slice %arg2[%dma_wait3A_128, %dma_wait3A_129] : memref<10000x128xf32, #tpu.memory_space<hbm>> -> memref<10000x128xf32, #tpu.memory_space<hbm>>
      tpu.wait_indirect_dma semaphore(%arg14 : memref<!tpu.dma_semaphore, #tpu.memory_space<semaphore_mem>>) src(%dma_wait3A_130 : memref<10000x128xf32, #tpu.memory_space<hbm>>) dst(%arg12 : memref<128x128xf32, #tpu.memory_space<vmem>>)
      %add3A_131 = arith.addi %select_n3A, %mul3A_124 : i32
      %add3A_132 = arith.constant 2 : i32
      %add3A_133 = arith.addi %add3A_131, %add3A_132 : i32
      %dma_start3A_134 = arith.constant 0 : i32
      %dma_start3A_135 = tpu.memref_slice %arg3[%add3A_133, %dma_start3A_134] : memref<2560x128xi32, #tpu.memory_space<hbm>> -> memref<1x128xi32, #tpu.memory_space<hbm>>
      %dma_start3A_136 = tpu.memref_squeeze %dma_start3A_135 : memref<1x128xi32, #tpu.memory_space<hbm>> -> memref<128xi32, #tpu.memory_space<hbm>>
      %dma_start3A_137 = arith.constant 0 : i32
      %dma_start3A_138 = tpu.memref_slice %arg3[%add3A_133, %dma_start3A_137] : memref<2560x128xi32, #tpu.memory_space<hbm>> -> memref<1x128xi32, #tpu.memory_space<hbm>>
      %dma_start3A_139 = tpu.memref_squeeze %dma_start3A_138 : memref<1x128xi32, #tpu.memory_space<hbm>> -> memref<128xi32, #tpu.memory_space<hbm>>
      tpu.enqueue_dma source(%dma_start3A_139 : memref<128xi32, #tpu.memory_space<hbm>>) target(%arg8 : memref<128xi32, #tpu.memory_space<vmem>>) target_semaphore(%arg16 : memref<!tpu.dma_semaphore, #tpu.memory_space<semaphore_mem>>)
      "tpu.region"() ({
        %run_scoped3A = tpu.sem_alloc : memref<!tpu.dma_semaphore, #tpu.memory_space<semaphore_mem>>
        %dma_start3A_205 = arith.constant 0 : i32
        %dma_start3A_206 = arith.constant 0 : i32
        %dma_start3A_207 = tpu.memref_slice %arg7[%dma_start3A_205, %dma_start3A_206] : memref<10240x128xf32, #tpu.memory_space<vmem_shared>> -> memref<10240x128xf32, #tpu.memory_space<vmem_shared>>
        tpu.enqueue_indirect_dma source(%arg12 : memref<128x128xf32, #tpu.memory_space<vmem>>) target(%dma_start3A_207 : memref<10240x128xf32, #tpu.memory_space<vmem_shared>>) offsets(%arg10 : memref<128xi32, #tpu.memory_space<vmem>>) semaphore(%run_scoped3A : memref<!tpu.dma_semaphore, #tpu.memory_space<semaphore_mem>>) {add = true}
        %dma_wait3A_208 = arith.constant 0 : i32
        %dma_wait3A_209 = arith.constant 0 : i32
        %dma_wait3A_210 = tpu.memref_slice %arg7[%dma_wait3A_208, %dma_wait3A_209] : memref<10240x128xf32, #tpu.memory_space<vmem_shared>> -> memref<10240x128xf32, #tpu.memory_space<vmem_shared>>
        tpu.wait_indirect_dma semaphore(%run_scoped3A : memref<!tpu.dma_semaphore, #tpu.memory_space<semaphore_mem>>) src(%arg12 : memref<128x128xf32, #tpu.memory_space<vmem>>) dst(%dma_wait3A_210 : memref<10240x128xf32, #tpu.memory_space<vmem_shared>>)
        tpu.yield
      }) : () -> ()
      %add3A_140 = arith.addi %select_n3A, %mul3A_124 : i32
      %add3A_141 = arith.constant 2 : i32
      %add3A_142 = arith.addi %add3A_140, %add3A_141 : i32
      %dma_start3A_143 = arith.constant 0 : i32
      %dma_start3A_144 = tpu.memref_slice %arg4[%add3A_142, %dma_start3A_143] : memref<2560x128xi32, #tpu.memory_space<hbm>> -> memref<1x128xi32, #tpu.memory_space<hbm>>
      %dma_start3A_145 = tpu.memref_squeeze %dma_start3A_144 : memref<1x128xi32, #tpu.memory_space<hbm>> -> memref<128xi32, #tpu.memory_space<hbm>>
      %dma_start3A_146 = arith.constant 0 : i32
      %dma_start3A_147 = tpu.memref_slice %arg4[%add3A_142, %dma_start3A_146] : memref<2560x128xi32, #tpu.memory_space<hbm>> -> memref<1x128xi32, #tpu.memory_space<hbm>>
      %dma_start3A_148 = tpu.memref_squeeze %dma_start3A_147 : memref<1x128xi32, #tpu.memory_space<hbm>> -> memref<128xi32, #tpu.memory_space<hbm>>
      tpu.enqueue_dma source(%dma_start3A_148 : memref<128xi32, #tpu.memory_space<hbm>>) target(%arg10 : memref<128xi32, #tpu.memory_space<vmem>>) target_semaphore(%arg16 : memref<!tpu.dma_semaphore, #tpu.memory_space<semaphore_mem>>)
      %add3A_149 = arith.constant 2 : i32
      %add3A_150 = arith.addi %mul3A_124, %add3A_149 : i32
      %add3A_151 = arith.addi %select_n3A, %add3A_150 : i32
      %dma_wait3A_152 = arith.constant 0 : i32
      %dma_wait3A_153 = tpu.memref_slice %arg3[%add3A_151, %dma_wait3A_152] : memref<2560x128xi32, #tpu.memory_space<hbm>> -> memref<1x128xi32, #tpu.memory_space<hbm>>
      %dma_wait3A_154 = tpu.memref_squeeze %dma_wait3A_153 : memref<1x128xi32, #tpu.memory_space<hbm>> -> memref<128xi32, #tpu.memory_space<hbm>>
      %dma_wait3A_155 = arith.constant 0 : i32
      %dma_wait3A_156 = tpu.memref_slice %arg3[%add3A_151, %dma_wait3A_155] : memref<2560x128xi32, #tpu.memory_space<hbm>> -> memref<1x128xi32, #tpu.memory_space<hbm>>
      %dma_wait3A_157 = tpu.memref_squeeze %dma_wait3A_156 : memref<1x128xi32, #tpu.memory_space<hbm>> -> memref<128xi32, #tpu.memory_space<hbm>>
      tpu.wait_dma2 semaphore(%arg16 : memref<!tpu.dma_semaphore, #tpu.memory_space<semaphore_mem>>) src(%dma_wait3A_157 : memref<128xi32, #tpu.memory_space<hbm>>) dst(%arg8 : memref<128xi32, #tpu.memory_space<vmem>>)
      %add3A_158 = arith.addi %select_n3A, %add3A_150 : i32
      %dma_wait3A_159 = arith.constant 0 : i32
      %dma_wait3A_160 = tpu.memref_slice %arg4[%add3A_158, %dma_wait3A_159] : memref<2560x128xi32, #tpu.memory_space<hbm>> -> memref<1x128xi32, #tpu.memory_space<hbm>>
      %dma_wait3A_161 = tpu.memref_squeeze %dma_wait3A_160 : memref<1x128xi32, #tpu.memory_space<hbm>> -> memref<128xi32, #tpu.memory_space<hbm>>
      %dma_wait3A_162 = arith.constant 0 : i32
      %dma_wait3A_163 = tpu.memref_slice %arg4[%add3A_158, %dma_wait3A_162] : memref<2560x128xi32, #tpu.memory_space<hbm>> -> memref<1x128xi32, #tpu.memory_space<hbm>>
      %dma_wait3A_164 = tpu.memref_squeeze %dma_wait3A_163 : memref<1x128xi32, #tpu.memory_space<hbm>> -> memref<128xi32, #tpu.memory_space<hbm>>
      tpu.wait_dma2 semaphore(%arg16 : memref<!tpu.dma_semaphore, #tpu.memory_space<semaphore_mem>>) src(%dma_wait3A_164 : memref<128xi32, #tpu.memory_space<hbm>>) dst(%arg10 : memref<128xi32, #tpu.memory_space<vmem>>)
      %dma_start3A_165 = arith.constant 0 : i32
      %dma_start3A_166 = arith.constant 0 : i32
      %dma_start3A_167 = tpu.memref_slice %arg2[%dma_start3A_165, %dma_start3A_166] : memref<10000x128xf32, #tpu.memory_space<hbm>> -> memref<10000x128xf32, #tpu.memory_space<hbm>>
      tpu.enqueue_indirect_dma source(%dma_start3A_167 : memref<10000x128xf32, #tpu.memory_space<hbm>>) target(%arg12 : memref<128x128xf32, #tpu.memory_space<vmem>>) offsets(%arg8 : memref<128xi32, #tpu.memory_space<vmem>>) semaphore(%arg14 : memref<!tpu.dma_semaphore, #tpu.memory_space<semaphore_mem>>)
      %dma_wait3A_168 = arith.constant 0 : i32
      %dma_wait3A_169 = arith.constant 0 : i32
      %dma_wait3A_170 = tpu.memref_slice %arg2[%dma_wait3A_168, %dma_wait3A_169] : memref<10000x128xf32, #tpu.memory_space<hbm>> -> memref<10000x128xf32, #tpu.memory_space<hbm>>
      tpu.wait_indirect_dma semaphore(%arg15 : memref<!tpu.dma_semaphore, #tpu.memory_space<semaphore_mem>>) src(%dma_wait3A_170 : memref<10000x128xf32, #tpu.memory_space<hbm>>) dst(%arg13 : memref<128x128xf32, #tpu.memory_space<vmem>>)
      %add3A_171 = arith.addi %select_n3A, %mul3A_124 : i32
      %add3A_172 = arith.constant 3 : i32
      %add3A_173 = arith.addi %add3A_171, %add3A_172 : i32
      %dma_start3A_174 = arith.constant 0 : i32
      %dma_start3A_175 = tpu.memref_slice %arg3[%add3A_173, %dma_start3A_174] : memref<2560x128xi32, #tpu.memory_space<hbm>> -> memref<1x128xi32, #tpu.memory_space<hbm>>
      %dma_start3A_176 = tpu.memref_squeeze %dma_start3A_175 : memref<1x128xi32, #tpu.memory_space<hbm>> -> memref<128xi32, #tpu.memory_space<hbm>>
      %dma_start3A_177 = arith.constant 0 : i32
      %dma_start3A_178 = tpu.memref_slice %arg3[%add3A_173, %dma_start3A_177] : memref<2560x128xi32, #tpu.memory_space<hbm>> -> memref<1x128xi32, #tpu.memory_space<hbm>>
      %dma_start3A_179 = tpu.memref_squeeze %dma_start3A_178 : memref<1x128xi32, #tpu.memory_space<hbm>> -> memref<128xi32, #tpu.memory_space<hbm>>
      tpu.enqueue_dma source(%dma_start3A_179 : memref<128xi32, #tpu.memory_space<hbm>>) target(%arg9 : memref<128xi32, #tpu.memory_space<vmem>>) target_semaphore(%arg17 : memref<!tpu.dma_semaphore, #tpu.memory_space<semaphore_mem>>)
      "tpu.region"() ({
        %run_scoped3A = tpu.sem_alloc : memref<!tpu.dma_semaphore, #tpu.memory_space<semaphore_mem>>
        %dma_start3A_205 = arith.constant 0 : i32
        %dma_start3A_206 = arith.constant 0 : i32
        %dma_start3A_207 = tpu.memref_slice %arg7[%dma_start3A_205, %dma_start3A_206] : memref<10240x128xf32, #tpu.memory_space<vmem_shared>> -> memref<10240x128xf32, #tpu.memory_space<vmem_shared>>
        tpu.enqueue_indirect_dma source(%arg13 : memref<128x128xf32, #tpu.memory_space<vmem>>) target(%dma_start3A_207 : memref<10240x128xf32, #tpu.memory_space<vmem_shared>>) offsets(%arg11 : memref<128xi32, #tpu.memory_space<vmem>>) semaphore(%run_scoped3A : memref<!tpu.dma_semaphore, #tpu.memory_space<semaphore_mem>>) {add = true}
        %dma_wait3A_208 = arith.constant 0 : i32
        %dma_wait3A_209 = arith.constant 0 : i32
        %dma_wait3A_210 = tpu.memref_slice %arg7[%dma_wait3A_208, %dma_wait3A_209] : memref<10240x128xf32, #tpu.memory_space<vmem_shared>> -> memref<10240x128xf32, #tpu.memory_space<vmem_shared>>
        tpu.wait_indirect_dma semaphore(%run_scoped3A : memref<!tpu.dma_semaphore, #tpu.memory_space<semaphore_mem>>) src(%arg13 : memref<128x128xf32, #tpu.memory_space<vmem>>) dst(%dma_wait3A_210 : memref<10240x128xf32, #tpu.memory_space<vmem_shared>>)
        tpu.yield
      }) : () -> ()
      %add3A_180 = arith.addi %select_n3A, %mul3A_124 : i32
      %add3A_181 = arith.constant 3 : i32
      %add3A_182 = arith.addi %add3A_180, %add3A_181 : i32
      %dma_start3A_183 = arith.constant 0 : i32
      %dma_start3A_184 = tpu.memref_slice %arg4[%add3A_182, %dma_start3A_183] : memref<2560x128xi32, #tpu.memory_space<hbm>> -> memref<1x128xi32, #tpu.memory_space<hbm>>
      %dma_start3A_185 = tpu.memref_squeeze %dma_start3A_184 : memref<1x128xi32, #tpu.memory_space<hbm>> -> memref<128xi32, #tpu.memory_space<hbm>>
      %dma_start3A_186 = arith.constant 0 : i32
      %dma_start3A_187 = tpu.memref_slice %arg4[%add3A_182, %dma_start3A_186] : memref<2560x128xi32, #tpu.memory_space<hbm>> -> memref<1x128xi32, #tpu.memory_space<hbm>>
      %dma_start3A_188 = tpu.memref_squeeze %dma_start3A_187 : memref<1x128xi32, #tpu.memory_space<hbm>> -> memref<128xi32, #tpu.memory_space<hbm>>
      tpu.enqueue_dma source(%dma_start3A_188 : memref<128xi32, #tpu.memory_space<hbm>>) target(%arg11 : memref<128xi32, #tpu.memory_space<vmem>>) target_semaphore(%arg17 : memref<!tpu.dma_semaphore, #tpu.memory_space<semaphore_mem>>)
      %add3A_189 = arith.constant 3 : i32
      %add3A_190 = arith.addi %mul3A_124, %add3A_189 : i32
      %add3A_191 = arith.addi %select_n3A, %add3A_190 : i32
      %dma_wait3A_192 = arith.constant 0 : i32
      %dma_wait3A_193 = tpu.memref_slice %arg3[%add3A_191, %dma_wait3A_192] : memref<2560x128xi32, #tpu.memory_space<hbm>> -> memref<1x128xi32, #tpu.memory_space<hbm>>
      %dma_wait3A_194 = tpu.memref_squeeze %dma_wait3A_193 : memref<1x128xi32, #tpu.memory_space<hbm>> -> memref<128xi32, #tpu.memory_space<hbm>>
      %dma_wait3A_195 = arith.constant 0 : i32
      %dma_wait3A_196 = tpu.memref_slice %arg3[%add3A_191, %dma_wait3A_195] : memref<2560x128xi32, #tpu.memory_space<hbm>> -> memref<1x128xi32, #tpu.memory_space<hbm>>
      %dma_wait3A_197 = tpu.memref_squeeze %dma_wait3A_196 : memref<1x128xi32, #tpu.memory_space<hbm>> -> memref<128xi32, #tpu.memory_space<hbm>>
      tpu.wait_dma2 semaphore(%arg17 : memref<!tpu.dma_semaphore, #tpu.memory_space<semaphore_mem>>) src(%dma_wait3A_197 : memref<128xi32, #tpu.memory_space<hbm>>) dst(%arg9 : memref<128xi32, #tpu.memory_space<vmem>>)
      %add3A_198 = arith.addi %select_n3A, %add3A_190 : i32
      %dma_wait3A_199 = arith.constant 0 : i32
      %dma_wait3A_200 = tpu.memref_slice %arg4[%add3A_198, %dma_wait3A_199] : memref<2560x128xi32, #tpu.memory_space<hbm>> -> memref<1x128xi32, #tpu.memory_space<hbm>>
      %dma_wait3A_201 = tpu.memref_squeeze %dma_wait3A_200 : memref<1x128xi32, #tpu.memory_space<hbm>> -> memref<128xi32, #tpu.memory_space<hbm>>
      %dma_wait3A_202 = arith.constant 0 : i32
      %dma_wait3A_203 = tpu.memref_slice %arg4[%add3A_198, %dma_wait3A_202] : memref<2560x128xi32, #tpu.memory_space<hbm>> -> memref<1x128xi32, #tpu.memory_space<hbm>>
      %dma_wait3A_204 = tpu.memref_squeeze %dma_wait3A_203 : memref<1x128xi32, #tpu.memory_space<hbm>> -> memref<128xi32, #tpu.memory_space<hbm>>
      tpu.wait_dma2 semaphore(%arg17 : memref<!tpu.dma_semaphore, #tpu.memory_space<semaphore_mem>>) src(%dma_wait3A_204 : memref<128xi32, #tpu.memory_space<hbm>>) dst(%arg11 : memref<128xi32, #tpu.memory_space<vmem>>)
    }
    %dma_start3A_105 = arith.constant 0 : i32
    %dma_start3A_106 = arith.constant 0 : i32
    %dma_start3A_107 = tpu.memref_slice %arg2[%dma_start3A_105, %dma_start3A_106] : memref<10000x128xf32, #tpu.memory_space<hbm>> -> memref<10000x128xf32, #tpu.memory_space<hbm>>
    tpu.enqueue_indirect_dma source(%dma_start3A_107 : memref<10000x128xf32, #tpu.memory_space<hbm>>) target(%arg13 : memref<128x128xf32, #tpu.memory_space<vmem>>) offsets(%arg9 : memref<128xi32, #tpu.memory_space<vmem>>) semaphore(%arg15 : memref<!tpu.dma_semaphore, #tpu.memory_space<semaphore_mem>>)
    %dma_wait3A_108 = arith.constant 0 : i32
    %dma_wait3A_109 = arith.constant 0 : i32
    %dma_wait3A_110 = tpu.memref_slice %arg2[%dma_wait3A_108, %dma_wait3A_109] : memref<10000x128xf32, #tpu.memory_space<hbm>> -> memref<10000x128xf32, #tpu.memory_space<hbm>>
    tpu.wait_indirect_dma semaphore(%arg14 : memref<!tpu.dma_semaphore, #tpu.memory_space<semaphore_mem>>) src(%dma_wait3A_110 : memref<10000x128xf32, #tpu.memory_space<hbm>>) dst(%arg12 : memref<128x128xf32, #tpu.memory_space<vmem>>)
    "tpu.region"() ({
      %run_scoped3A = tpu.sem_alloc : memref<!tpu.dma_semaphore, #tpu.memory_space<semaphore_mem>>
      %dma_start3A_122 = arith.constant 0 : i32
      %dma_start3A_123 = arith.constant 0 : i32
      %dma_start3A_124 = tpu.memref_slice %arg7[%dma_start3A_122, %dma_start3A_123] : memref<10240x128xf32, #tpu.memory_space<vmem_shared>> -> memref<10240x128xf32, #tpu.memory_space<vmem_shared>>
      tpu.enqueue_indirect_dma source(%arg12 : memref<128x128xf32, #tpu.memory_space<vmem>>) target(%dma_start3A_124 : memref<10240x128xf32, #tpu.memory_space<vmem_shared>>) offsets(%arg10 : memref<128xi32, #tpu.memory_space<vmem>>) semaphore(%run_scoped3A : memref<!tpu.dma_semaphore, #tpu.memory_space<semaphore_mem>>) {add = true}
      %dma_wait3A_125 = arith.constant 0 : i32
      %dma_wait3A_126 = arith.constant 0 : i32
      %dma_wait3A_127 = tpu.memref_slice %arg7[%dma_wait3A_125, %dma_wait3A_126] : memref<10240x128xf32, #tpu.memory_space<vmem_shared>> -> memref<10240x128xf32, #tpu.memory_space<vmem_shared>>
      tpu.wait_indirect_dma semaphore(%run_scoped3A : memref<!tpu.dma_semaphore, #tpu.memory_space<semaphore_mem>>) src(%arg12 : memref<128x128xf32, #tpu.memory_space<vmem>>) dst(%dma_wait3A_127 : memref<10240x128xf32, #tpu.memory_space<vmem_shared>>)
      tpu.yield
    }) : () -> ()
    %dma_wait3A_111 = arith.constant 0 : i32
    %dma_wait3A_112 = arith.constant 0 : i32
    %dma_wait3A_113 = tpu.memref_slice %arg2[%dma_wait3A_111, %dma_wait3A_112] : memref<10000x128xf32, #tpu.memory_space<hbm>> -> memref<10000x128xf32, #tpu.memory_space<hbm>>
    tpu.wait_indirect_dma semaphore(%arg15 : memref<!tpu.dma_semaphore, #tpu.memory_space<semaphore_mem>>) src(%dma_wait3A_113 : memref<10000x128xf32, #tpu.memory_space<hbm>>) dst(%arg13 : memref<128x128xf32, #tpu.memory_space<vmem>>)
    "tpu.region"() ({
      %run_scoped3A = tpu.sem_alloc : memref<!tpu.dma_semaphore, #tpu.memory_space<semaphore_mem>>
      %dma_start3A_122 = arith.constant 0 : i32
      %dma_start3A_123 = arith.constant 0 : i32
      %dma_start3A_124 = tpu.memref_slice %arg7[%dma_start3A_122, %dma_start3A_123] : memref<10240x128xf32, #tpu.memory_space<vmem_shared>> -> memref<10240x128xf32, #tpu.memory_space<vmem_shared>>
      tpu.enqueue_indirect_dma source(%arg13 : memref<128x128xf32, #tpu.memory_space<vmem>>) target(%dma_start3A_124 : memref<10240x128xf32, #tpu.memory_space<vmem_shared>>) offsets(%arg11 : memref<128xi32, #tpu.memory_space<vmem>>) semaphore(%run_scoped3A : memref<!tpu.dma_semaphore, #tpu.memory_space<semaphore_mem>>) {add = true}
      %dma_wait3A_125 = arith.constant 0 : i32
      %dma_wait3A_126 = arith.constant 0 : i32
      %dma_wait3A_127 = tpu.memref_slice %arg7[%dma_wait3A_125, %dma_wait3A_126] : memref<10240x128xf32, #tpu.memory_space<vmem_shared>> -> memref<10240x128xf32, #tpu.memory_space<vmem_shared>>
      tpu.wait_indirect_dma semaphore(%run_scoped3A : memref<!tpu.dma_semaphore, #tpu.memory_space<semaphore_mem>>) src(%arg13 : memref<128x128xf32, #tpu.memory_space<vmem>>) dst(%dma_wait3A_127 : memref<10240x128xf32, #tpu.memory_space<vmem_shared>>)
      tpu.yield
    }) : () -> ()
    %barrier3A_114 = arith.constant 0 : index
    tpu.barrier barrier_id(%barrier3A_114)
    %mul3A_115 = arith.constant 640 : i32
    %mul3A_116 = arith.muli %arg1, %mul3A_115 : i32
    %mul3A_117 = arith.constant 10240 : i32
    %mul3A_118 = arith.muli %arg0, %mul3A_117 : i32
    %mul3A_119 = arith.constant 640 : i32
    %mul3A_120 = arith.muli %arg1, %mul3A_119 : i32
    %add3A_121 = arith.addi %mul3A_118, %mul3A_120 : i32
    "tpu.region"() ({
      %run_scoped3A = tpu.sem_alloc : memref<!tpu.dma_semaphore, #tpu.memory_space<semaphore_mem>>
      %dma_start3A_122 = arith.constant 0 : i32
      %dma_start3A_123 = tpu.memref_slice %arg6[%add3A_121, %dma_start3A_122] : memref<20480x128xf32, #tpu.memory_space<hbm>> -> memref<640x128xf32, #tpu.memory_space<hbm>>
      %dma_start3A_124 = arith.constant 0 : i32
      %dma_start3A_125 = tpu.memref_slice %arg7[%mul3A_116, %dma_start3A_124] : memref<10240x128xf32, #tpu.memory_space<vmem_shared>> -> memref<640x128xf32, #tpu.memory_space<vmem_shared>>
      tpu.enqueue_dma source(%dma_start3A_125 : memref<640x128xf32, #tpu.memory_space<vmem_shared>>) target(%dma_start3A_123 : memref<640x128xf32, #tpu.memory_space<hbm>>) target_semaphore(%run_scoped3A : memref<!tpu.dma_semaphore, #tpu.memory_space<semaphore_mem>>)
      %dma_wait3A_126 = arith.constant 0 : i32
      %dma_wait3A_127 = tpu.memref_slice %arg6[%add3A_121, %dma_wait3A_126] : memref<20480x128xf32, #tpu.memory_space<hbm>> -> memref<640x128xf32, #tpu.memory_space<hbm>>
      %dma_wait3A_128 = arith.constant 0 : i32
      %dma_wait3A_129 = tpu.memref_slice %arg7[%mul3A_116, %dma_wait3A_128] : memref<10240x128xf32, #tpu.memory_space<vmem_shared>> -> memref<640x128xf32, #tpu.memory_space<vmem_shared>>
      tpu.wait_dma2 semaphore(%run_scoped3A : memref<!tpu.dma_semaphore, #tpu.memory_space<semaphore_mem>>) src(%dma_wait3A_129 : memref<640x128xf32, #tpu.memory_space<vmem_shared>>) dst(%dma_wait3A_127 : memref<640x128xf32, #tpu.memory_space<hbm>>)
      tpu.yield
    }) : () -> ()
    return
  }
}

#map = affine_map<(d0, d1) -> (0, 0)>
module attributes {stable_mosaic.version = 14 : i64} {
  func.func @_seg_body(%arg0: i32, %arg1: i32, %arg2: memref<10000x128xf32, #tpu.memory_space<hbm>>, %arg3: memref<2560x128xi32, #tpu.memory_space<hbm>>, %arg4: memref<2560x128xi32, #tpu.memory_space<hbm>>, %arg5: memref<640x128xf32, #tpu.memory_space<hbm>>, %arg6: memref<20480x128xf32, #tpu.memory_space<hbm>>, %arg7: memref<10240x128xf32, #tpu.memory_space<vmem_shared>>, %arg8: memref<128xi32, #tpu.memory_space<vmem>>, %arg9: memref<128xi32, #tpu.memory_space<vmem>>, %arg10: memref<128xi32, #tpu.memory_space<vmem>>, %arg11: memref<128xi32, #tpu.memory_space<vmem>>, %arg12: memref<128x128xf32, #tpu.memory_space<vmem>>, %arg13: memref<128x128xf32, #tpu.memory_space<vmem>>, %arg14: memref<!tpu.dma_semaphore, #tpu.memory_space<semaphore_mem>>, %arg15: memref<!tpu.dma_semaphore, #tpu.memory_space<semaphore_mem>>, %arg16: memref<!tpu.dma_semaphore, #tpu.memory_space<semaphore_mem>>, %arg17: memref<!tpu.dma_semaphore, #tpu.memory_space<semaphore_mem>>) attributes {dimension_semantics = [#tpu.dimension_semantics<core_parallel>, #tpu.dimension_semantics<subcore_parallel>], iteration_bounds = array<i64: 2, 16>, scalar_prefetch = 0 : i64, scratch_operands = 11 : i64, tpu.core_type = #tpu.core_type<sc_vector_subcore>, window_params = [{transform_indices = #map}, {transform_indices = #map}, {transform_indices = #map}, {transform_indices = #map}, {transform_indices = #map}]} {
    %eq3A = arith.constant 0 : i32
    %eq3A_0 = arith.cmpi eq, %arg0, %eq3A : i32
    %mul3A = arith.constant 136 : i32
    %mul3A_1 = arith.muli %arg1, %mul3A : i32
    %mul3A_2 = arith.constant 24 : i32
    %mul3A_3 = arith.muli %arg1, %mul3A_2 : i32
    %add3A = arith.constant 2176 : i32
    %add3A_4 = arith.addi %add3A, %mul3A_3 : i32
    %select_n3A = arith.select %eq3A_0, %mul3A_1, %add3A_4 : i32
    %eq3A_5 = arith.constant 0 : i32
    %eq3A_6 = arith.cmpi eq, %arg0, %eq3A_5 : i32
    %select_n3A_7 = arith.constant 24 : i32
    %select_n3A_8 = arith.constant 136 : i32
    %select_n3A_9 = arith.select %eq3A_6, %select_n3A_8, %select_n3A_7 : i32
    %mul3A_10 = arith.constant 640 : i32
    %mul3A_11 = arith.muli %arg1, %mul3A_10 : i32
    "tpu.region"() ({
      %run_scoped3A = tpu.sem_alloc : memref<!tpu.dma_semaphore, #tpu.memory_space<semaphore_mem>>
      %dma_start3A_122 = arith.constant 0 : i32
      %dma_start3A_123 = tpu.memref_slice %arg7[%mul3A_11, %dma_start3A_122] : memref<10240x128xf32, #tpu.memory_space<vmem_shared>> -> memref<640x128xf32, #tpu.memory_space<vmem_shared>>
      tpu.enqueue_dma source(%arg5 : memref<640x128xf32, #tpu.memory_space<hbm>>) target(%dma_start3A_123 : memref<640x128xf32, #tpu.memory_space<vmem_shared>>) target_semaphore(%run_scoped3A : memref<!tpu.dma_semaphore, #tpu.memory_space<semaphore_mem>>)
      %dma_wait3A_124 = arith.constant 0 : i32
      %dma_wait3A_125 = tpu.memref_slice %arg7[%mul3A_11, %dma_wait3A_124] : memref<10240x128xf32, #tpu.memory_space<vmem_shared>> -> memref<640x128xf32, #tpu.memory_space<vmem_shared>>
      tpu.wait_dma2 semaphore(%run_scoped3A : memref<!tpu.dma_semaphore, #tpu.memory_space<semaphore_mem>>) src(%arg5 : memref<640x128xf32, #tpu.memory_space<hbm>>) dst(%dma_wait3A_125 : memref<640x128xf32, #tpu.memory_space<vmem_shared>>)
      tpu.yield
    }) : () -> ()
    %barrier3A = arith.constant 0 : index
    tpu.barrier barrier_id(%barrier3A)
    %add3A_12 = arith.constant 0 : i32
    %add3A_13 = arith.addi %select_n3A, %add3A_12 : i32
    %dma_start3A = arith.constant 0 : i32
    %dma_start3A_14 = tpu.memref_slice %arg3[%add3A_13, %dma_start3A] : memref<2560x128xi32, #tpu.memory_space<hbm>> -> memref<1x128xi32, #tpu.memory_space<hbm>>
    %dma_start3A_15 = tpu.memref_squeeze %dma_start3A_14 : memref<1x128xi32, #tpu.memory_space<hbm>> -> memref<128xi32, #tpu.memory_space<hbm>>
    %dma_start3A_16 = arith.constant 0 : i32
    %dma_start3A_17 = tpu.memref_slice %arg3[%add3A_13, %dma_start3A_16] : memref<2560x128xi32, #tpu.memory_space<hbm>> -> memref<1x128xi32, #tpu.memory_space<hbm>>
    %dma_start3A_18 = tpu.memref_squeeze %dma_start3A_17 : memref<1x128xi32, #tpu.memory_space<hbm>> -> memref<128xi32, #tpu.memory_space<hbm>>
    tpu.enqueue_dma source(%dma_start3A_18 : memref<128xi32, #tpu.memory_space<hbm>>) target(%arg8 : memref<128xi32, #tpu.memory_space<vmem>>) target_semaphore(%arg16 : memref<!tpu.dma_semaphore, #tpu.memory_space<semaphore_mem>>)
    %add3A_19 = arith.constant 0 : i32
    %add3A_20 = arith.addi %select_n3A, %add3A_19 : i32
    %dma_start3A_21 = arith.constant 0 : i32
    %dma_start3A_22 = tpu.memref_slice %arg4[%add3A_20, %dma_start3A_21] : memref<2560x128xi32, #tpu.memory_space<hbm>> -> memref<1x128xi32, #tpu.memory_space<hbm>>
    %dma_start3A_23 = tpu.memref_squeeze %dma_start3A_22 : memref<1x128xi32, #tpu.memory_space<hbm>> -> memref<128xi32, #tpu.memory_space<hbm>>
    %dma_start3A_24 = arith.constant 0 : i32
    %dma_start3A_25 = tpu.memref_slice %arg4[%add3A_20, %dma_start3A_24] : memref<2560x128xi32, #tpu.memory_space<hbm>> -> memref<1x128xi32, #tpu.memory_space<hbm>>
    %dma_start3A_26 = tpu.memref_squeeze %dma_start3A_25 : memref<1x128xi32, #tpu.memory_space<hbm>> -> memref<128xi32, #tpu.memory_space<hbm>>
    tpu.enqueue_dma source(%dma_start3A_26 : memref<128xi32, #tpu.memory_space<hbm>>) target(%arg10 : memref<128xi32, #tpu.memory_space<vmem>>) target_semaphore(%arg16 : memref<!tpu.dma_semaphore, #tpu.memory_space<semaphore_mem>>)
    %add3A_27 = arith.constant 1 : i32
    %add3A_28 = arith.addi %select_n3A, %add3A_27 : i32
    %dma_start3A_29 = arith.constant 0 : i32
    %dma_start3A_30 = tpu.memref_slice %arg3[%add3A_28, %dma_start3A_29] : memref<2560x128xi32, #tpu.memory_space<hbm>> -> memref<1x128xi32, #tpu.memory_space<hbm>>
    %dma_start3A_31 = tpu.memref_squeeze %dma_start3A_30 : memref<1x128xi32, #tpu.memory_space<hbm>> -> memref<128xi32, #tpu.memory_space<hbm>>
    %dma_start3A_32 = arith.constant 0 : i32
    %dma_start3A_33 = tpu.memref_slice %arg3[%add3A_28, %dma_start3A_32] : memref<2560x128xi32, #tpu.memory_space<hbm>> -> memref<1x128xi32, #tpu.memory_space<hbm>>
    %dma_start3A_34 = tpu.memref_squeeze %dma_start3A_33 : memref<1x128xi32, #tpu.memory_space<hbm>> -> memref<128xi32, #tpu.memory_space<hbm>>
    tpu.enqueue_dma source(%dma_start3A_34 : memref<128xi32, #tpu.memory_space<hbm>>) target(%arg9 : memref<128xi32, #tpu.memory_space<vmem>>) target_semaphore(%arg17 : memref<!tpu.dma_semaphore, #tpu.memory_space<semaphore_mem>>)
    %add3A_35 = arith.constant 1 : i32
    %add3A_36 = arith.addi %select_n3A, %add3A_35 : i32
    %dma_start3A_37 = arith.constant 0 : i32
    %dma_start3A_38 = tpu.memref_slice %arg4[%add3A_36, %dma_start3A_37] : memref<2560x128xi32, #tpu.memory_space<hbm>> -> memref<1x128xi32, #tpu.memory_space<hbm>>
    %dma_start3A_39 = tpu.memref_squeeze %dma_start3A_38 : memref<1x128xi32, #tpu.memory_space<hbm>> -> memref<128xi32, #tpu.memory_space<hbm>>
    %dma_start3A_40 = arith.constant 0 : i32
    %dma_start3A_41 = tpu.memref_slice %arg4[%add3A_36, %dma_start3A_40] : memref<2560x128xi32, #tpu.memory_space<hbm>> -> memref<1x128xi32, #tpu.memory_space<hbm>>
    %dma_start3A_42 = tpu.memref_squeeze %dma_start3A_41 : memref<1x128xi32, #tpu.memory_space<hbm>> -> memref<128xi32, #tpu.memory_space<hbm>>
    tpu.enqueue_dma source(%dma_start3A_42 : memref<128xi32, #tpu.memory_space<hbm>>) target(%arg11 : memref<128xi32, #tpu.memory_space<vmem>>) target_semaphore(%arg17 : memref<!tpu.dma_semaphore, #tpu.memory_space<semaphore_mem>>)
    %add3A_43 = arith.constant 0 : i32
    %add3A_44 = arith.addi %select_n3A, %add3A_43 : i32
    %dma_wait3A = arith.constant 0 : i32
    %dma_wait3A_45 = tpu.memref_slice %arg3[%add3A_44, %dma_wait3A] : memref<2560x128xi32, #tpu.memory_space<hbm>> -> memref<1x128xi32, #tpu.memory_space<hbm>>
    %dma_wait3A_46 = tpu.memref_squeeze %dma_wait3A_45 : memref<1x128xi32, #tpu.memory_space<hbm>> -> memref<128xi32, #tpu.memory_space<hbm>>
    %dma_wait3A_47 = arith.constant 0 : i32
    %dma_wait3A_48 = tpu.memref_slice %arg3[%add3A_44, %dma_wait3A_47] : memref<2560x128xi32, #tpu.memory_space<hbm>> -> memref<1x128xi32, #tpu.memory_space<hbm>>
    %dma_wait3A_49 = tpu.memref_squeeze %dma_wait3A_48 : memref<1x128xi32, #tpu.memory_space<hbm>> -> memref<128xi32, #tpu.memory_space<hbm>>
    tpu.wait_dma2 semaphore(%arg16 : memref<!tpu.dma_semaphore, #tpu.memory_space<semaphore_mem>>) src(%dma_wait3A_49 : memref<128xi32, #tpu.memory_space<hbm>>) dst(%arg8 : memref<128xi32, #tpu.memory_space<vmem>>)
    %add3A_50 = arith.constant 0 : i32
    %add3A_51 = arith.addi %select_n3A, %add3A_50 : i32
    %dma_wait3A_52 = arith.constant 0 : i32
    %dma_wait3A_53 = tpu.memref_slice %arg4[%add3A_51, %dma_wait3A_52] : memref<2560x128xi32, #tpu.memory_space<hbm>> -> memref<1x128xi32, #tpu.memory_space<hbm>>
    %dma_wait3A_54 = tpu.memref_squeeze %dma_wait3A_53 : memref<1x128xi32, #tpu.memory_space<hbm>> -> memref<128xi32, #tpu.memory_space<hbm>>
    %dma_wait3A_55 = arith.constant 0 : i32
    %dma_wait3A_56 = tpu.memref_slice %arg4[%add3A_51, %dma_wait3A_55] : memref<2560x128xi32, #tpu.memory_space<hbm>> -> memref<1x128xi32, #tpu.memory_space<hbm>>
    %dma_wait3A_57 = tpu.memref_squeeze %dma_wait3A_56 : memref<1x128xi32, #tpu.memory_space<hbm>> -> memref<128xi32, #tpu.memory_space<hbm>>
    tpu.wait_dma2 semaphore(%arg16 : memref<!tpu.dma_semaphore, #tpu.memory_space<semaphore_mem>>) src(%dma_wait3A_57 : memref<128xi32, #tpu.memory_space<hbm>>) dst(%arg10 : memref<128xi32, #tpu.memory_space<vmem>>)
    %dma_start3A_58 = arith.constant 0 : i32
    %dma_start3A_59 = arith.constant 0 : i32
    %dma_start3A_60 = tpu.memref_slice %arg2[%dma_start3A_58, %dma_start3A_59] : memref<10000x128xf32, #tpu.memory_space<hbm>> -> memref<10000x128xf32, #tpu.memory_space<hbm>>
    tpu.enqueue_indirect_dma source(%dma_start3A_60 : memref<10000x128xf32, #tpu.memory_space<hbm>>) target(%arg12 : memref<128x128xf32, #tpu.memory_space<vmem>>) offsets(%arg8 : memref<128xi32, #tpu.memory_space<vmem>>) semaphore(%arg14 : memref<!tpu.dma_semaphore, #tpu.memory_space<semaphore_mem>>)
    %add3A_61 = arith.constant 1 : i32
    %add3A_62 = arith.addi %select_n3A, %add3A_61 : i32
    %dma_wait3A_63 = arith.constant 0 : i32
    %dma_wait3A_64 = tpu.memref_slice %arg3[%add3A_62, %dma_wait3A_63] : memref<2560x128xi32, #tpu.memory_space<hbm>> -> memref<1x128xi32, #tpu.memory_space<hbm>>
    %dma_wait3A_65 = tpu.memref_squeeze %dma_wait3A_64 : memref<1x128xi32, #tpu.memory_space<hbm>> -> memref<128xi32, #tpu.memory_space<hbm>>
    %dma_wait3A_66 = arith.constant 0 : i32
    %dma_wait3A_67 = tpu.memref_slice %arg3[%add3A_62, %dma_wait3A_66] : memref<2560x128xi32, #tpu.memory_space<hbm>> -> memref<1x128xi32, #tpu.memory_space<hbm>>
    %dma_wait3A_68 = tpu.memref_squeeze %dma_wait3A_67 : memref<1x128xi32, #tpu.memory_space<hbm>> -> memref<128xi32, #tpu.memory_space<hbm>>
    tpu.wait_dma2 semaphore(%arg17 : memref<!tpu.dma_semaphore, #tpu.memory_space<semaphore_mem>>) src(%dma_wait3A_68 : memref<128xi32, #tpu.memory_space<hbm>>) dst(%arg9 : memref<128xi32, #tpu.memory_space<vmem>>)
    %add3A_69 = arith.constant 1 : i32
    %add3A_70 = arith.addi %select_n3A, %add3A_69 : i32
    %dma_wait3A_71 = arith.constant 0 : i32
    %dma_wait3A_72 = tpu.memref_slice %arg4[%add3A_70, %dma_wait3A_71] : memref<2560x128xi32, #tpu.memory_space<hbm>> -> memref<1x128xi32, #tpu.memory_space<hbm>>
    %dma_wait3A_73 = tpu.memref_squeeze %dma_wait3A_72 : memref<1x128xi32, #tpu.memory_space<hbm>> -> memref<128xi32, #tpu.memory_space<hbm>>
    %dma_wait3A_74 = arith.constant 0 : i32
    %dma_wait3A_75 = tpu.memref_slice %arg4[%add3A_70, %dma_wait3A_74] : memref<2560x128xi32, #tpu.memory_space<hbm>> -> memref<1x128xi32, #tpu.memory_space<hbm>>
    %dma_wait3A_76 = tpu.memref_squeeze %dma_wait3A_75 : memref<1x128xi32, #tpu.memory_space<hbm>> -> memref<128xi32, #tpu.memory_space<hbm>>
    tpu.wait_dma2 semaphore(%arg17 : memref<!tpu.dma_semaphore, #tpu.memory_space<semaphore_mem>>) src(%dma_wait3A_76 : memref<128xi32, #tpu.memory_space<hbm>>) dst(%arg11 : memref<128xi32, #tpu.memory_space<vmem>>)
    %jit3A = arith.constant 2 : i32
    %div3A = arith.divsi %select_n3A_9, %jit3A : i32
    %sign3A = arith.constant 0 : i32
    %sign3A_77 = arith.cmpi sgt, %select_n3A_9, %sign3A : i32
    %sign3A_78 = arith.extui %sign3A_77 : i1 to i32
    %sign3A_79 = arith.constant 0 : i32
    %sign3A_80 = arith.cmpi slt, %select_n3A_9, %sign3A_79 : i32
    %sign3A_81 = arith.extui %sign3A_80 : i1 to i32
    %sign3A_82 = arith.subi %sign3A_78, %sign3A_81 : i32
    %sign3A_83 = arith.constant 0 : i32
    %sign3A_84 = arith.cmpi sgt, %jit3A, %sign3A_83 : i32
    %sign3A_85 = arith.extui %sign3A_84 : i1 to i32
    %sign3A_86 = arith.constant 0 : i32
    %sign3A_87 = arith.cmpi slt, %jit3A, %sign3A_86 : i32
    %sign3A_88 = arith.extui %sign3A_87 : i1 to i32
    %sign3A_89 = arith.subi %sign3A_85, %sign3A_88 : i32
    %ne3A = arith.cmpi ne, %sign3A_82, %sign3A_89 : i32
    %rem3A = arith.remsi %select_n3A_9, %jit3A : i32
    %ne3A_90 = arith.constant 0 : i32
    %ne3A_91 = arith.cmpi ne, %rem3A, %ne3A_90 : i32
    %and3A = arith.andi %ne3A, %ne3A_91 : i1
    %sub3A = arith.constant 1 : i32
    %sub3A_92 = arith.subi %div3A, %sub3A : i32
    %select_n3A_93 = arith.select %and3A, %sub3A_92, %div3A : i32
    %sub3A_94 = arith.constant 1 : i32
    %sub3A_95 = arith.subi %select_n3A_93, %sub3A_94 : i32
    %while3A = arith.constant 0 : i32
    %while3A_96 = arith.constant 0 : i32
    %while3A_97 = arith.subi %sub3A_95, %while3A_96 : i32
    %while3A_98 = arith.addi %while3A_96, %while3A_97 : i32
    %while3A_99 = arith.constant 1 : i32
    %while3A_100 = arith.divsi %while3A_97, %while3A_99 : i32
    %while3A_101 = arith.muli %while3A_100, %while3A_99 : i32
    %while3A_102 = arith.addi %while3A_96, %while3A_101 : i32
    %while3A_103 = arith.constant 1 : i32
    scf.for %while3A_122 = %while3A_96 to %while3A_102 step %while3A_103  : i32 {
      %mul3A_123 = arith.constant 2 : i32
      %mul3A_124 = arith.muli %mul3A_123, %while3A_122 : i32
      %dma_start3A_125 = arith.constant 0 : i32
      %dma_start3A_126 = arith.constant 0 : i32
      %dma_start3A_127 = tpu.memref_slice %arg2[%dma_start3A_125, %dma_start3A_126] : memref<10000x128xf32, #tpu.memory_space<hbm>> -> memref<10000x128xf32, #tpu.memory_space<hbm>>
      tpu.enqueue_indirect_dma source(%dma_start3A_127 : memref<10000x128xf32, #tpu.memory_space<hbm>>) target(%arg13 : memref<128x128xf32, #tpu.memory_space<vmem>>) offsets(%arg9 : memref<128xi32, #tpu.memory_space<vmem>>) semaphore(%arg15 : memref<!tpu.dma_semaphore, #tpu.memory_space<semaphore_mem>>)
      %dma_wait3A_128 = arith.constant 0 : i32
      %dma_wait3A_129 = arith.constant 0 : i32
      %dma_wait3A_130 = tpu.memref_slice %arg2[%dma_wait3A_128, %dma_wait3A_129] : memref<10000x128xf32, #tpu.memory_space<hbm>> -> memref<10000x128xf32, #tpu.memory_space<hbm>>
      tpu.wait_indirect_dma semaphore(%arg14 : memref<!tpu.dma_semaphore, #tpu.memory_space<semaphore_mem>>) src(%dma_wait3A_130 : memref<10000x128xf32, #tpu.memory_space<hbm>>) dst(%arg12 : memref<128x128xf32, #tpu.memory_space<vmem>>)
      %add3A_131 = arith.addi %select_n3A, %mul3A_124 : i32
      %add3A_132 = arith.constant 2 : i32
      %add3A_133 = arith.addi %add3A_131, %add3A_132 : i32
      %dma_start3A_134 = arith.constant 0 : i32
      %dma_start3A_135 = tpu.memref_slice %arg3[%add3A_133, %dma_start3A_134] : memref<2560x128xi32, #tpu.memory_space<hbm>> -> memref<1x128xi32, #tpu.memory_space<hbm>>
      %dma_start3A_136 = tpu.memref_squeeze %dma_start3A_135 : memref<1x128xi32, #tpu.memory_space<hbm>> -> memref<128xi32, #tpu.memory_space<hbm>>
      %dma_start3A_137 = arith.constant 0 : i32
      %dma_start3A_138 = tpu.memref_slice %arg3[%add3A_133, %dma_start3A_137] : memref<2560x128xi32, #tpu.memory_space<hbm>> -> memref<1x128xi32, #tpu.memory_space<hbm>>
      %dma_start3A_139 = tpu.memref_squeeze %dma_start3A_138 : memref<1x128xi32, #tpu.memory_space<hbm>> -> memref<128xi32, #tpu.memory_space<hbm>>
      tpu.enqueue_dma source(%dma_start3A_139 : memref<128xi32, #tpu.memory_space<hbm>>) target(%arg8 : memref<128xi32, #tpu.memory_space<vmem>>) target_semaphore(%arg16 : memref<!tpu.dma_semaphore, #tpu.memory_space<semaphore_mem>>)
      "tpu.region"() ({
        %run_scoped3A = tpu.sem_alloc : memref<!tpu.dma_semaphore, #tpu.memory_space<semaphore_mem>>
        %dma_start3A_205 = arith.constant 0 : i32
        %dma_start3A_206 = arith.constant 0 : i32
        %dma_start3A_207 = tpu.memref_slice %arg7[%dma_start3A_205, %dma_start3A_206] : memref<10240x128xf32, #tpu.memory_space<vmem_shared>> -> memref<10240x128xf32, #tpu.memory_space<vmem_shared>>
        tpu.enqueue_indirect_dma source(%arg12 : memref<128x128xf32, #tpu.memory_space<vmem>>) target(%dma_start3A_207 : memref<10240x128xf32, #tpu.memory_space<vmem_shared>>) offsets(%arg10 : memref<128xi32, #tpu.memory_space<vmem>>) semaphore(%run_scoped3A : memref<!tpu.dma_semaphore, #tpu.memory_space<semaphore_mem>>) {add = true}
        %dma_wait3A_208 = arith.constant 0 : i32
        %dma_wait3A_209 = arith.constant 0 : i32
        %dma_wait3A_210 = tpu.memref_slice %arg7[%dma_wait3A_208, %dma_wait3A_209] : memref<10240x128xf32, #tpu.memory_space<vmem_shared>> -> memref<10240x128xf32, #tpu.memory_space<vmem_shared>>
        tpu.wait_indirect_dma semaphore(%run_scoped3A : memref<!tpu.dma_semaphore, #tpu.memory_space<semaphore_mem>>) src(%arg12 : memref<128x128xf32, #tpu.memory_space<vmem>>) dst(%dma_wait3A_210 : memref<10240x128xf32, #tpu.memory_space<vmem_shared>>)
        tpu.yield
      }) : () -> ()
      %add3A_140 = arith.addi %select_n3A, %mul3A_124 : i32
      %add3A_141 = arith.constant 2 : i32
      %add3A_142 = arith.addi %add3A_140, %add3A_141 : i32
      %dma_start3A_143 = arith.constant 0 : i32
      %dma_start3A_144 = tpu.memref_slice %arg4[%add3A_142, %dma_start3A_143] : memref<2560x128xi32, #tpu.memory_space<hbm>> -> memref<1x128xi32, #tpu.memory_space<hbm>>
      %dma_start3A_145 = tpu.memref_squeeze %dma_start3A_144 : memref<1x128xi32, #tpu.memory_space<hbm>> -> memref<128xi32, #tpu.memory_space<hbm>>
      %dma_start3A_146 = arith.constant 0 : i32
      %dma_start3A_147 = tpu.memref_slice %arg4[%add3A_142, %dma_start3A_146] : memref<2560x128xi32, #tpu.memory_space<hbm>> -> memref<1x128xi32, #tpu.memory_space<hbm>>
      %dma_start3A_148 = tpu.memref_squeeze %dma_start3A_147 : memref<1x128xi32, #tpu.memory_space<hbm>> -> memref<128xi32, #tpu.memory_space<hbm>>
      tpu.enqueue_dma source(%dma_start3A_148 : memref<128xi32, #tpu.memory_space<hbm>>) target(%arg10 : memref<128xi32, #tpu.memory_space<vmem>>) target_semaphore(%arg16 : memref<!tpu.dma_semaphore, #tpu.memory_space<semaphore_mem>>)
      %add3A_149 = arith.constant 2 : i32
      %add3A_150 = arith.addi %mul3A_124, %add3A_149 : i32
      %add3A_151 = arith.addi %select_n3A, %add3A_150 : i32
      %dma_wait3A_152 = arith.constant 0 : i32
      %dma_wait3A_153 = tpu.memref_slice %arg3[%add3A_151, %dma_wait3A_152] : memref<2560x128xi32, #tpu.memory_space<hbm>> -> memref<1x128xi32, #tpu.memory_space<hbm>>
      %dma_wait3A_154 = tpu.memref_squeeze %dma_wait3A_153 : memref<1x128xi32, #tpu.memory_space<hbm>> -> memref<128xi32, #tpu.memory_space<hbm>>
      %dma_wait3A_155 = arith.constant 0 : i32
      %dma_wait3A_156 = tpu.memref_slice %arg3[%add3A_151, %dma_wait3A_155] : memref<2560x128xi32, #tpu.memory_space<hbm>> -> memref<1x128xi32, #tpu.memory_space<hbm>>
      %dma_wait3A_157 = tpu.memref_squeeze %dma_wait3A_156 : memref<1x128xi32, #tpu.memory_space<hbm>> -> memref<128xi32, #tpu.memory_space<hbm>>
      tpu.wait_dma2 semaphore(%arg16 : memref<!tpu.dma_semaphore, #tpu.memory_space<semaphore_mem>>) src(%dma_wait3A_157 : memref<128xi32, #tpu.memory_space<hbm>>) dst(%arg8 : memref<128xi32, #tpu.memory_space<vmem>>)
      %add3A_158 = arith.addi %select_n3A, %add3A_150 : i32
      %dma_wait3A_159 = arith.constant 0 : i32
      %dma_wait3A_160 = tpu.memref_slice %arg4[%add3A_158, %dma_wait3A_159] : memref<2560x128xi32, #tpu.memory_space<hbm>> -> memref<1x128xi32, #tpu.memory_space<hbm>>
      %dma_wait3A_161 = tpu.memref_squeeze %dma_wait3A_160 : memref<1x128xi32, #tpu.memory_space<hbm>> -> memref<128xi32, #tpu.memory_space<hbm>>
      %dma_wait3A_162 = arith.constant 0 : i32
      %dma_wait3A_163 = tpu.memref_slice %arg4[%add3A_158, %dma_wait3A_162] : memref<2560x128xi32, #tpu.memory_space<hbm>> -> memref<1x128xi32, #tpu.memory_space<hbm>>
      %dma_wait3A_164 = tpu.memref_squeeze %dma_wait3A_163 : memref<1x128xi32, #tpu.memory_space<hbm>> -> memref<128xi32, #tpu.memory_space<hbm>>
      tpu.wait_dma2 semaphore(%arg16 : memref<!tpu.dma_semaphore, #tpu.memory_space<semaphore_mem>>) src(%dma_wait3A_164 : memref<128xi32, #tpu.memory_space<hbm>>) dst(%arg10 : memref<128xi32, #tpu.memory_space<vmem>>)
      %dma_start3A_165 = arith.constant 0 : i32
      %dma_start3A_166 = arith.constant 0 : i32
      %dma_start3A_167 = tpu.memref_slice %arg2[%dma_start3A_165, %dma_start3A_166] : memref<10000x128xf32, #tpu.memory_space<hbm>> -> memref<10000x128xf32, #tpu.memory_space<hbm>>
      tpu.enqueue_indirect_dma source(%dma_start3A_167 : memref<10000x128xf32, #tpu.memory_space<hbm>>) target(%arg12 : memref<128x128xf32, #tpu.memory_space<vmem>>) offsets(%arg8 : memref<128xi32, #tpu.memory_space<vmem>>) semaphore(%arg14 : memref<!tpu.dma_semaphore, #tpu.memory_space<semaphore_mem>>)
      %dma_wait3A_168 = arith.constant 0 : i32
      %dma_wait3A_169 = arith.constant 0 : i32
      %dma_wait3A_170 = tpu.memref_slice %arg2[%dma_wait3A_168, %dma_wait3A_169] : memref<10000x128xf32, #tpu.memory_space<hbm>> -> memref<10000x128xf32, #tpu.memory_space<hbm>>
      tpu.wait_indirect_dma semaphore(%arg15 : memref<!tpu.dma_semaphore, #tpu.memory_space<semaphore_mem>>) src(%dma_wait3A_170 : memref<10000x128xf32, #tpu.memory_space<hbm>>) dst(%arg13 : memref<128x128xf32, #tpu.memory_space<vmem>>)
      %add3A_171 = arith.addi %select_n3A, %mul3A_124 : i32
      %add3A_172 = arith.constant 3 : i32
      %add3A_173 = arith.addi %add3A_171, %add3A_172 : i32
      %dma_start3A_174 = arith.constant 0 : i32
      %dma_start3A_175 = tpu.memref_slice %arg3[%add3A_173, %dma_start3A_174] : memref<2560x128xi32, #tpu.memory_space<hbm>> -> memref<1x128xi32, #tpu.memory_space<hbm>>
      %dma_start3A_176 = tpu.memref_squeeze %dma_start3A_175 : memref<1x128xi32, #tpu.memory_space<hbm>> -> memref<128xi32, #tpu.memory_space<hbm>>
      %dma_start3A_177 = arith.constant 0 : i32
      %dma_start3A_178 = tpu.memref_slice %arg3[%add3A_173, %dma_start3A_177] : memref<2560x128xi32, #tpu.memory_space<hbm>> -> memref<1x128xi32, #tpu.memory_space<hbm>>
      %dma_start3A_179 = tpu.memref_squeeze %dma_start3A_178 : memref<1x128xi32, #tpu.memory_space<hbm>> -> memref<128xi32, #tpu.memory_space<hbm>>
      tpu.enqueue_dma source(%dma_start3A_179 : memref<128xi32, #tpu.memory_space<hbm>>) target(%arg9 : memref<128xi32, #tpu.memory_space<vmem>>) target_semaphore(%arg17 : memref<!tpu.dma_semaphore, #tpu.memory_space<semaphore_mem>>)
      "tpu.region"() ({
        %run_scoped3A = tpu.sem_alloc : memref<!tpu.dma_semaphore, #tpu.memory_space<semaphore_mem>>
        %dma_start3A_205 = arith.constant 0 : i32
        %dma_start3A_206 = arith.constant 0 : i32
        %dma_start3A_207 = tpu.memref_slice %arg7[%dma_start3A_205, %dma_start3A_206] : memref<10240x128xf32, #tpu.memory_space<vmem_shared>> -> memref<10240x128xf32, #tpu.memory_space<vmem_shared>>
        tpu.enqueue_indirect_dma source(%arg13 : memref<128x128xf32, #tpu.memory_space<vmem>>) target(%dma_start3A_207 : memref<10240x128xf32, #tpu.memory_space<vmem_shared>>) offsets(%arg11 : memref<128xi32, #tpu.memory_space<vmem>>) semaphore(%run_scoped3A : memref<!tpu.dma_semaphore, #tpu.memory_space<semaphore_mem>>) {add = true}
        %dma_wait3A_208 = arith.constant 0 : i32
        %dma_wait3A_209 = arith.constant 0 : i32
        %dma_wait3A_210 = tpu.memref_slice %arg7[%dma_wait3A_208, %dma_wait3A_209] : memref<10240x128xf32, #tpu.memory_space<vmem_shared>> -> memref<10240x128xf32, #tpu.memory_space<vmem_shared>>
        tpu.wait_indirect_dma semaphore(%run_scoped3A : memref<!tpu.dma_semaphore, #tpu.memory_space<semaphore_mem>>) src(%arg13 : memref<128x128xf32, #tpu.memory_space<vmem>>) dst(%dma_wait3A_210 : memref<10240x128xf32, #tpu.memory_space<vmem_shared>>)
        tpu.yield
      }) : () -> ()
      %add3A_180 = arith.addi %select_n3A, %mul3A_124 : i32
      %add3A_181 = arith.constant 3 : i32
      %add3A_182 = arith.addi %add3A_180, %add3A_181 : i32
      %dma_start3A_183 = arith.constant 0 : i32
      %dma_start3A_184 = tpu.memref_slice %arg4[%add3A_182, %dma_start3A_183] : memref<2560x128xi32, #tpu.memory_space<hbm>> -> memref<1x128xi32, #tpu.memory_space<hbm>>
      %dma_start3A_185 = tpu.memref_squeeze %dma_start3A_184 : memref<1x128xi32, #tpu.memory_space<hbm>> -> memref<128xi32, #tpu.memory_space<hbm>>
      %dma_start3A_186 = arith.constant 0 : i32
      %dma_start3A_187 = tpu.memref_slice %arg4[%add3A_182, %dma_start3A_186] : memref<2560x128xi32, #tpu.memory_space<hbm>> -> memref<1x128xi32, #tpu.memory_space<hbm>>
      %dma_start3A_188 = tpu.memref_squeeze %dma_start3A_187 : memref<1x128xi32, #tpu.memory_space<hbm>> -> memref<128xi32, #tpu.memory_space<hbm>>
      tpu.enqueue_dma source(%dma_start3A_188 : memref<128xi32, #tpu.memory_space<hbm>>) target(%arg11 : memref<128xi32, #tpu.memory_space<vmem>>) target_semaphore(%arg17 : memref<!tpu.dma_semaphore, #tpu.memory_space<semaphore_mem>>)
      %add3A_189 = arith.constant 3 : i32
      %add3A_190 = arith.addi %mul3A_124, %add3A_189 : i32
      %add3A_191 = arith.addi %select_n3A, %add3A_190 : i32
      %dma_wait3A_192 = arith.constant 0 : i32
      %dma_wait3A_193 = tpu.memref_slice %arg3[%add3A_191, %dma_wait3A_192] : memref<2560x128xi32, #tpu.memory_space<hbm>> -> memref<1x128xi32, #tpu.memory_space<hbm>>
      %dma_wait3A_194 = tpu.memref_squeeze %dma_wait3A_193 : memref<1x128xi32, #tpu.memory_space<hbm>> -> memref<128xi32, #tpu.memory_space<hbm>>
      %dma_wait3A_195 = arith.constant 0 : i32
      %dma_wait3A_196 = tpu.memref_slice %arg3[%add3A_191, %dma_wait3A_195] : memref<2560x128xi32, #tpu.memory_space<hbm>> -> memref<1x128xi32, #tpu.memory_space<hbm>>
      %dma_wait3A_197 = tpu.memref_squeeze %dma_wait3A_196 : memref<1x128xi32, #tpu.memory_space<hbm>> -> memref<128xi32, #tpu.memory_space<hbm>>
      tpu.wait_dma2 semaphore(%arg17 : memref<!tpu.dma_semaphore, #tpu.memory_space<semaphore_mem>>) src(%dma_wait3A_197 : memref<128xi32, #tpu.memory_space<hbm>>) dst(%arg9 : memref<128xi32, #tpu.memory_space<vmem>>)
      %add3A_198 = arith.addi %select_n3A, %add3A_190 : i32
      %dma_wait3A_199 = arith.constant 0 : i32
      %dma_wait3A_200 = tpu.memref_slice %arg4[%add3A_198, %dma_wait3A_199] : memref<2560x128xi32, #tpu.memory_space<hbm>> -> memref<1x128xi32, #tpu.memory_space<hbm>>
      %dma_wait3A_201 = tpu.memref_squeeze %dma_wait3A_200 : memref<1x128xi32, #tpu.memory_space<hbm>> -> memref<128xi32, #tpu.memory_space<hbm>>
      %dma_wait3A_202 = arith.constant 0 : i32
      %dma_wait3A_203 = tpu.memref_slice %arg4[%add3A_198, %dma_wait3A_202] : memref<2560x128xi32, #tpu.memory_space<hbm>> -> memref<1x128xi32, #tpu.memory_space<hbm>>
      %dma_wait3A_204 = tpu.memref_squeeze %dma_wait3A_203 : memref<1x128xi32, #tpu.memory_space<hbm>> -> memref<128xi32, #tpu.memory_space<hbm>>
      tpu.wait_dma2 semaphore(%arg17 : memref<!tpu.dma_semaphore, #tpu.memory_space<semaphore_mem>>) src(%dma_wait3A_204 : memref<128xi32, #tpu.memory_space<hbm>>) dst(%arg11 : memref<128xi32, #tpu.memory_space<vmem>>)
    }
    %while3A_104 = arith.constant 1 : i32
    scf.for %while3A_122 = %while3A_102 to %while3A_98 step %while3A_104  : i32 {
      %mul3A_123 = arith.constant 2 : i32
      %mul3A_124 = arith.muli %mul3A_123, %while3A_122 : i32
      %dma_start3A_125 = arith.constant 0 : i32
      %dma_start3A_126 = arith.constant 0 : i32
      %dma_start3A_127 = tpu.memref_slice %arg2[%dma_start3A_125, %dma_start3A_126] : memref<10000x128xf32, #tpu.memory_space<hbm>> -> memref<10000x128xf32, #tpu.memory_space<hbm>>
      tpu.enqueue_indirect_dma source(%dma_start3A_127 : memref<10000x128xf32, #tpu.memory_space<hbm>>) target(%arg13 : memref<128x128xf32, #tpu.memory_space<vmem>>) offsets(%arg9 : memref<128xi32, #tpu.memory_space<vmem>>) semaphore(%arg15 : memref<!tpu.dma_semaphore, #tpu.memory_space<semaphore_mem>>)
      %dma_wait3A_128 = arith.constant 0 : i32
      %dma_wait3A_129 = arith.constant 0 : i32
      %dma_wait3A_130 = tpu.memref_slice %arg2[%dma_wait3A_128, %dma_wait3A_129] : memref<10000x128xf32, #tpu.memory_space<hbm>> -> memref<10000x128xf32, #tpu.memory_space<hbm>>
      tpu.wait_indirect_dma semaphore(%arg14 : memref<!tpu.dma_semaphore, #tpu.memory_space<semaphore_mem>>) src(%dma_wait3A_130 : memref<10000x128xf32, #tpu.memory_space<hbm>>) dst(%arg12 : memref<128x128xf32, #tpu.memory_space<vmem>>)
      %add3A_131 = arith.addi %select_n3A, %mul3A_124 : i32
      %add3A_132 = arith.constant 2 : i32
      %add3A_133 = arith.addi %add3A_131, %add3A_132 : i32
      %dma_start3A_134 = arith.constant 0 : i32
      %dma_start3A_135 = tpu.memref_slice %arg3[%add3A_133, %dma_start3A_134] : memref<2560x128xi32, #tpu.memory_space<hbm>> -> memref<1x128xi32, #tpu.memory_space<hbm>>
      %dma_start3A_136 = tpu.memref_squeeze %dma_start3A_135 : memref<1x128xi32, #tpu.memory_space<hbm>> -> memref<128xi32, #tpu.memory_space<hbm>>
      %dma_start3A_137 = arith.constant 0 : i32
      %dma_start3A_138 = tpu.memref_slice %arg3[%add3A_133, %dma_start3A_137] : memref<2560x128xi32, #tpu.memory_space<hbm>> -> memref<1x128xi32, #tpu.memory_space<hbm>>
      %dma_start3A_139 = tpu.memref_squeeze %dma_start3A_138 : memref<1x128xi32, #tpu.memory_space<hbm>> -> memref<128xi32, #tpu.memory_space<hbm>>
      tpu.enqueue_dma source(%dma_start3A_139 : memref<128xi32, #tpu.memory_space<hbm>>) target(%arg8 : memref<128xi32, #tpu.memory_space<vmem>>) target_semaphore(%arg16 : memref<!tpu.dma_semaphore, #tpu.memory_space<semaphore_mem>>)
      "tpu.region"() ({
        %run_scoped3A = tpu.sem_alloc : memref<!tpu.dma_semaphore, #tpu.memory_space<semaphore_mem>>
        %dma_start3A_205 = arith.constant 0 : i32
        %dma_start3A_206 = arith.constant 0 : i32
        %dma_start3A_207 = tpu.memref_slice %arg7[%dma_start3A_205, %dma_start3A_206] : memref<10240x128xf32, #tpu.memory_space<vmem_shared>> -> memref<10240x128xf32, #tpu.memory_space<vmem_shared>>
        tpu.enqueue_indirect_dma source(%arg12 : memref<128x128xf32, #tpu.memory_space<vmem>>) target(%dma_start3A_207 : memref<10240x128xf32, #tpu.memory_space<vmem_shared>>) offsets(%arg10 : memref<128xi32, #tpu.memory_space<vmem>>) semaphore(%run_scoped3A : memref<!tpu.dma_semaphore, #tpu.memory_space<semaphore_mem>>) {add = true}
        %dma_wait3A_208 = arith.constant 0 : i32
        %dma_wait3A_209 = arith.constant 0 : i32
        %dma_wait3A_210 = tpu.memref_slice %arg7[%dma_wait3A_208, %dma_wait3A_209] : memref<10240x128xf32, #tpu.memory_space<vmem_shared>> -> memref<10240x128xf32, #tpu.memory_space<vmem_shared>>
        tpu.wait_indirect_dma semaphore(%run_scoped3A : memref<!tpu.dma_semaphore, #tpu.memory_space<semaphore_mem>>) src(%arg12 : memref<128x128xf32, #tpu.memory_space<vmem>>) dst(%dma_wait3A_210 : memref<10240x128xf32, #tpu.memory_space<vmem_shared>>)
        tpu.yield
      }) : () -> ()
      %add3A_140 = arith.addi %select_n3A, %mul3A_124 : i32
      %add3A_141 = arith.constant 2 : i32
      %add3A_142 = arith.addi %add3A_140, %add3A_141 : i32
      %dma_start3A_143 = arith.constant 0 : i32
      %dma_start3A_144 = tpu.memref_slice %arg4[%add3A_142, %dma_start3A_143] : memref<2560x128xi32, #tpu.memory_space<hbm>> -> memref<1x128xi32, #tpu.memory_space<hbm>>
      %dma_start3A_145 = tpu.memref_squeeze %dma_start3A_144 : memref<1x128xi32, #tpu.memory_space<hbm>> -> memref<128xi32, #tpu.memory_space<hbm>>
      %dma_start3A_146 = arith.constant 0 : i32
      %dma_start3A_147 = tpu.memref_slice %arg4[%add3A_142, %dma_start3A_146] : memref<2560x128xi32, #tpu.memory_space<hbm>> -> memref<1x128xi32, #tpu.memory_space<hbm>>
      %dma_start3A_148 = tpu.memref_squeeze %dma_start3A_147 : memref<1x128xi32, #tpu.memory_space<hbm>> -> memref<128xi32, #tpu.memory_space<hbm>>
      tpu.enqueue_dma source(%dma_start3A_148 : memref<128xi32, #tpu.memory_space<hbm>>) target(%arg10 : memref<128xi32, #tpu.memory_space<vmem>>) target_semaphore(%arg16 : memref<!tpu.dma_semaphore, #tpu.memory_space<semaphore_mem>>)
      %add3A_149 = arith.constant 2 : i32
      %add3A_150 = arith.addi %mul3A_124, %add3A_149 : i32
      %add3A_151 = arith.addi %select_n3A, %add3A_150 : i32
      %dma_wait3A_152 = arith.constant 0 : i32
      %dma_wait3A_153 = tpu.memref_slice %arg3[%add3A_151, %dma_wait3A_152] : memref<2560x128xi32, #tpu.memory_space<hbm>> -> memref<1x128xi32, #tpu.memory_space<hbm>>
      %dma_wait3A_154 = tpu.memref_squeeze %dma_wait3A_153 : memref<1x128xi32, #tpu.memory_space<hbm>> -> memref<128xi32, #tpu.memory_space<hbm>>
      %dma_wait3A_155 = arith.constant 0 : i32
      %dma_wait3A_156 = tpu.memref_slice %arg3[%add3A_151, %dma_wait3A_155] : memref<2560x128xi32, #tpu.memory_space<hbm>> -> memref<1x128xi32, #tpu.memory_space<hbm>>
      %dma_wait3A_157 = tpu.memref_squeeze %dma_wait3A_156 : memref<1x128xi32, #tpu.memory_space<hbm>> -> memref<128xi32, #tpu.memory_space<hbm>>
      tpu.wait_dma2 semaphore(%arg16 : memref<!tpu.dma_semaphore, #tpu.memory_space<semaphore_mem>>) src(%dma_wait3A_157 : memref<128xi32, #tpu.memory_space<hbm>>) dst(%arg8 : memref<128xi32, #tpu.memory_space<vmem>>)
      %add3A_158 = arith.addi %select_n3A, %add3A_150 : i32
      %dma_wait3A_159 = arith.constant 0 : i32
      %dma_wait3A_160 = tpu.memref_slice %arg4[%add3A_158, %dma_wait3A_159] : memref<2560x128xi32, #tpu.memory_space<hbm>> -> memref<1x128xi32, #tpu.memory_space<hbm>>
      %dma_wait3A_161 = tpu.memref_squeeze %dma_wait3A_160 : memref<1x128xi32, #tpu.memory_space<hbm>> -> memref<128xi32, #tpu.memory_space<hbm>>
      %dma_wait3A_162 = arith.constant 0 : i32
      %dma_wait3A_163 = tpu.memref_slice %arg4[%add3A_158, %dma_wait3A_162] : memref<2560x128xi32, #tpu.memory_space<hbm>> -> memref<1x128xi32, #tpu.memory_space<hbm>>
      %dma_wait3A_164 = tpu.memref_squeeze %dma_wait3A_163 : memref<1x128xi32, #tpu.memory_space<hbm>> -> memref<128xi32, #tpu.memory_space<hbm>>
      tpu.wait_dma2 semaphore(%arg16 : memref<!tpu.dma_semaphore, #tpu.memory_space<semaphore_mem>>) src(%dma_wait3A_164 : memref<128xi32, #tpu.memory_space<hbm>>) dst(%arg10 : memref<128xi32, #tpu.memory_space<vmem>>)
      %dma_start3A_165 = arith.constant 0 : i32
      %dma_start3A_166 = arith.constant 0 : i32
      %dma_start3A_167 = tpu.memref_slice %arg2[%dma_start3A_165, %dma_start3A_166] : memref<10000x128xf32, #tpu.memory_space<hbm>> -> memref<10000x128xf32, #tpu.memory_space<hbm>>
      tpu.enqueue_indirect_dma source(%dma_start3A_167 : memref<10000x128xf32, #tpu.memory_space<hbm>>) target(%arg12 : memref<128x128xf32, #tpu.memory_space<vmem>>) offsets(%arg8 : memref<128xi32, #tpu.memory_space<vmem>>) semaphore(%arg14 : memref<!tpu.dma_semaphore, #tpu.memory_space<semaphore_mem>>)
      %dma_wait3A_168 = arith.constant 0 : i32
      %dma_wait3A_169 = arith.constant 0 : i32
      %dma_wait3A_170 = tpu.memref_slice %arg2[%dma_wait3A_168, %dma_wait3A_169] : memref<10000x128xf32, #tpu.memory_space<hbm>> -> memref<10000x128xf32, #tpu.memory_space<hbm>>
      tpu.wait_indirect_dma semaphore(%arg15 : memref<!tpu.dma_semaphore, #tpu.memory_space<semaphore_mem>>) src(%dma_wait3A_170 : memref<10000x128xf32, #tpu.memory_space<hbm>>) dst(%arg13 : memref<128x128xf32, #tpu.memory_space<vmem>>)
      %add3A_171 = arith.addi %select_n3A, %mul3A_124 : i32
      %add3A_172 = arith.constant 3 : i32
      %add3A_173 = arith.addi %add3A_171, %add3A_172 : i32
      %dma_start3A_174 = arith.constant 0 : i32
      %dma_start3A_175 = tpu.memref_slice %arg3[%add3A_173, %dma_start3A_174] : memref<2560x128xi32, #tpu.memory_space<hbm>> -> memref<1x128xi32, #tpu.memory_space<hbm>>
      %dma_start3A_176 = tpu.memref_squeeze %dma_start3A_175 : memref<1x128xi32, #tpu.memory_space<hbm>> -> memref<128xi32, #tpu.memory_space<hbm>>
      %dma_start3A_177 = arith.constant 0 : i32
      %dma_start3A_178 = tpu.memref_slice %arg3[%add3A_173, %dma_start3A_177] : memref<2560x128xi32, #tpu.memory_space<hbm>> -> memref<1x128xi32, #tpu.memory_space<hbm>>
      %dma_start3A_179 = tpu.memref_squeeze %dma_start3A_178 : memref<1x128xi32, #tpu.memory_space<hbm>> -> memref<128xi32, #tpu.memory_space<hbm>>
      tpu.enqueue_dma source(%dma_start3A_179 : memref<128xi32, #tpu.memory_space<hbm>>) target(%arg9 : memref<128xi32, #tpu.memory_space<vmem>>) target_semaphore(%arg17 : memref<!tpu.dma_semaphore, #tpu.memory_space<semaphore_mem>>)
      "tpu.region"() ({
        %run_scoped3A = tpu.sem_alloc : memref<!tpu.dma_semaphore, #tpu.memory_space<semaphore_mem>>
        %dma_start3A_205 = arith.constant 0 : i32
        %dma_start3A_206 = arith.constant 0 : i32
        %dma_start3A_207 = tpu.memref_slice %arg7[%dma_start3A_205, %dma_start3A_206] : memref<10240x128xf32, #tpu.memory_space<vmem_shared>> -> memref<10240x128xf32, #tpu.memory_space<vmem_shared>>
        tpu.enqueue_indirect_dma source(%arg13 : memref<128x128xf32, #tpu.memory_space<vmem>>) target(%dma_start3A_207 : memref<10240x128xf32, #tpu.memory_space<vmem_shared>>) offsets(%arg11 : memref<128xi32, #tpu.memory_space<vmem>>) semaphore(%run_scoped3A : memref<!tpu.dma_semaphore, #tpu.memory_space<semaphore_mem>>) {add = true}
        %dma_wait3A_208 = arith.constant 0 : i32
        %dma_wait3A_209 = arith.constant 0 : i32
        %dma_wait3A_210 = tpu.memref_slice %arg7[%dma_wait3A_208, %dma_wait3A_209] : memref<10240x128xf32, #tpu.memory_space<vmem_shared>> -> memref<10240x128xf32, #tpu.memory_space<vmem_shared>>
        tpu.wait_indirect_dma semaphore(%run_scoped3A : memref<!tpu.dma_semaphore, #tpu.memory_space<semaphore_mem>>) src(%arg13 : memref<128x128xf32, #tpu.memory_space<vmem>>) dst(%dma_wait3A_210 : memref<10240x128xf32, #tpu.memory_space<vmem_shared>>)
        tpu.yield
      }) : () -> ()
      %add3A_180 = arith.addi %select_n3A, %mul3A_124 : i32
      %add3A_181 = arith.constant 3 : i32
      %add3A_182 = arith.addi %add3A_180, %add3A_181 : i32
      %dma_start3A_183 = arith.constant 0 : i32
      %dma_start3A_184 = tpu.memref_slice %arg4[%add3A_182, %dma_start3A_183] : memref<2560x128xi32, #tpu.memory_space<hbm>> -> memref<1x128xi32, #tpu.memory_space<hbm>>
      %dma_start3A_185 = tpu.memref_squeeze %dma_start3A_184 : memref<1x128xi32, #tpu.memory_space<hbm>> -> memref<128xi32, #tpu.memory_space<hbm>>
      %dma_start3A_186 = arith.constant 0 : i32
      %dma_start3A_187 = tpu.memref_slice %arg4[%add3A_182, %dma_start3A_186] : memref<2560x128xi32, #tpu.memory_space<hbm>> -> memref<1x128xi32, #tpu.memory_space<hbm>>
      %dma_start3A_188 = tpu.memref_squeeze %dma_start3A_187 : memref<1x128xi32, #tpu.memory_space<hbm>> -> memref<128xi32, #tpu.memory_space<hbm>>
      tpu.enqueue_dma source(%dma_start3A_188 : memref<128xi32, #tpu.memory_space<hbm>>) target(%arg11 : memref<128xi32, #tpu.memory_space<vmem>>) target_semaphore(%arg17 : memref<!tpu.dma_semaphore, #tpu.memory_space<semaphore_mem>>)
      %add3A_189 = arith.constant 3 : i32
      %add3A_190 = arith.addi %mul3A_124, %add3A_189 : i32
      %add3A_191 = arith.addi %select_n3A, %add3A_190 : i32
      %dma_wait3A_192 = arith.constant 0 : i32
      %dma_wait3A_193 = tpu.memref_slice %arg3[%add3A_191, %dma_wait3A_192] : memref<2560x128xi32, #tpu.memory_space<hbm>> -> memref<1x128xi32, #tpu.memory_space<hbm>>
      %dma_wait3A_194 = tpu.memref_squeeze %dma_wait3A_193 : memref<1x128xi32, #tpu.memory_space<hbm>> -> memref<128xi32, #tpu.memory_space<hbm>>
      %dma_wait3A_195 = arith.constant 0 : i32
      %dma_wait3A_196 = tpu.memref_slice %arg3[%add3A_191, %dma_wait3A_195] : memref<2560x128xi32, #tpu.memory_space<hbm>> -> memref<1x128xi32, #tpu.memory_space<hbm>>
      %dma_wait3A_197 = tpu.memref_squeeze %dma_wait3A_196 : memref<1x128xi32, #tpu.memory_space<hbm>> -> memref<128xi32, #tpu.memory_space<hbm>>
      tpu.wait_dma2 semaphore(%arg17 : memref<!tpu.dma_semaphore, #tpu.memory_space<semaphore_mem>>) src(%dma_wait3A_197 : memref<128xi32, #tpu.memory_space<hbm>>) dst(%arg9 : memref<128xi32, #tpu.memory_space<vmem>>)
      %add3A_198 = arith.addi %select_n3A, %add3A_190 : i32
      %dma_wait3A_199 = arith.constant 0 : i32
      %dma_wait3A_200 = tpu.memref_slice %arg4[%add3A_198, %dma_wait3A_199] : memref<2560x128xi32, #tpu.memory_space<hbm>> -> memref<1x128xi32, #tpu.memory_space<hbm>>
      %dma_wait3A_201 = tpu.memref_squeeze %dma_wait3A_200 : memref<1x128xi32, #tpu.memory_space<hbm>> -> memref<128xi32, #tpu.memory_space<hbm>>
      %dma_wait3A_202 = arith.constant 0 : i32
      %dma_wait3A_203 = tpu.memref_slice %arg4[%add3A_198, %dma_wait3A_202] : memref<2560x128xi32, #tpu.memory_space<hbm>> -> memref<1x128xi32, #tpu.memory_space<hbm>>
      %dma_wait3A_204 = tpu.memref_squeeze %dma_wait3A_203 : memref<1x128xi32, #tpu.memory_space<hbm>> -> memref<128xi32, #tpu.memory_space<hbm>>
      tpu.wait_dma2 semaphore(%arg17 : memref<!tpu.dma_semaphore, #tpu.memory_space<semaphore_mem>>) src(%dma_wait3A_204 : memref<128xi32, #tpu.memory_space<hbm>>) dst(%arg11 : memref<128xi32, #tpu.memory_space<vmem>>)
    }
    %dma_start3A_105 = arith.constant 0 : i32
    %dma_start3A_106 = arith.constant 0 : i32
    %dma_start3A_107 = tpu.memref_slice %arg2[%dma_start3A_105, %dma_start3A_106] : memref<10000x128xf32, #tpu.memory_space<hbm>> -> memref<10000x128xf32, #tpu.memory_space<hbm>>
    tpu.enqueue_indirect_dma source(%dma_start3A_107 : memref<10000x128xf32, #tpu.memory_space<hbm>>) target(%arg13 : memref<128x128xf32, #tpu.memory_space<vmem>>) offsets(%arg9 : memref<128xi32, #tpu.memory_space<vmem>>) semaphore(%arg15 : memref<!tpu.dma_semaphore, #tpu.memory_space<semaphore_mem>>)
    %dma_wait3A_108 = arith.constant 0 : i32
    %dma_wait3A_109 = arith.constant 0 : i32
    %dma_wait3A_110 = tpu.memref_slice %arg2[%dma_wait3A_108, %dma_wait3A_109] : memref<10000x128xf32, #tpu.memory_space<hbm>> -> memref<10000x128xf32, #tpu.memory_space<hbm>>
    tpu.wait_indirect_dma semaphore(%arg14 : memref<!tpu.dma_semaphore, #tpu.memory_space<semaphore_mem>>) src(%dma_wait3A_110 : memref<10000x128xf32, #tpu.memory_space<hbm>>) dst(%arg12 : memref<128x128xf32, #tpu.memory_space<vmem>>)
    "tpu.region"() ({
      %run_scoped3A = tpu.sem_alloc : memref<!tpu.dma_semaphore, #tpu.memory_space<semaphore_mem>>
      %dma_start3A_122 = arith.constant 0 : i32
      %dma_start3A_123 = arith.constant 0 : i32
      %dma_start3A_124 = tpu.memref_slice %arg7[%dma_start3A_122, %dma_start3A_123] : memref<10240x128xf32, #tpu.memory_space<vmem_shared>> -> memref<10240x128xf32, #tpu.memory_space<vmem_shared>>
      tpu.enqueue_indirect_dma source(%arg12 : memref<128x128xf32, #tpu.memory_space<vmem>>) target(%dma_start3A_124 : memref<10240x128xf32, #tpu.memory_space<vmem_shared>>) offsets(%arg10 : memref<128xi32, #tpu.memory_space<vmem>>) semaphore(%run_scoped3A : memref<!tpu.dma_semaphore, #tpu.memory_space<semaphore_mem>>) {add = true}
      %dma_wait3A_125 = arith.constant 0 : i32
      %dma_wait3A_126 = arith.constant 0 : i32
      %dma_wait3A_127 = tpu.memref_slice %arg7[%dma_wait3A_125, %dma_wait3A_126] : memref<10240x128xf32, #tpu.memory_space<vmem_shared>> -> memref<10240x128xf32, #tpu.memory_space<vmem_shared>>
      tpu.wait_indirect_dma semaphore(%run_scoped3A : memref<!tpu.dma_semaphore, #tpu.memory_space<semaphore_mem>>) src(%arg12 : memref<128x128xf32, #tpu.memory_space<vmem>>) dst(%dma_wait3A_127 : memref<10240x128xf32, #tpu.memory_space<vmem_shared>>)
      tpu.yield
    }) : () -> ()
    %dma_wait3A_111 = arith.constant 0 : i32
    %dma_wait3A_112 = arith.constant 0 : i32
    %dma_wait3A_113 = tpu.memref_slice %arg2[%dma_wait3A_111, %dma_wait3A_112] : memref<10000x128xf32, #tpu.memory_space<hbm>> -> memref<10000x128xf32, #tpu.memory_space<hbm>>
    tpu.wait_indirect_dma semaphore(%arg15 : memref<!tpu.dma_semaphore, #tpu.memory_space<semaphore_mem>>) src(%dma_wait3A_113 : memref<10000x128xf32, #tpu.memory_space<hbm>>) dst(%arg13 : memref<128x128xf32, #tpu.memory_space<vmem>>)
    "tpu.region"() ({
      %run_scoped3A = tpu.sem_alloc : memref<!tpu.dma_semaphore, #tpu.memory_space<semaphore_mem>>
      %dma_start3A_122 = arith.constant 0 : i32
      %dma_start3A_123 = arith.constant 0 : i32
      %dma_start3A_124 = tpu.memref_slice %arg7[%dma_start3A_122, %dma_start3A_123] : memref<10240x128xf32, #tpu.memory_space<vmem_shared>> -> memref<10240x128xf32, #tpu.memory_space<vmem_shared>>
      tpu.enqueue_indirect_dma source(%arg13 : memref<128x128xf32, #tpu.memory_space<vmem>>) target(%dma_start3A_124 : memref<10240x128xf32, #tpu.memory_space<vmem_shared>>) offsets(%arg11 : memref<128xi32, #tpu.memory_space<vmem>>) semaphore(%run_scoped3A : memref<!tpu.dma_semaphore, #tpu.memory_space<semaphore_mem>>) {add = true}
      %dma_wait3A_125 = arith.constant 0 : i32
      %dma_wait3A_126 = arith.constant 0 : i32
      %dma_wait3A_127 = tpu.memref_slice %arg7[%dma_wait3A_125, %dma_wait3A_126] : memref<10240x128xf32, #tpu.memory_space<vmem_shared>> -> memref<10240x128xf32, #tpu.memory_space<vmem_shared>>
      tpu.wait_indirect_dma semaphore(%run_scoped3A : memref<!tpu.dma_semaphore, #tpu.memory_space<semaphore_mem>>) src(%arg13 : memref<128x128xf32, #tpu.memory_space<vmem>>) dst(%dma_wait3A_127 : memref<10240x128xf32, #tpu.memory_space<vmem_shared>>)
      tpu.yield
    }) : () -> ()
    %barrier3A_114 = arith.constant 0 : index
    tpu.barrier barrier_id(%barrier3A_114)
    %mul3A_115 = arith.constant 640 : i32
    %mul3A_116 = arith.muli %arg1, %mul3A_115 : i32
    %mul3A_117 = arith.constant 10240 : i32
    %mul3A_118 = arith.muli %arg0, %mul3A_117 : i32
    %mul3A_119 = arith.constant 640 : i32
    %mul3A_120 = arith.muli %arg1, %mul3A_119 : i32
    %add3A_121 = arith.addi %mul3A_118, %mul3A_120 : i32
    "tpu.region"() ({
      %run_scoped3A = tpu.sem_alloc : memref<!tpu.dma_semaphore, #tpu.memory_space<semaphore_mem>>
      %dma_start3A_122 = arith.constant 0 : i32
      %dma_start3A_123 = tpu.memref_slice %arg6[%add3A_121, %dma_start3A_122] : memref<20480x128xf32, #tpu.memory_space<hbm>> -> memref<640x128xf32, #tpu.memory_space<hbm>>
      %dma_start3A_124 = arith.constant 0 : i32
      %dma_start3A_125 = tpu.memref_slice %arg7[%mul3A_116, %dma_start3A_124] : memref<10240x128xf32, #tpu.memory_space<vmem_shared>> -> memref<640x128xf32, #tpu.memory_space<vmem_shared>>
      tpu.enqueue_dma source(%dma_start3A_125 : memref<640x128xf32, #tpu.memory_space<vmem_shared>>) target(%dma_start3A_123 : memref<640x128xf32, #tpu.memory_space<hbm>>) target_semaphore(%run_scoped3A : memref<!tpu.dma_semaphore, #tpu.memory_space<semaphore_mem>>)
      %dma_wait3A_126 = arith.constant 0 : i32
      %dma_wait3A_127 = tpu.memref_slice %arg6[%add3A_121, %dma_wait3A_126] : memref<20480x128xf32, #tpu.memory_space<hbm>> -> memref<640x128xf32, #tpu.memory_space<hbm>>
      %dma_wait3A_128 = arith.constant 0 : i32
      %dma_wait3A_129 = tpu.memref_slice %arg7[%mul3A_116, %dma_wait3A_128] : memref<10240x128xf32, #tpu.memory_space<vmem_shared>> -> memref<640x128xf32, #tpu.memory_space<vmem_shared>>
      tpu.wait_dma2 semaphore(%run_scoped3A : memref<!tpu.dma_semaphore, #tpu.memory_space<semaphore_mem>>) src(%dma_wait3A_129 : memref<640x128xf32, #tpu.memory_space<vmem_shared>>) dst(%dma_wait3A_127 : memref<640x128xf32, #tpu.memory_space<hbm>>)
      tpu.yield
    }) : () -> ()
    return
  }
}

#map = affine_map<(d0, d1) -> (0, 0)>
module attributes {stable_mosaic.version = 14 : i64} {
  func.func @_cnt_body(%arg0: i32, %arg1: i32, %arg2: memref<2560x128xi32, #tpu.memory_space<hbm>>, %arg3: memref<640x128xf32, #tpu.memory_space<hbm>>, %arg4: memref<128x128xf32, #tpu.memory_space<hbm>>, %arg5: memref<20480x128xf32, #tpu.memory_space<hbm>>, %arg6: memref<10240x128xf32, #tpu.memory_space<vmem_shared>>, %arg7: memref<128xi32, #tpu.memory_space<vmem>>, %arg8: memref<128xi32, #tpu.memory_space<vmem>>, %arg9: memref<128x128xf32, #tpu.memory_space<vmem>>, %arg10: memref<!tpu.dma_semaphore, #tpu.memory_space<semaphore_mem>>, %arg11: memref<!tpu.dma_semaphore, #tpu.memory_space<semaphore_mem>>) attributes {dimension_semantics = [#tpu.dimension_semantics<core_parallel>, #tpu.dimension_semantics<subcore_parallel>], iteration_bounds = array<i64: 2, 16>, scalar_prefetch = 0 : i64, scratch_operands = 6 : i64, tpu.core_type = #tpu.core_type<sc_vector_subcore>, window_params = [{transform_indices = #map}, {transform_indices = #map}, {transform_indices = #map}, {transform_indices = #map}]} {
    %eq3A = arith.constant 0 : i32
    %eq3A_0 = arith.cmpi eq, %arg0, %eq3A : i32
    %mul3A = arith.constant 84 : i32
    %mul3A_1 = arith.muli %arg1, %mul3A : i32
    %mul3A_2 = arith.constant 76 : i32
    %mul3A_3 = arith.muli %arg1, %mul3A_2 : i32
    %add3A = arith.constant 1344 : i32
    %add3A_4 = arith.addi %add3A, %mul3A_3 : i32
    %select_n3A = arith.select %eq3A_0, %mul3A_1, %add3A_4 : i32
    %eq3A_5 = arith.constant 0 : i32
    %eq3A_6 = arith.cmpi eq, %arg0, %eq3A_5 : i32
    %select_n3A_7 = arith.constant 76 : i32
    %select_n3A_8 = arith.constant 84 : i32
    %select_n3A_9 = arith.select %eq3A_6, %select_n3A_8, %select_n3A_7 : i32
    %mul3A_10 = arith.constant 640 : i32
    %mul3A_11 = arith.muli %arg1, %mul3A_10 : i32
    "tpu.region"() ({
      %run_scoped3A = tpu.sem_alloc : memref<!tpu.dma_semaphore, #tpu.memory_space<semaphore_mem>>
      %dma_start3A_62 = arith.constant 0 : i32
      %dma_start3A_63 = tpu.memref_slice %arg6[%mul3A_11, %dma_start3A_62] : memref<10240x128xf32, #tpu.memory_space<vmem_shared>> -> memref<640x128xf32, #tpu.memory_space<vmem_shared>>
      tpu.enqueue_dma source(%arg3 : memref<640x128xf32, #tpu.memory_space<hbm>>) target(%dma_start3A_63 : memref<640x128xf32, #tpu.memory_space<vmem_shared>>) target_semaphore(%run_scoped3A : memref<!tpu.dma_semaphore, #tpu.memory_space<semaphore_mem>>)
      %dma_wait3A_64 = arith.constant 0 : i32
      %dma_wait3A_65 = tpu.memref_slice %arg6[%mul3A_11, %dma_wait3A_64] : memref<10240x128xf32, #tpu.memory_space<vmem_shared>> -> memref<640x128xf32, #tpu.memory_space<vmem_shared>>
      tpu.wait_dma2 semaphore(%run_scoped3A : memref<!tpu.dma_semaphore, #tpu.memory_space<semaphore_mem>>) src(%arg3 : memref<640x128xf32, #tpu.memory_space<hbm>>) dst(%dma_wait3A_65 : memref<640x128xf32, #tpu.memory_space<vmem_shared>>)
      tpu.yield
    }) : () -> ()
    "tpu.region"() ({
      %run_scoped3A = tpu.sem_alloc : memref<!tpu.dma_semaphore, #tpu.memory_space<semaphore_mem>>
      tpu.enqueue_dma source(%arg4 : memref<128x128xf32, #tpu.memory_space<hbm>>) target(%arg9 : memref<128x128xf32, #tpu.memory_space<vmem>>) target_semaphore(%run_scoped3A : memref<!tpu.dma_semaphore, #tpu.memory_space<semaphore_mem>>)
      tpu.wait_dma2 semaphore(%run_scoped3A : memref<!tpu.dma_semaphore, #tpu.memory_space<semaphore_mem>>) src(%arg4 : memref<128x128xf32, #tpu.memory_space<hbm>>) dst(%arg9 : memref<128x128xf32, #tpu.memory_space<vmem>>)
      tpu.yield
    }) : () -> ()
    %barrier3A = arith.constant 0 : index
    tpu.barrier barrier_id(%barrier3A)
    %add3A_12 = arith.constant 0 : i32
    %add3A_13 = arith.addi %select_n3A, %add3A_12 : i32
    "tpu.region"() ({
      %run_scoped3A = tpu.sem_alloc : memref<!tpu.dma_semaphore, #tpu.memory_space<semaphore_mem>>
      %dma_start3A_62 = arith.constant 0 : i32
      %dma_start3A_63 = tpu.memref_slice %arg2[%add3A_13, %dma_start3A_62] : memref<2560x128xi32, #tpu.memory_space<hbm>> -> memref<1x128xi32, #tpu.memory_space<hbm>>
      %dma_start3A_64 = tpu.memref_squeeze %dma_start3A_63 : memref<1x128xi32, #tpu.memory_space<hbm>> -> memref<128xi32, #tpu.memory_space<hbm>>
      %dma_start3A_65 = arith.constant 0 : i32
      %dma_start3A_66 = tpu.memref_slice %arg2[%add3A_13, %dma_start3A_65] : memref<2560x128xi32, #tpu.memory_space<hbm>> -> memref<1x128xi32, #tpu.memory_space<hbm>>
      %dma_start3A_67 = tpu.memref_squeeze %dma_start3A_66 : memref<1x128xi32, #tpu.memory_space<hbm>> -> memref<128xi32, #tpu.memory_space<hbm>>
      tpu.enqueue_dma source(%dma_start3A_67 : memref<128xi32, #tpu.memory_space<hbm>>) target(%arg7 : memref<128xi32, #tpu.memory_space<vmem>>) target_semaphore(%run_scoped3A : memref<!tpu.dma_semaphore, #tpu.memory_space<semaphore_mem>>)
      %dma_wait3A_68 = arith.constant 0 : i32
      %dma_wait3A_69 = tpu.memref_slice %arg2[%add3A_13, %dma_wait3A_68] : memref<2560x128xi32, #tpu.memory_space<hbm>> -> memref<1x128xi32, #tpu.memory_space<hbm>>
      %dma_wait3A_70 = tpu.memref_squeeze %dma_wait3A_69 : memref<1x128xi32, #tpu.memory_space<hbm>> -> memref<128xi32, #tpu.memory_space<hbm>>
      %dma_wait3A_71 = arith.constant 0 : i32
      %dma_wait3A_72 = tpu.memref_slice %arg2[%add3A_13, %dma_wait3A_71] : memref<2560x128xi32, #tpu.memory_space<hbm>> -> memref<1x128xi32, #tpu.memory_space<hbm>>
      %dma_wait3A_73 = tpu.memref_squeeze %dma_wait3A_72 : memref<1x128xi32, #tpu.memory_space<hbm>> -> memref<128xi32, #tpu.memory_space<hbm>>
      tpu.wait_dma2 semaphore(%run_scoped3A : memref<!tpu.dma_semaphore, #tpu.memory_space<semaphore_mem>>) src(%dma_wait3A_73 : memref<128xi32, #tpu.memory_space<hbm>>) dst(%arg7 : memref<128xi32, #tpu.memory_space<vmem>>)
      tpu.yield
    }) : () -> ()
    %dma_start3A = arith.constant 0 : i32
    %dma_start3A_14 = arith.constant 0 : i32
    %dma_start3A_15 = tpu.memref_slice %arg6[%dma_start3A, %dma_start3A_14] : memref<10240x128xf32, #tpu.memory_space<vmem_shared>> -> memref<10240x128xf32, #tpu.memory_space<vmem_shared>>
    tpu.enqueue_indirect_dma source(%arg9 : memref<128x128xf32, #tpu.memory_space<vmem>>) target(%dma_start3A_15 : memref<10240x128xf32, #tpu.memory_space<vmem_shared>>) offsets(%arg7 : memref<128xi32, #tpu.memory_space<vmem>>) semaphore(%arg10 : memref<!tpu.dma_semaphore, #tpu.memory_space<semaphore_mem>>) {add = true}
    %add3A_16 = arith.constant 1 : i32
    %add3A_17 = arith.addi %select_n3A, %add3A_16 : i32
    "tpu.region"() ({
      %run_scoped3A = tpu.sem_alloc : memref<!tpu.dma_semaphore, #tpu.memory_space<semaphore_mem>>
      %dma_start3A_62 = arith.constant 0 : i32
      %dma_start3A_63 = tpu.memref_slice %arg2[%add3A_17, %dma_start3A_62] : memref<2560x128xi32, #tpu.memory_space<hbm>> -> memref<1x128xi32, #tpu.memory_space<hbm>>
      %dma_start3A_64 = tpu.memref_squeeze %dma_start3A_63 : memref<1x128xi32, #tpu.memory_space<hbm>> -> memref<128xi32, #tpu.memory_space<hbm>>
      %dma_start3A_65 = arith.constant 0 : i32
      %dma_start3A_66 = tpu.memref_slice %arg2[%add3A_17, %dma_start3A_65] : memref<2560x128xi32, #tpu.memory_space<hbm>> -> memref<1x128xi32, #tpu.memory_space<hbm>>
      %dma_start3A_67 = tpu.memref_squeeze %dma_start3A_66 : memref<1x128xi32, #tpu.memory_space<hbm>> -> memref<128xi32, #tpu.memory_space<hbm>>
      tpu.enqueue_dma source(%dma_start3A_67 : memref<128xi32, #tpu.memory_space<hbm>>) target(%arg8 : memref<128xi32, #tpu.memory_space<vmem>>) target_semaphore(%run_scoped3A : memref<!tpu.dma_semaphore, #tpu.memory_space<semaphore_mem>>)
      %dma_wait3A_68 = arith.constant 0 : i32
      %dma_wait3A_69 = tpu.memref_slice %arg2[%add3A_17, %dma_wait3A_68] : memref<2560x128xi32, #tpu.memory_space<hbm>> -> memref<1x128xi32, #tpu.memory_space<hbm>>
      %dma_wait3A_70 = tpu.memref_squeeze %dma_wait3A_69 : memref<1x128xi32, #tpu.memory_space<hbm>> -> memref<128xi32, #tpu.memory_space<hbm>>
      %dma_wait3A_71 = arith.constant 0 : i32
      %dma_wait3A_72 = tpu.memref_slice %arg2[%add3A_17, %dma_wait3A_71] : memref<2560x128xi32, #tpu.memory_space<hbm>> -> memref<1x128xi32, #tpu.memory_space<hbm>>
      %dma_wait3A_73 = tpu.memref_squeeze %dma_wait3A_72 : memref<1x128xi32, #tpu.memory_space<hbm>> -> memref<128xi32, #tpu.memory_space<hbm>>
      tpu.wait_dma2 semaphore(%run_scoped3A : memref<!tpu.dma_semaphore, #tpu.memory_space<semaphore_mem>>) src(%dma_wait3A_73 : memref<128xi32, #tpu.memory_space<hbm>>) dst(%arg8 : memref<128xi32, #tpu.memory_space<vmem>>)
      tpu.yield
    }) : () -> ()
    %dma_start3A_18 = arith.constant 0 : i32
    %dma_start3A_19 = arith.constant 0 : i32
    %dma_start3A_20 = tpu.memref_slice %arg6[%dma_start3A_18, %dma_start3A_19] : memref<10240x128xf32, #tpu.memory_space<vmem_shared>> -> memref<10240x128xf32, #tpu.memory_space<vmem_shared>>
    tpu.enqueue_indirect_dma source(%arg9 : memref<128x128xf32, #tpu.memory_space<vmem>>) target(%dma_start3A_20 : memref<10240x128xf32, #tpu.memory_space<vmem_shared>>) offsets(%arg8 : memref<128xi32, #tpu.memory_space<vmem>>) semaphore(%arg11 : memref<!tpu.dma_semaphore, #tpu.memory_space<semaphore_mem>>) {add = true}
    %jit3A = arith.constant 2 : i32
    %div3A = arith.divsi %select_n3A_9, %jit3A : i32
    %sign3A = arith.constant 0 : i32
    %sign3A_21 = arith.cmpi sgt, %select_n3A_9, %sign3A : i32
    %sign3A_22 = arith.extui %sign3A_21 : i1 to i32
    %sign3A_23 = arith.constant 0 : i32
    %sign3A_24 = arith.cmpi slt, %select_n3A_9, %sign3A_23 : i32
    %sign3A_25 = arith.extui %sign3A_24 : i1 to i32
    %sign3A_26 = arith.subi %sign3A_22, %sign3A_25 : i32
    %sign3A_27 = arith.constant 0 : i32
    %sign3A_28 = arith.cmpi sgt, %jit3A, %sign3A_27 : i32
    %sign3A_29 = arith.extui %sign3A_28 : i1 to i32
    %sign3A_30 = arith.constant 0 : i32
    %sign3A_31 = arith.cmpi slt, %jit3A, %sign3A_30 : i32
    %sign3A_32 = arith.extui %sign3A_31 : i1 to i32
    %sign3A_33 = arith.subi %sign3A_29, %sign3A_32 : i32
    %ne3A = arith.cmpi ne, %sign3A_26, %sign3A_33 : i32
    %rem3A = arith.remsi %select_n3A_9, %jit3A : i32
    %ne3A_34 = arith.constant 0 : i32
    %ne3A_35 = arith.cmpi ne, %rem3A, %ne3A_34 : i32
    %and3A = arith.andi %ne3A, %ne3A_35 : i1
    %sub3A = arith.constant 1 : i32
    %sub3A_36 = arith.subi %div3A, %sub3A : i32
    %select_n3A_37 = arith.select %and3A, %sub3A_36, %div3A : i32
    %sub3A_38 = arith.constant 1 : i32
    %sub3A_39 = arith.subi %select_n3A_37, %sub3A_38 : i32
    %while3A = arith.constant 0 : i32
    %while3A_40 = arith.constant 0 : i32
    %while3A_41 = arith.subi %sub3A_39, %while3A_40 : i32
    %while3A_42 = arith.addi %while3A_40, %while3A_41 : i32
    %while3A_43 = arith.constant 1 : i32
    %while3A_44 = arith.divsi %while3A_41, %while3A_43 : i32
    %while3A_45 = arith.muli %while3A_44, %while3A_43 : i32
    %while3A_46 = arith.addi %while3A_40, %while3A_45 : i32
    %while3A_47 = arith.constant 1 : i32
    scf.for %while3A_62 = %while3A_40 to %while3A_46 step %while3A_47  : i32 {
      %mul3A_63 = arith.constant 2 : i32
      %mul3A_64 = arith.muli %mul3A_63, %while3A_62 : i32
      %add3A_65 = arith.constant 0 : i32
      %add3A_66 = arith.addi %mul3A_64, %add3A_65 : i32
      %dma_wait3A_67 = arith.constant 0 : i32
      %dma_wait3A_68 = arith.constant 0 : i32
      %dma_wait3A_69 = tpu.memref_slice %arg6[%dma_wait3A_67, %dma_wait3A_68] : memref<10240x128xf32, #tpu.memory_space<vmem_shared>> -> memref<10240x128xf32, #tpu.memory_space<vmem_shared>>
      tpu.wait_indirect_dma semaphore(%arg10 : memref<!tpu.dma_semaphore, #tpu.memory_space<semaphore_mem>>) src(%arg9 : memref<128x128xf32, #tpu.memory_space<vmem>>) dst(%dma_wait3A_69 : memref<10240x128xf32, #tpu.memory_space<vmem_shared>>)
      %add3A_70 = arith.addi %select_n3A, %add3A_66 : i32
      %add3A_71 = arith.constant 2 : i32
      %add3A_72 = arith.addi %add3A_70, %add3A_71 : i32
      "tpu.region"() ({
        %run_scoped3A = tpu.sem_alloc : memref<!tpu.dma_semaphore, #tpu.memory_space<semaphore_mem>>
        %dma_start3A_89 = arith.constant 0 : i32
        %dma_start3A_90 = tpu.memref_slice %arg2[%add3A_72, %dma_start3A_89] : memref<2560x128xi32, #tpu.memory_space<hbm>> -> memref<1x128xi32, #tpu.memory_space<hbm>>
        %dma_start3A_91 = tpu.memref_squeeze %dma_start3A_90 : memref<1x128xi32, #tpu.memory_space<hbm>> -> memref<128xi32, #tpu.memory_space<hbm>>
        %dma_start3A_92 = arith.constant 0 : i32
        %dma_start3A_93 = tpu.memref_slice %arg2[%add3A_72, %dma_start3A_92] : memref<2560x128xi32, #tpu.memory_space<hbm>> -> memref<1x128xi32, #tpu.memory_space<hbm>>
        %dma_start3A_94 = tpu.memref_squeeze %dma_start3A_93 : memref<1x128xi32, #tpu.memory_space<hbm>> -> memref<128xi32, #tpu.memory_space<hbm>>
        tpu.enqueue_dma source(%dma_start3A_94 : memref<128xi32, #tpu.memory_space<hbm>>) target(%arg7 : memref<128xi32, #tpu.memory_space<vmem>>) target_semaphore(%run_scoped3A : memref<!tpu.dma_semaphore, #tpu.memory_space<semaphore_mem>>)
        %dma_wait3A_95 = arith.constant 0 : i32
        %dma_wait3A_96 = tpu.memref_slice %arg2[%add3A_72, %dma_wait3A_95] : memref<2560x128xi32, #tpu.memory_space<hbm>> -> memref<1x128xi32, #tpu.memory_space<hbm>>
        %dma_wait3A_97 = tpu.memref_squeeze %dma_wait3A_96 : memref<1x128xi32, #tpu.memory_space<hbm>> -> memref<128xi32, #tpu.memory_space<hbm>>
        %dma_wait3A_98 = arith.constant 0 : i32
        %dma_wait3A_99 = tpu.memref_slice %arg2[%add3A_72, %dma_wait3A_98] : memref<2560x128xi32, #tpu.memory_space<hbm>> -> memref<1x128xi32, #tpu.memory_space<hbm>>
        %dma_wait3A_100 = tpu.memref_squeeze %dma_wait3A_99 : memref<1x128xi32, #tpu.memory_space<hbm>> -> memref<128xi32, #tpu.memory_space<hbm>>
        tpu.wait_dma2 semaphore(%run_scoped3A : memref<!tpu.dma_semaphore, #tpu.memory_space<semaphore_mem>>) src(%dma_wait3A_100 : memref<128xi32, #tpu.memory_space<hbm>>) dst(%arg7 : memref<128xi32, #tpu.memory_space<vmem>>)
        tpu.yield
      }) : () -> ()
      %dma_start3A_73 = arith.constant 0 : i32
      %dma_start3A_74 = arith.constant 0 : i32
      %dma_start3A_75 = tpu.memref_slice %arg6[%dma_start3A_73, %dma_start3A_74] : memref<10240x128xf32, #tpu.memory_space<vmem_shared>> -> memref<10240x128xf32, #tpu.memory_space<vmem_shared>>
      tpu.enqueue_indirect_dma source(%arg9 : memref<128x128xf32, #tpu.memory_space<vmem>>) target(%dma_start3A_75 : memref<10240x128xf32, #tpu.memory_space<vmem_shared>>) offsets(%arg7 : memref<128xi32, #tpu.memory_space<vmem>>) semaphore(%arg10 : memref<!tpu.dma_semaphore, #tpu.memory_space<semaphore_mem>>) {add = true}
      %mul3A_76 = arith.constant 2 : i32
      %mul3A_77 = arith.muli %mul3A_76, %while3A_62 : i32
      %add3A_78 = arith.constant 1 : i32
      %add3A_79 = arith.addi %mul3A_77, %add3A_78 : i32
      %dma_wait3A_80 = arith.constant 0 : i32
      %dma_wait3A_81 = arith.constant 0 : i32
      %dma_wait3A_82 = tpu.memref_slice %arg6[%dma_wait3A_80, %dma_wait3A_81] : memref<10240x128xf32, #tpu.memory_space<vmem_shared>> -> memref<10240x128xf32, #tpu.memory_space<vmem_shared>>
      tpu.wait_indirect_dma semaphore(%arg11 : memref<!tpu.dma_semaphore, #tpu.memory_space<semaphore_mem>>) src(%arg9 : memref<128x128xf32, #tpu.memory_space<vmem>>) dst(%dma_wait3A_82 : memref<10240x128xf32, #tpu.memory_space<vmem_shared>>)
      %add3A_83 = arith.addi %select_n3A, %add3A_79 : i32
      %add3A_84 = arith.constant 2 : i32
      %add3A_85 = arith.addi %add3A_83, %add3A_84 : i32
      "tpu.region"() ({
        %run_scoped3A = tpu.sem_alloc : memref<!tpu.dma_semaphore, #tpu.memory_space<semaphore_mem>>
        %dma_start3A_89 = arith.constant 0 : i32
        %dma_start3A_90 = tpu.memref_slice %arg2[%add3A_85, %dma_start3A_89] : memref<2560x128xi32, #tpu.memory_space<hbm>> -> memref<1x128xi32, #tpu.memory_space<hbm>>
        %dma_start3A_91 = tpu.memref_squeeze %dma_start3A_90 : memref<1x128xi32, #tpu.memory_space<hbm>> -> memref<128xi32, #tpu.memory_space<hbm>>
        %dma_start3A_92 = arith.constant 0 : i32
        %dma_start3A_93 = tpu.memref_slice %arg2[%add3A_85, %dma_start3A_92] : memref<2560x128xi32, #tpu.memory_space<hbm>> -> memref<1x128xi32, #tpu.memory_space<hbm>>
        %dma_start3A_94 = tpu.memref_squeeze %dma_start3A_93 : memref<1x128xi32, #tpu.memory_space<hbm>> -> memref<128xi32, #tpu.memory_space<hbm>>
        tpu.enqueue_dma source(%dma_start3A_94 : memref<128xi32, #tpu.memory_space<hbm>>) target(%arg8 : memref<128xi32, #tpu.memory_space<vmem>>) target_semaphore(%run_scoped3A : memref<!tpu.dma_semaphore, #tpu.memory_space<semaphore_mem>>)
        %dma_wait3A_95 = arith.constant 0 : i32
        %dma_wait3A_96 = tpu.memref_slice %arg2[%add3A_85, %dma_wait3A_95] : memref<2560x128xi32, #tpu.memory_space<hbm>> -> memref<1x128xi32, #tpu.memory_space<hbm>>
        %dma_wait3A_97 = tpu.memref_squeeze %dma_wait3A_96 : memref<1x128xi32, #tpu.memory_space<hbm>> -> memref<128xi32, #tpu.memory_space<hbm>>
        %dma_wait3A_98 = arith.constant 0 : i32
        %dma_wait3A_99 = tpu.memref_slice %arg2[%add3A_85, %dma_wait3A_98] : memref<2560x128xi32, #tpu.memory_space<hbm>> -> memref<1x128xi32, #tpu.memory_space<hbm>>
        %dma_wait3A_100 = tpu.memref_squeeze %dma_wait3A_99 : memref<1x128xi32, #tpu.memory_space<hbm>> -> memref<128xi32, #tpu.memory_space<hbm>>
        tpu.wait_dma2 semaphore(%run_scoped3A : memref<!tpu.dma_semaphore, #tpu.memory_space<semaphore_mem>>) src(%dma_wait3A_100 : memref<128xi32, #tpu.memory_space<hbm>>) dst(%arg8 : memref<128xi32, #tpu.memory_space<vmem>>)
        tpu.yield
      }) : () -> ()
      %dma_start3A_86 = arith.constant 0 : i32
      %dma_start3A_87 = arith.constant 0 : i32
      %dma_start3A_88 = tpu.memref_slice %arg6[%dma_start3A_86, %dma_start3A_87] : memref<10240x128xf32, #tpu.memory_space<vmem_shared>> -> memref<10240x128xf32, #tpu.memory_space<vmem_shared>>
      tpu.enqueue_indirect_dma source(%arg9 : memref<128x128xf32, #tpu.memory_space<vmem>>) target(%dma_start3A_88 : memref<10240x128xf32, #tpu.memory_space<vmem_shared>>) offsets(%arg8 : memref<128xi32, #tpu.memory_space<vmem>>) semaphore(%arg11 : memref<!tpu.dma_semaphore, #tpu.memory_space<semaphore_mem>>) {add = true}
    }
    %while3A_48 = arith.constant 1 : i32
    scf.for %while3A_62 = %while3A_46 to %while3A_42 step %while3A_48  : i32 {
      %mul3A_63 = arith.constant 2 : i32
      %mul3A_64 = arith.muli %mul3A_63, %while3A_62 : i32
      %add3A_65 = arith.constant 0 : i32
      %add3A_66 = arith.addi %mul3A_64, %add3A_65 : i32
      %dma_wait3A_67 = arith.constant 0 : i32
      %dma_wait3A_68 = arith.constant 0 : i32
      %dma_wait3A_69 = tpu.memref_slice %arg6[%dma_wait3A_67, %dma_wait3A_68] : memref<10240x128xf32, #tpu.memory_space<vmem_shared>> -> memref<10240x128xf32, #tpu.memory_space<vmem_shared>>
      tpu.wait_indirect_dma semaphore(%arg10 : memref<!tpu.dma_semaphore, #tpu.memory_space<semaphore_mem>>) src(%arg9 : memref<128x128xf32, #tpu.memory_space<vmem>>) dst(%dma_wait3A_69 : memref<10240x128xf32, #tpu.memory_space<vmem_shared>>)
      %add3A_70 = arith.addi %select_n3A, %add3A_66 : i32
      %add3A_71 = arith.constant 2 : i32
      %add3A_72 = arith.addi %add3A_70, %add3A_71 : i32
      "tpu.region"() ({
        %run_scoped3A = tpu.sem_alloc : memref<!tpu.dma_semaphore, #tpu.memory_space<semaphore_mem>>
        %dma_start3A_89 = arith.constant 0 : i32
        %dma_start3A_90 = tpu.memref_slice %arg2[%add3A_72, %dma_start3A_89] : memref<2560x128xi32, #tpu.memory_space<hbm>> -> memref<1x128xi32, #tpu.memory_space<hbm>>
        %dma_start3A_91 = tpu.memref_squeeze %dma_start3A_90 : memref<1x128xi32, #tpu.memory_space<hbm>> -> memref<128xi32, #tpu.memory_space<hbm>>
        %dma_start3A_92 = arith.constant 0 : i32
        %dma_start3A_93 = tpu.memref_slice %arg2[%add3A_72, %dma_start3A_92] : memref<2560x128xi32, #tpu.memory_space<hbm>> -> memref<1x128xi32, #tpu.memory_space<hbm>>
        %dma_start3A_94 = tpu.memref_squeeze %dma_start3A_93 : memref<1x128xi32, #tpu.memory_space<hbm>> -> memref<128xi32, #tpu.memory_space<hbm>>
        tpu.enqueue_dma source(%dma_start3A_94 : memref<128xi32, #tpu.memory_space<hbm>>) target(%arg7 : memref<128xi32, #tpu.memory_space<vmem>>) target_semaphore(%run_scoped3A : memref<!tpu.dma_semaphore, #tpu.memory_space<semaphore_mem>>)
        %dma_wait3A_95 = arith.constant 0 : i32
        %dma_wait3A_96 = tpu.memref_slice %arg2[%add3A_72, %dma_wait3A_95] : memref<2560x128xi32, #tpu.memory_space<hbm>> -> memref<1x128xi32, #tpu.memory_space<hbm>>
        %dma_wait3A_97 = tpu.memref_squeeze %dma_wait3A_96 : memref<1x128xi32, #tpu.memory_space<hbm>> -> memref<128xi32, #tpu.memory_space<hbm>>
        %dma_wait3A_98 = arith.constant 0 : i32
        %dma_wait3A_99 = tpu.memref_slice %arg2[%add3A_72, %dma_wait3A_98] : memref<2560x128xi32, #tpu.memory_space<hbm>> -> memref<1x128xi32, #tpu.memory_space<hbm>>
        %dma_wait3A_100 = tpu.memref_squeeze %dma_wait3A_99 : memref<1x128xi32, #tpu.memory_space<hbm>> -> memref<128xi32, #tpu.memory_space<hbm>>
        tpu.wait_dma2 semaphore(%run_scoped3A : memref<!tpu.dma_semaphore, #tpu.memory_space<semaphore_mem>>) src(%dma_wait3A_100 : memref<128xi32, #tpu.memory_space<hbm>>) dst(%arg7 : memref<128xi32, #tpu.memory_space<vmem>>)
        tpu.yield
      }) : () -> ()
      %dma_start3A_73 = arith.constant 0 : i32
      %dma_start3A_74 = arith.constant 0 : i32
      %dma_start3A_75 = tpu.memref_slice %arg6[%dma_start3A_73, %dma_start3A_74] : memref<10240x128xf32, #tpu.memory_space<vmem_shared>> -> memref<10240x128xf32, #tpu.memory_space<vmem_shared>>
      tpu.enqueue_indirect_dma source(%arg9 : memref<128x128xf32, #tpu.memory_space<vmem>>) target(%dma_start3A_75 : memref<10240x128xf32, #tpu.memory_space<vmem_shared>>) offsets(%arg7 : memref<128xi32, #tpu.memory_space<vmem>>) semaphore(%arg10 : memref<!tpu.dma_semaphore, #tpu.memory_space<semaphore_mem>>) {add = true}
      %mul3A_76 = arith.constant 2 : i32
      %mul3A_77 = arith.muli %mul3A_76, %while3A_62 : i32
      %add3A_78 = arith.constant 1 : i32
      %add3A_79 = arith.addi %mul3A_77, %add3A_78 : i32
      %dma_wait3A_80 = arith.constant 0 : i32
      %dma_wait3A_81 = arith.constant 0 : i32
      %dma_wait3A_82 = tpu.memref_slice %arg6[%dma_wait3A_80, %dma_wait3A_81] : memref<10240x128xf32, #tpu.memory_space<vmem_shared>> -> memref<10240x128xf32, #tpu.memory_space<vmem_shared>>
      tpu.wait_indirect_dma semaphore(%arg11 : memref<!tpu.dma_semaphore, #tpu.memory_space<semaphore_mem>>) src(%arg9 : memref<128x128xf32, #tpu.memory_space<vmem>>) dst(%dma_wait3A_82 : memref<10240x128xf32, #tpu.memory_space<vmem_shared>>)
      %add3A_83 = arith.addi %select_n3A, %add3A_79 : i32
      %add3A_84 = arith.constant 2 : i32
      %add3A_85 = arith.addi %add3A_83, %add3A_84 : i32
      "tpu.region"() ({
        %run_scoped3A = tpu.sem_alloc : memref<!tpu.dma_semaphore, #tpu.memory_space<semaphore_mem>>
        %dma_start3A_89 = arith.constant 0 : i32
        %dma_start3A_90 = tpu.memref_slice %arg2[%add3A_85, %dma_start3A_89] : memref<2560x128xi32, #tpu.memory_space<hbm>> -> memref<1x128xi32, #tpu.memory_space<hbm>>
        %dma_start3A_91 = tpu.memref_squeeze %dma_start3A_90 : memref<1x128xi32, #tpu.memory_space<hbm>> -> memref<128xi32, #tpu.memory_space<hbm>>
        %dma_start3A_92 = arith.constant 0 : i32
        %dma_start3A_93 = tpu.memref_slice %arg2[%add3A_85, %dma_start3A_92] : memref<2560x128xi32, #tpu.memory_space<hbm>> -> memref<1x128xi32, #tpu.memory_space<hbm>>
        %dma_start3A_94 = tpu.memref_squeeze %dma_start3A_93 : memref<1x128xi32, #tpu.memory_space<hbm>> -> memref<128xi32, #tpu.memory_space<hbm>>
        tpu.enqueue_dma source(%dma_start3A_94 : memref<128xi32, #tpu.memory_space<hbm>>) target(%arg8 : memref<128xi32, #tpu.memory_space<vmem>>) target_semaphore(%run_scoped3A : memref<!tpu.dma_semaphore, #tpu.memory_space<semaphore_mem>>)
        %dma_wait3A_95 = arith.constant 0 : i32
        %dma_wait3A_96 = tpu.memref_slice %arg2[%add3A_85, %dma_wait3A_95] : memref<2560x128xi32, #tpu.memory_space<hbm>> -> memref<1x128xi32, #tpu.memory_space<hbm>>
        %dma_wait3A_97 = tpu.memref_squeeze %dma_wait3A_96 : memref<1x128xi32, #tpu.memory_space<hbm>> -> memref<128xi32, #tpu.memory_space<hbm>>
        %dma_wait3A_98 = arith.constant 0 : i32
        %dma_wait3A_99 = tpu.memref_slice %arg2[%add3A_85, %dma_wait3A_98] : memref<2560x128xi32, #tpu.memory_space<hbm>> -> memref<1x128xi32, #tpu.memory_space<hbm>>
        %dma_wait3A_100 = tpu.memref_squeeze %dma_wait3A_99 : memref<1x128xi32, #tpu.memory_space<hbm>> -> memref<128xi32, #tpu.memory_space<hbm>>
        tpu.wait_dma2 semaphore(%run_scoped3A : memref<!tpu.dma_semaphore, #tpu.memory_space<semaphore_mem>>) src(%dma_wait3A_100 : memref<128xi32, #tpu.memory_space<hbm>>) dst(%arg8 : memref<128xi32, #tpu.memory_space<vmem>>)
        tpu.yield
      }) : () -> ()
      %dma_start3A_86 = arith.constant 0 : i32
      %dma_start3A_87 = arith.constant 0 : i32
      %dma_start3A_88 = tpu.memref_slice %arg6[%dma_start3A_86, %dma_start3A_87] : memref<10240x128xf32, #tpu.memory_space<vmem_shared>> -> memref<10240x128xf32, #tpu.memory_space<vmem_shared>>
      tpu.enqueue_indirect_dma source(%arg9 : memref<128x128xf32, #tpu.memory_space<vmem>>) target(%dma_start3A_88 : memref<10240x128xf32, #tpu.memory_space<vmem_shared>>) offsets(%arg8 : memref<128xi32, #tpu.memory_space<vmem>>) semaphore(%arg11 : memref<!tpu.dma_semaphore, #tpu.memory_space<semaphore_mem>>) {add = true}
    }
    %dma_wait3A = arith.constant 0 : i32
    %dma_wait3A_49 = arith.constant 0 : i32
    %dma_wait3A_50 = tpu.memref_slice %arg6[%dma_wait3A, %dma_wait3A_49] : memref<10240x128xf32, #tpu.memory_space<vmem_shared>> -> memref<10240x128xf32, #tpu.memory_space<vmem_shared>>
    tpu.wait_indirect_dma semaphore(%arg10 : memref<!tpu.dma_semaphore, #tpu.memory_space<semaphore_mem>>) src(%arg9 : memref<128x128xf32, #tpu.memory_space<vmem>>) dst(%dma_wait3A_50 : memref<10240x128xf32, #tpu.memory_space<vmem_shared>>)
    %dma_wait3A_51 = arith.constant 0 : i32
    %dma_wait3A_52 = arith.constant 0 : i32
    %dma_wait3A_53 = tpu.memref_slice %arg6[%dma_wait3A_51, %dma_wait3A_52] : memref<10240x128xf32, #tpu.memory_space<vmem_shared>> -> memref<10240x128xf32, #tpu.memory_space<vmem_shared>>
    tpu.wait_indirect_dma semaphore(%arg11 : memref<!tpu.dma_semaphore, #tpu.memory_space<semaphore_mem>>) src(%arg9 : memref<128x128xf32, #tpu.memory_space<vmem>>) dst(%dma_wait3A_53 : memref<10240x128xf32, #tpu.memory_space<vmem_shared>>)
    %barrier3A_54 = arith.constant 0 : index
    tpu.barrier barrier_id(%barrier3A_54)
    %mul3A_55 = arith.constant 640 : i32
    %mul3A_56 = arith.muli %arg1, %mul3A_55 : i32
    %mul3A_57 = arith.constant 10240 : i32
    %mul3A_58 = arith.muli %arg0, %mul3A_57 : i32
    %mul3A_59 = arith.constant 640 : i32
    %mul3A_60 = arith.muli %arg1, %mul3A_59 : i32
    %add3A_61 = arith.addi %mul3A_58, %mul3A_60 : i32
    "tpu.region"() ({
      %run_scoped3A = tpu.sem_alloc : memref<!tpu.dma_semaphore, #tpu.memory_space<semaphore_mem>>
      %dma_start3A_62 = arith.constant 0 : i32
      %dma_start3A_63 = tpu.memref_slice %arg5[%add3A_61, %dma_start3A_62] : memref<20480x128xf32, #tpu.memory_space<hbm>> -> memref<640x128xf32, #tpu.memory_space<hbm>>
      %dma_start3A_64 = arith.constant 0 : i32
      %dma_start3A_65 = tpu.memref_slice %arg6[%mul3A_56, %dma_start3A_64] : memref<10240x128xf32, #tpu.memory_space<vmem_shared>> -> memref<640x128xf32, #tpu.memory_space<vmem_shared>>
      tpu.enqueue_dma source(%dma_start3A_65 : memref<640x128xf32, #tpu.memory_space<vmem_shared>>) target(%dma_start3A_63 : memref<640x128xf32, #tpu.memory_space<hbm>>) target_semaphore(%run_scoped3A : memref<!tpu.dma_semaphore, #tpu.memory_space<semaphore_mem>>)
      %dma_wait3A_66 = arith.constant 0 : i32
      %dma_wait3A_67 = tpu.memref_slice %arg5[%add3A_61, %dma_wait3A_66] : memref<20480x128xf32, #tpu.memory_space<hbm>> -> memref<640x128xf32, #tpu.memory_space<hbm>>
      %dma_wait3A_68 = arith.constant 0 : i32
      %dma_wait3A_69 = tpu.memref_slice %arg6[%mul3A_56, %dma_wait3A_68] : memref<10240x128xf32, #tpu.memory_space<vmem_shared>> -> memref<640x128xf32, #tpu.memory_space<vmem_shared>>
      tpu.wait_dma2 semaphore(%run_scoped3A : memref<!tpu.dma_semaphore, #tpu.memory_space<semaphore_mem>>) src(%dma_wait3A_69 : memref<640x128xf32, #tpu.memory_space<vmem_shared>>) dst(%dma_wait3A_67 : memref<640x128xf32, #tpu.memory_space<hbm>>)
      tpu.yield
    }) : () -> ()
    return
  }
}

module attributes {stable_mosaic.version = 14 : i64} {
  func.func @_proj_body(%arg0: memref<10000x128xf32, #tpu.memory_space<vmem>>, %arg1: memref<128x128xf32, #tpu.memory_space<vmem>>, %arg2: memref<1x128xf32, #tpu.memory_space<vmem>>, %arg3: memref<10000x128xf32, #tpu.memory_space<vmem>>) attributes {dimension_semantics = [], scalar_prefetch = 0 : i64, scratch_operands = 0 : i64, tpu.core_type = #tpu.core_type<tc>} {
    %get3A = arith.constant 0 : index
    %get3A_0 = arith.constant 0 : index
    %get3A_1 = vector.load %arg0[%get3A, %get3A_0] : memref<10000x128xf32, #tpu.memory_space<vmem>>, vector<10000x128xf32>
    %get3A_2 = arith.constant 0 : index
    %get3A_3 = arith.constant 0 : index
    %get3A_4 = vector.load %arg1[%get3A_2, %get3A_3] : memref<128x128xf32, #tpu.memory_space<vmem>>, vector<128x128xf32>
    %dot_general3A = arith.constant dense<0.000000e+00> : vector<10000x128xf32>
    %dot_general3A_5 = tpu.matmul %get3A_1, %get3A_4, %dot_general3A {dimension_numbers = #tpu.dot_dimension_numbers<[1], [0], [0], [1], [0, 0, 1, 1], [], []>, precision = #tpu.contract_precision<fp32>, transpose_lhs_hint = false} : vector<10000x128xf32>, vector<128x128xf32>, vector<10000x128xf32> -> vector<10000x128xf32>
    %get3A_6 = arith.constant 0 : index
    %get3A_7 = arith.constant 0 : index
    %get3A_8 = vector.load %arg2[%get3A_6, %get3A_7] : memref<1x128xf32, #tpu.memory_space<vmem>>, vector<1x128xf32>
    %add3A = vector.broadcast %get3A_8 : vector<1x128xf32> to vector<10000x128xf32>
    %add3A_9 = arith.addf %dot_general3A_5, %add3A : vector<10000x128xf32>
    %swap3A = arith.constant 0 : index
    %swap3A_10 = arith.constant 0 : index
    %swap3A_11 = vector.load %arg3[%swap3A, %swap3A_10] : memref<10000x128xf32, #tpu.memory_space<vmem>>, vector<10000x128xf32>
    tpu.vector_store %arg3[%swap3A, %swap3A_10], %add3A_9 {strides = array<i32>} : memref<10000x128xf32, #tpu.memory_space<vmem>>, vector<10000x128xf32>,
    return
  }
}

module attributes {stable_mosaic.version = 14 : i64} {
  func.func @_conv_body(%arg0: i32, %arg1: memref<2000x128xf32, #tpu.memory_space<vmem>>, %arg2: memref<2000x128xf32, #tpu.memory_space<vmem>>, %arg3: memref<2000x128xf32, #tpu.memory_space<vmem>>, %arg4: memref<2000x128xf32, #tpu.memory_space<vmem>>, %arg5: memref<2000x128xf32, #tpu.memory_space<vmem>>, %arg6: memref<128x128xf32, #tpu.memory_space<vmem>>, %arg7: memref<128x128xf32, #tpu.memory_space<vmem>>, %arg8: memref<1x128xf32, #tpu.memory_space<vmem>>, %arg9: memref<1x128xf32, #tpu.memory_space<vmem>>, %arg10: memref<1x128xf32, #tpu.memory_space<vmem>>, %arg11: memref<2000x128xf32, #tpu.memory_space<vmem>>) attributes {dimension_semantics = [#tpu.dimension_semantics<arbitrary>], iteration_bounds = array<i64: 5>, scalar_prefetch = 0 : i64, scratch_operands = 0 : i64, tpu.core_type = #tpu.core_type<tc>, window_params = [{transform_indices = @transform_0, window_bounds = array<i64: 2000, 128>}, {transform_indices = @transform_1, window_bounds = array<i64: 2000, 128>}, {transform_indices = @transform_2, window_bounds = array<i64: 2000, 128>}, {transform_indices = @transform_3, window_bounds = array<i64: 2000, 128>}, {transform_indices = @transform_4, window_bounds = array<i64: 2000, 128>}, {pipeline_mode = #tpu.pipeline_mode<synchronous>, transform_indices = @transform_5, window_bounds = array<i64: 128, 128>}, {pipeline_mode = #tpu.pipeline_mode<synchronous>, transform_indices = @transform_6, window_bounds = array<i64: 128, 128>}, {pipeline_mode = #tpu.pipeline_mode<synchronous>, transform_indices = @transform_7, window_bounds = array<i64: 1, 128>}, {pipeline_mode = #tpu.pipeline_mode<synchronous>, transform_indices = @transform_8, window_bounds = array<i64: 1, 128>}, {pipeline_mode = #tpu.pipeline_mode<synchronous>, transform_indices = @transform_9, window_bounds = array<i64: 1, 128>}, {transform_indices = @transform_10, window_bounds = array<i64: 2000, 128>}]} {
    %get3A = arith.constant 0 : index
    %get3A_0 = arith.constant 0 : index
    %get3A_1 = vector.load %arg1[%get3A, %get3A_0] : memref<2000x128xf32, #tpu.memory_space<vmem>>, vector<2000x128xf32>
    %get3A_2 = arith.constant 0 : index
    %get3A_3 = arith.constant 0 : index
    %get3A_4 = vector.load %arg2[%get3A_2, %get3A_3] : memref<2000x128xf32, #tpu.memory_space<vmem>>, vector<2000x128xf32>
    %add3A = arith.addf %get3A_1, %get3A_4 : vector<2000x128xf32>
    %get3A_5 = arith.constant 0 : index
    %get3A_6 = arith.constant 0 : index
    %get3A_7 = vector.load %arg3[%get3A_5, %get3A_6] : memref<2000x128xf32, #tpu.memory_space<vmem>>, vector<2000x1xf32>
    %get3A_8 = arith.constant 0 : index
    %get3A_9 = arith.constant 0 : index
    %get3A_10 = vector.load %arg4[%get3A_8, %get3A_9] : memref<2000x128xf32, #tpu.memory_space<vmem>>, vector<2000x1xf32>
    %add3A_11 = arith.addf %get3A_7, %get3A_10 : vector<2000x1xf32>
    %max3A = arith.constant 1.000000e+00 : f32
    %max3A_12 = vector.broadcast %max3A : f32 to vector<2000x1xf32>
    %max3A_13 = arith.maximumf %add3A_11, %max3A_12 : vector<2000x1xf32>
    %get3A_14 = arith.constant 0 : index
    %get3A_15 = arith.constant 0 : index
    %get3A_16 = vector.load %arg6[%get3A_14, %get3A_15] : memref<128x128xf32, #tpu.memory_space<vmem>>, vector<128x128xf32>
    %dot_general3A = arith.constant dense<0.000000e+00> : vector<2000x128xf32>
    %dot_general3A_17 = tpu.matmul %add3A, %get3A_16, %dot_general3A {dimension_numbers = #tpu.dot_dimension_numbers<[1], [0], [0], [1], [0, 0, 1, 1], [], []>, precision = #tpu.contract_precision<fp32>, transpose_lhs_hint = false} : vector<2000x128xf32>, vector<128x128xf32>, vector<2000x128xf32> -> vector<2000x128xf32>
    %div3A = vector.broadcast %max3A_13 : vector<2000x1xf32> to vector<2000x128xf32>
    %div3A_18 = arith.divf %dot_general3A_17, %div3A : vector<2000x128xf32>
    %get3A_19 = arith.constant 0 : index
    %get3A_20 = arith.constant 0 : index
    %get3A_21 = vector.load %arg5[%get3A_19, %get3A_20] : memref<2000x128xf32, #tpu.memory_space<vmem>>, vector<2000x128xf32>
    %get3A_22 = arith.constant 0 : index
    %get3A_23 = arith.constant 0 : index
    %get3A_24 = vector.load %arg7[%get3A_22, %get3A_23] : memref<128x128xf32, #tpu.memory_space<vmem>>, vector<128x128xf32>
    %dot_general3A_25 = arith.constant dense<0.000000e+00> : vector<2000x128xf32>
    %dot_general3A_26 = tpu.matmul %get3A_21, %get3A_24, %dot_general3A_25 {dimension_numbers = #tpu.dot_dimension_numbers<[1], [0], [0], [1], [0, 0, 1, 1], [], []>, precision = #tpu.contract_precision<fp32>, transpose_lhs_hint = false} : vector<2000x128xf32>, vector<128x128xf32>, vector<2000x128xf32> -> vector<2000x128xf32>
    %add3A_27 = arith.addf %div3A_18, %dot_general3A_26 : vector<2000x128xf32>
    %get3A_28 = arith.constant 0 : index
    %get3A_29 = arith.constant 0 : index
    %get3A_30 = vector.load %arg8[%get3A_28, %get3A_29] : memref<1x128xf32, #tpu.memory_space<vmem>>, vector<1x128xf32>
    %add3A_31 = vector.broadcast %get3A_30 : vector<1x128xf32> to vector<2000x128xf32>
    %add3A_32 = arith.addf %add3A_27, %add3A_31 : vector<2000x128xf32>
    %gt3A = arith.constant 0.000000e+00 : f32
    %gt3A_33 = vector.broadcast %gt3A : f32 to vector<2000x128xf32>
    %gt3A_34 = arith.cmpf ogt, %add3A_32, %gt3A_33 : vector<2000x128xf32>
    %exp3A = math.exp %add3A_32 : vector<2000x128xf32>
    %sub3A = arith.constant 1.000000e+00 : f32
    %sub3A_35 = vector.broadcast %sub3A : f32 to vector<2000x128xf32>
    %sub3A_36 = arith.subf %exp3A, %sub3A_35 : vector<2000x128xf32>
    %select_n3A = arith.select %gt3A_34, %add3A_32, %sub3A_36 : vector<2000x128xi1>, vector<2000x128xf32>
    %reduce_sum3A = arith.constant dense<0.000000e+00> : vector<2000xf32>
    %reduce_sum3A_37 = vector.multi_reduction <add>, %select_n3A, %reduce_sum3A [1] : vector<2000x128xf32> to vector<2000xf32>
    %broadcast_in_dim3A = vector.shape_cast %reduce_sum3A_37 : vector<2000xf32> to vector<2000x1xf32>
    %div3A_38 = arith.constant 1.280000e+02 : f32
    %div3A_39 = vector.broadcast %div3A_38 : f32 to vector<2000x1xf32>
    %div3A_40 = arith.divf %broadcast_in_dim3A, %div3A_39 : vector<2000x1xf32>
    %sub3A_41 = vector.broadcast %div3A_40 : vector<2000x1xf32> to vector<2000x128xf32>
    %sub3A_42 = arith.subf %select_n3A, %sub3A_41 : vector<2000x128xf32>
    %integer_pow3A = arith.mulf %sub3A_42, %sub3A_42 : vector<2000x128xf32>
    %reduce_sum3A_43 = arith.constant dense<0.000000e+00> : vector<2000xf32>
    %reduce_sum3A_44 = vector.multi_reduction <add>, %integer_pow3A, %reduce_sum3A_43 [1] : vector<2000x128xf32> to vector<2000xf32>
    %broadcast_in_dim3A_45 = vector.shape_cast %reduce_sum3A_44 : vector<2000xf32> to vector<2000x1xf32>
    %div3A_46 = arith.constant 1.280000e+02 : f32
    %div3A_47 = vector.broadcast %div3A_46 : f32 to vector<2000x1xf32>
    %div3A_48 = arith.divf %broadcast_in_dim3A_45, %div3A_47 : vector<2000x1xf32>
    %sub3A_49 = vector.broadcast %div3A_40 : vector<2000x1xf32> to vector<2000x128xf32>
    %sub3A_50 = arith.subf %select_n3A, %sub3A_49 : vector<2000x128xf32>
    %add3A_51 = arith.constant 9.99999974E-6 : f32
    %add3A_52 = vector.broadcast %add3A_51 : f32 to vector<2000x1xf32>
    %add3A_53 = arith.addf %div3A_48, %add3A_52 : vector<2000x1xf32>
    %sqrt3A = math.sqrt %add3A_53 : vector<2000x1xf32>
    %div3A_54 = vector.broadcast %sqrt3A : vector<2000x1xf32> to vector<2000x128xf32>
    %div3A_55 = arith.divf %sub3A_50, %div3A_54 : vector<2000x128xf32>
    %get3A_56 = arith.constant 0 : index
    %get3A_57 = arith.constant 0 : index
    %get3A_58 = vector.load %arg9[%get3A_56, %get3A_57] : memref<1x128xf32, #tpu.memory_space<vmem>>, vector<1x128xf32>
    %mul3A = vector.broadcast %get3A_58 : vector<1x128xf32> to vector<2000x128xf32>
    %mul3A_59 = arith.mulf %div3A_55, %mul3A : vector<2000x128xf32>
    %get3A_60 = arith.constant 0 : index
    %get3A_61 = arith.constant 0 : index
    %get3A_62 = vector.load %arg10[%get3A_60, %get3A_61] : memref<1x128xf32, #tpu.memory_space<vmem>>, vector<1x128xf32>
    %add3A_63 = vector.broadcast %get3A_62 : vector<1x128xf32> to vector<2000x128xf32>
    %add3A_64 = arith.addf %mul3A_59, %add3A_63 : vector<2000x128xf32>
    %swap3A = arith.constant 0 : index
    %swap3A_65 = arith.constant 0 : index
    %swap3A_66 = vector.load %arg11[%swap3A, %swap3A_65] : memref<2000x128xf32, #tpu.memory_space<vmem>>, vector<2000x128xf32>
    tpu.vector_store %arg11[%swap3A, %swap3A_65], %add3A_64 {strides = array<i32>} : memref<2000x128xf32, #tpu.memory_space<vmem>>, vector<2000x128xf32>,
    return
  }
  func.func @transform_0(%arg0: i32) -> (i32, i32) {
    %c0_i32 = arith.constant 0 : i32
    %c0_i32_0 = arith.constant 0 : i32
    return %arg0, %c0_i32 : i32, i32
  }
  func.func @transform_1(%arg0: i32) -> (i32, i32) {
    %c0_i32 = arith.constant 0 : i32
    %c0_i32_0 = arith.constant 0 : i32
    return %arg0, %c0_i32 : i32, i32
  }
  func.func @transform_2(%arg0: i32) -> (i32, i32) {
    %c0_i32 = arith.constant 0 : i32
    %c0_i32_0 = arith.constant 0 : i32
    return %arg0, %c0_i32 : i32, i32
  }
  func.func @transform_3(%arg0: i32) -> (i32, i32) {
    %c0_i32 = arith.constant 0 : i32
    %c0_i32_0 = arith.constant 0 : i32
    return %arg0, %c0_i32 : i32, i32
  }
  func.func @transform_4(%arg0: i32) -> (i32, i32) {
    %c0_i32 = arith.constant 0 : i32
    %c0_i32_0 = arith.constant 0 : i32
    return %arg0, %c0_i32 : i32, i32
  }
  func.func @transform_5(%arg0: i32) -> (i32, i32) {
    %c0_i32 = arith.constant 0 : i32
    %c0_i32_0 = arith.constant 0 : i32
    %c0_i32_1 = arith.constant 0 : i32
    return %c0_i32, %c0_i32_0 : i32, i32
  }
  func.func @transform_6(%arg0: i32) -> (i32, i32) {
    %c0_i32 = arith.constant 0 : i32
    %c0_i32_0 = arith.constant 0 : i32
    %c0_i32_1 = arith.constant 0 : i32
    return %c0_i32, %c0_i32_0 : i32, i32
  }
  func.func @transform_7(%arg0: i32) -> (i32, i32) {
    %c0_i32 = arith.constant 0 : i32
    %c0_i32_0 = arith.constant 0 : i32
    %c0_i32_1 = arith.constant 0 : i32
    return %c0_i32, %c0_i32_0 : i32, i32
  }
  func.func @transform_8(%arg0: i32) -> (i32, i32) {
    %c0_i32 = arith.constant 0 : i32
    %c0_i32_0 = arith.constant 0 : i32
    %c0_i32_1 = arith.constant 0 : i32
    return %c0_i32, %c0_i32_0 : i32, i32
  }
  func.func @transform_9(%arg0: i32) -> (i32, i32) {
    %c0_i32 = arith.constant 0 : i32
    %c0_i32_0 = arith.constant 0 : i32
    %c0_i32_1 = arith.constant 0 : i32
    return %c0_i32, %c0_i32_0 : i32, i32
  }
  func.func @transform_10(%arg0: i32) -> (i32, i32) {
    %c0_i32 = arith.constant 0 : i32
    %c0_i32_0 = arith.constant 0 : i32
    return %arg0, %c0_i32 : i32, i32
  }
}

module attributes {stable_mosaic.version = 14 : i64} {
  func.func @_pool_body(%arg0: memref<10000x128xf32, #tpu.memory_space<vmem>>, %arg1: memref<1x10000xi32, #tpu.memory_space<vmem>>, %arg2: memref<128x2xf32, #tpu.memory_space<vmem>>, %arg3: memref<1x2xf32, #tpu.memory_space<vmem>>, %arg4: memref<128x2xf32, #tpu.memory_space<vmem>>) attributes {dimension_semantics = [], scalar_prefetch = 0 : i64, scratch_operands = 0 : i64, tpu.core_type = #tpu.core_type<tc>} {
    %get3A = arith.constant 0 : index
    %get3A_0 = arith.constant 0 : index
    %get3A_1 = vector.load %arg1[%get3A, %get3A_0] : memref<1x10000xi32, #tpu.memory_space<vmem>>, vector<1x10000xi32>
    %iota3A = tpu.iota {dimensions = array<i32: 0>} : vector<128x10000xi32>
    %eq3A = vector.broadcast %get3A_1 : vector<1x10000xi32> to vector<128x10000xi32>
    %eq3A_2 = arith.cmpi eq, %iota3A, %eq3A : vector<128x10000xi32>
    %convert_element_type3A = arith.extui %eq3A_2 : vector<128x10000xi1> to vector<128x10000xi32>
    %convert_element_type3A_3 = arith.sitofp %convert_element_type3A : vector<128x10000xi32> to vector<128x10000xf32>
    %get3A_4 = arith.constant 0 : index
    %get3A_5 = arith.constant 0 : index
    %get3A_6 = vector.load %arg0[%get3A_4, %get3A_5] : memref<10000x128xf32, #tpu.memory_space<vmem>>, vector<10000x128xf32>
    %dot_general3A = arith.constant dense<0.000000e+00> : vector<128x128xf32>
    %dot_general3A_7 = tpu.matmul %convert_element_type3A_3, %get3A_6, %dot_general3A {dimension_numbers = #tpu.dot_dimension_numbers<[1], [0], [0], [1], [0, 0, 1, 1], [], []>, precision = #tpu.contract_precision<fp32>, transpose_lhs_hint = false} : vector<128x10000xf32>, vector<10000x128xf32>, vector<128x128xf32> -> vector<128x128xf32>
    %reduce_sum3A = arith.constant dense<0.000000e+00> : vector<128xf32>
    %reduce_sum3A_8 = vector.multi_reduction <add>, %convert_element_type3A_3, %reduce_sum3A [1] : vector<128x10000xf32> to vector<128xf32>
    %broadcast_in_dim3A = vector.shape_cast %reduce_sum3A_8 : vector<128xf32> to vector<128x1xf32>
    %max3A = arith.constant 1.000000e+00 : f32
    %max3A_9 = vector.broadcast %max3A : f32 to vector<128x1xf32>
    %max3A_10 = arith.maximumf %broadcast_in_dim3A, %max3A_9 : vector<128x1xf32>
    %div3A = vector.broadcast %max3A_10 : vector<128x1xf32> to vector<128x128xf32>
    %div3A_11 = arith.divf %dot_general3A_7, %div3A : vector<128x128xf32>
    %get3A_12 = arith.constant 0 : index
    %get3A_13 = arith.constant 0 : index
    %get3A_14 = vector.load %arg2[%get3A_12, %get3A_13] : memref<128x2xf32, #tpu.memory_space<vmem>>, vector<128x2xf32>
    %dot_general3A_15 = arith.constant dense<0.000000e+00> : vector<128x2xf32>
    %dot_general3A_16 = tpu.matmul %div3A_11, %get3A_14, %dot_general3A_15 {dimension_numbers = #tpu.dot_dimension_numbers<[1], [0], [0], [1], [0, 0, 1, 1], [], []>, precision = #tpu.contract_precision<fp32>, transpose_lhs_hint = false} : vector<128x128xf32>, vector<128x2xf32>, vector<128x2xf32> -> vector<128x2xf32>
    %get3A_17 = arith.constant 0 : index
    %get3A_18 = arith.constant 0 : index
    %get3A_19 = vector.load %arg3[%get3A_17, %get3A_18] : memref<1x2xf32, #tpu.memory_space<vmem>>, vector<1x2xf32>
    %add3A = vector.broadcast %get3A_19 : vector<1x2xf32> to vector<128x2xf32>
    %add3A_20 = arith.addf %dot_general3A_16, %add3A : vector<128x2xf32>
    %swap3A = arith.constant 0 : index
    %swap3A_21 = arith.constant 0 : index
    %swap3A_22 = vector.load %arg4[%swap3A, %swap3A_21] : memref<128x2xf32, #tpu.memory_space<vmem>>, vector<128x2xf32>
    tpu.vector_store %arg4[%swap3A, %swap3A_21], %add3A_20 {strides = array<i32>} : memref<128x2xf32, #tpu.memory_space<vmem>>, vector<128x2xf32>,
    return
  }
}

</mosaic_0001>

<sc_bundles>
// kernel: kernel.12.cloned.1.call-start
scs
__scs_entry_jumppad:
0x0: {  	(pc) =	sbr.rel $0x88, $3  }
0x1: {  	(tag) =	ssettag $0x0;
	lr =	simm.s32 $0x1  }
0x2: {  	[smem:$0x3F93] =	sst lr;
	_ =	strace $0xD0000000  }
0x3: {  	_ = 	snop  }
0x4: {  	_ = 	snop  }
0x5: {  	_ = 	snop  }
0x6: {  	_ = 	snop  }
0x7: {  	_ = 	snop  }
__scs_overlays_trampoline_lowered:
0x8: {  	[smem:$0x3FA2] =	sst s0  }
0x9: {  	[smem:$0x3FA3] =	sst s1  }
0xa: {  	[smem:$0x3FA4] =	sst s2  }
0xb: {  	[smem:$0x3FA5] =	sst s3  }
0xc: {  	[smem:$0x3FA6] =	sst s4  }
0xd: {  	[smem:$0x3FA7] =	sst s5  }
0xe: {  	[smem:$0x3FA8] =	sst s6  }
0xf: {  	[smem:$0x3FA9] =	sst s7  }
0x10: {  	[smem:$0x3FAA] =	sst s8  }
0x11: {  	[smem:$0x3FAB] =	sst s9;
	s0 =	simm.s32 @!p0 $0x0  }
0x12: {  	s1 =	sld [smem:$0x3F91];
	s0 =	simm.s32 @p0 $0x1  }
0x13: {  	[smem:$0x3FAC] =	sst s0;
	s0 =	simm.s32 @!p1 $0x0  }
0x14: {  	s2 =	sld [smem:$0x3F90];
	s0 =	simm.s32 @p1 $0x1  }
0x15: {  	[smem:$0x3FAD] =	sst s0;
	s0 =	simm.s32 @!p2 $0x0  }
0x16: {  	s3 =	sld [smem:$0x3FDB];
	s0 =	simm.s32 @p2 $0x1  }
0x17: {  	s4 =	simm.s32 $0x1BF5;
	[smem:$0x3FAF] =	sst s0  }
0x18: {  	s0 =	sld [smem:$0x3F92];
	_ =	swait.ge [sflag:s4], $0x0  }
0x19: {  	s7 =	sld [smem:$0x3F93]  }
0x1a: {  	s8 =	sadd.s32 $0xFFFFE003, lr  }
0x1b: {  	s9 =	sadd.s32 $0xFFFFFEF7, lr;
	s5 =	simm.s32 $0xFFFFFFFF;
	p2 =	slt.u32 s8, $0xFFFFF086  }
0x1c: {  	p1 =	slt.u32 s9, $0xF7A;
	s5 =	simm.s32 @!p2 $0x0  }
0x1d: {  	s5 =	simm.s32 @p1 $0x1;
	p0 =	seq.s32 s7, s2  }
0x1e: {  	s7 =	smul.u32 @!p0 $0xF7A, s2;
	p2 =	seq.s32 @!p0 s5, $0x0  }
0x1f: {  	s9 =	smul.u32 $0xF7A, s1;
	s8 =	simm.s32 @!p0 $0x1BF5;
	p2 =	por !p2, p0  }
0x20: {  	[sflag:s8] =	ssyncset.s32 @!p0 $0xFFFFF086;
	s6 =	sadd.s32 @!p0 s3, s7;
	s7 =	simm.s32 @!p0 $0x108  }
0x21: {  	s3 =	sadd.s32 s3, s9;
	s6 =	sadd.s32 @!p0 $0x88, s6;
	s7 =	simm.s32 @p2 $0x1082  }
0x22: {  	[simem:s7], [sflag:s8] =	dma.local @!p0 [hbm:s6], $0xF7A  }
0x23: {  	s9 =	sor.u32 $0xD0000000, s2;
	s6 =	simm.s32 $0x108;
	_ =	swait.ge @!p0 [sflag:s8], $0x0  }
0x24: {  	s3 =	sadd.s32 $0x88, s3;
	s6 =	simm.s32 @!p1 $0x1082;
	[sflag:s4] =	ssyncset.s32 $0xFFFFF086  }
0x25: {  	[simem:s6], [sflag:s4] =	dma.local [hbm:s3], $0xF7A  }
0x26: {  	[smem:$0x3F93] =	sst s1;
	(tag) =	ssettag s2;
	_ =	strace s9  }
0x27: {  	s1 =	sld [smem:$0x3FA3]  }
0x28: {  	s2 =	sld [smem:$0x3FA4]  }
0x29: {  	s4 =	sld [smem:$0x3FA6]  }
0x2a: {  	p0 =	seq.s32 s5, $0x0;
	s5 =	sld [smem:$0x3FA7]  }
0x2b: {  	s6 =	sld [smem:$0x3FA8]  }
0x2c: {  	s7 =	sld [smem:$0x3FA9]  }
0x2d: {  	s3 =	simm.s32 $0x108;
	s8 =	sld [smem:$0x3FAA]  }
0x2e: {  	s3 =	simm.s32 @!p0 $0x1082;
	s9 =	sld [smem:$0x3FAB]  }
0x2f: {  	lr =	sadd.s32 s0, s3;
	s0 =	sld [smem:$0x3FA2]  }
0x30: {  	s3 =	sld [smem:$0x3FA5]  }
0x31: {  	[smem:$0x3FAE] =	sst s10  }
0x32: {  	s10 =	sld [smem:$0x3FAC];
	_ =	sdelay $0x3  }
0x33: {  	p0 =	seq.s32 s10, $0x1;
	s10 =	sld [smem:$0x3FAE];
	_ =	sdelay $0x3  }
0x34: {  	[smem:$0x3FAE] =	sst s10  }
0x35: {  	s10 =	sld [smem:$0x3FAD];
	_ =	sdelay $0x3  }
0x36: {  	p1 =	seq.s32 s10, $0x1;
	s10 =	sld [smem:$0x3FAE];
	_ =	sdelay $0x3  }
0x37: {  	[smem:$0x3FAE] =	sst s10  }
0x38: {  	s10 =	sld [smem:$0x3FAF]  }
0x39: {  	_ = 	snop;
	(pc) =	sbr.ind lr, $3  }
0x3a: {  	_ = 	snop  }
0x3b: {  	_ = 	snop  }
0x3c: {  	p2 =	seq.s32 s10, $0x1;
	s10 =	sld [smem:$0x3FAE]  }
0x3d: {  	_ =	shalt  }
0x3e: {  	_ =	shalt  }
0x3f: {  	_ =	shalt  }
0x40: {  	_ =	shalt  }
0x41: {  	_ =	shalt  }
0x42: {  	_ =	shalt  }
0x43: {  	_ =	shalt  }
0x44: {  	_ =	shalt  }
0x45: {  	_ =	shalt  }
0x46: {  	_ =	shalt  }
0x47: {  	_ =	shalt  }
0x48: {  	_ =	shalt  }
0x49: {  	_ =	shalt  }
0x4a: {  	_ =	shalt  }
0x4b: {  	_ =	shalt  }
0x4c: {  	_ =	shalt  }
0x4d: {  	_ =	shalt  }
0x4e: {  	_ =	shalt  }
0x4f: {  	_ =	shalt  }
0x50: {  	_ =	shalt  }
0x51: {  	_ =	shalt  }
0x52: {  	_ =	shalt  }
0x53: {  	_ =	shalt  }
0x54: {  	_ =	shalt  }
0x55: {  	_ =	shalt  }
0x56: {  	_ =	shalt  }
0x57: {  	_ =	shalt  }
0x58: {  	_ =	shalt  }
0x59: {  	_ =	shalt  }
0x5a: {  	_ =	shalt  }
0x5b: {  	_ =	shalt  }
0x5c: {  	_ =	shalt  }
0x5d: {  	_ =	shalt  }
0x5e: {  	_ =	shalt  }
0x5f: {  	_ =	shalt  }
0x60: {  	_ =	shalt  }
0x61: {  	_ =	shalt  }
0x62: {  	_ =	shalt  }
0x63: {  	_ =	shalt  }
0x64: {  	_ =	shalt  }
0x65: {  	_ =	shalt  }
0x66: {  	_ =	shalt  }
0x67: {  	_ =	shalt  }
0x68: {  	_ =	shalt  }
0x69: {  	_ =	shalt  }
0x6a: {  	_ =	shalt  }
0x6b: {  	_ =	shalt  }
0x6c: {  	_ =	shalt  }
0x6d: {  	_ =	shalt  }
0x6e: {  	_ =	shalt  }
0x6f: {  	_ =	shalt  }
0x70: {  	_ =	shalt  }
0x71: {  	_ =	shalt  }
0x72: {  	_ =	shalt  }
0x73: {  	_ =	shalt  }
0x74: {  	_ =	shalt  }
0x75: {  	_ =	shalt  }
0x76: {  	_ =	shalt  }
0x77: {  	_ =	shalt  }
0x78: {  	_ =	shalt  }
0x79: {  	_ =	shalt  }
0x7a: {  	_ =	shalt  }
0x7b: {  	_ =	shalt  }
0x7c: {  	_ =	shalt  }
0x7d: {  	_ =	shalt  }
0x7e: {  	_ =	shalt  }
0x7f: {  	_ =	shalt  }
0x80: {  	_ =	shalt  }
0x81: {  	_ =	shalt  }
0x82: {  	_ =	shalt  }
0x83: {  	_ =	shalt  }
0x84: {  	_ =	shalt  }
0x85: {  	_ =	shalt  }
0x86: {  	_ =	shalt  }
0x87: {  	_ =	shalt  }
.Lfunc_end0:
.L_simem_size_0:
called_computation.1_lowered:
.L_overlay_start_0:
0x88: {  	s2 =	sld [smem:$0x3FD9]  }
0x89: {  	s3 =	sld [smem:$0x3FFE];
	_ =	sdelay $0x1  }
0x8a: {  	s1 =	srdreg.scid  }
0x8b: {  	s0 =	sand.u32 $0x1, s1  }
0x8c: {  	s16 =	sshll.u32 s0, $0xA;
	s2 =	sadd.s32 s3, s2  }
0x8d: {  	s2 =	sadd.s32 s2, s16  }
0x8e: {  	[smem:$0x3FBA] =	sst s2  }
0x8f: {  	_ = 	snop  }
0x90: {  	(tm) =	ssettm $0x1  }
0x91: {  	s17 =	sld [smem:$0x3FFB];
	_ =	sdelay $0x3  }
0x92: {  	_ =	strace s17  }
0x93: {  	s2 =	sld [smem:$0x3FFC];
	_ =	sdelay $0x3  }
0x94: {  	_ =	strace s2  }
0x95: {  	s2 =	sld [smem:$0x3FFD];
	_ =	sdelay $0x3  }
0x96: {  	_ =	strace s2  }
0x97: {  	_ =	strace $0x8FFFFFFF  }
0x98: {  	s18 =	sld [smem:$0x3FDB];
	_ =	sdelay $0x1  }
0x99: {  	s19 =	simm.s32 $_scs_section_size  }
0x9a: {  	s4 =	simm.s32 $_size__tile_overlayer_lowered;
	s5 =	simm.s32 $_tile_overlayer_lowered  }
0x9b: {  	s22 =	simm.s32 $0x1BFF;
	s21 =	sshll.u32 s5, $0x1;
	s2 =	sadd.s32 s19, s18  }
0x9c: {  	s6 =	simm.s32 $0x0;
	s20 =	sshll.u32 s4, $0x1;
	s4 =	sadd.s32 s21, s2  }
0x9d: {  	[timem:s6], [sflag:s22] =	dma.local [hbm:s4], s20  }
0x9e: {  	_ =	swait.ge [sflag:s22], s20  }
0x9f: {  	s3 =	ssub.s32 $0x0, s20;
	[sflag:s22] =	ssyncset.done $0x0  }
0xa0: {  	[sflag:s22] =	ssyncadd.s32 s3;
	_ =	sdelay $0x1  }
0xa1: {  	s23 =	simm.s32 $0x1B8B  }
0xa2: {  	_ =	swait.ge [sflag:s23], $0x1  }
0xa3: {  	[sflag:s23] =	ssyncset.done $0x0  }
0xa4: {  	s25 =	simm.s32 $0x1B8E;
	s24 =	sld [smem:$0x3FFE];
	[sflag:s23] =	ssyncadd.s32 $0xFFFFFFFF  }
0xa5: {  	s26 =	simm.s32 $execute0_lowered;
	[smem:$0x3FD2] =	sst s25  }
0xa6: {  	s4 =	sshll.u32 s26, $0x1;
	_ =	strace $0x80000046;
	[dreg:$0x1] =	wrdreg $0xFFFFFFFF  }
0xa7: {  	s28 =	simm.s32 $_size_execute0_lowered;
	s2 =	sadd.s32 s2, s4;
	[dreg:$0x0] =	wrdreg $0x0  }
0xa8: {  	s4 =	sshll.u32 s28, $0x1;
	[dreg:$0x2] =	wrdreg s2  }
0xa9: {  	[dreg:$0x3] =	wrdreg s4  }
0xaa: {  	[dreg:$0x4] =	wrdreg $0xC0  }
0xab: {  	_ =	task [dreg:s6], $0x5FFFF  }
0xac: {  	[dreg:$0x1] =	wrdreg $0xFFFFFFFF  }
0xad: {  	[dreg:$0x0] =	wrdreg $0x60  }
0xae: {  	[dreg:$0x2] =	wrdreg s24  }
0xaf: {  	[dreg:$0x3] =	wrdreg $0x0  }
0xb0: {  	[dreg:$0x4] =	wrdreg $0xA  }
0xb1: {  	_ =	task.clear_ibuf [dreg:s6], $0x5FFFF;
	_ =	strace $0x90000046  }
0xb2: {  	s29 =	simm.s32 $0xA;
	_ =	strace $0x80000048  }
0xb3: {  	_ =	swait.ge [sflag:s29], $0x1  }
0xb4: {  	[sflag:s29] =	ssyncadd.s32 $0xFFFFFFFF  }
0xb5: {  	_ =	strace $0x90000048  }
0xb6: {  	_ =	sfence  }
0xb7: {  	s30 =	sld [smem:$0x0];
	_ =	sdelay $0x2  }
0xb8: {  	s31 =	sshll.u32 s1, $0xD;
	s1 =	sshrl.u32 s1, $0x2  }
0xb9: {  	s3 =	sand.u32 $0x4000, s31;
	s1 =	sadd.s32 s1, s30  }
0xba: {  	s0 =	sor.u32 s3, s0;
	s1 =	sshll.u32 s1, $0x11  }
0xbb: {  	s0 =	sor.u32 s1, s0  }
0xbc: {  	s0 =	sadd.s32 $0x8F2B, s0  }
0xbd: {  	[sflag:s0] =	ssyncadd.remote.s32 $0x1  }
0xbe: {  	_ =	sfence.sel $0xFFFF  }
0xbf: {  	[dreg:$0x0] =	wrdreg $0xFFFFFFFF;
	(pc) =	sbr.abs _section_cstart, $3  }
0xc0: {  	[dreg:$0x1] =	wrdreg $0xFFFFFFFF  }
0xc1: {  	_ =	task.clear_ibuf [dreg:s6], $0x2FFFF;
	_ =	strace $0x9FFFFFFF  }
0xc2: {  	(tm) =	ssettm $0x7FFFFFFF  }
0xc3: {  	_ =	shalt  }
tec
execute0_lowered:
.L_overlay_start_1:
0x0: {  	(tag) =	ssettag $0x1  }
0x1: {  	s0 =	rddreg [dreg:$0x0]  }
0x2: {  	s1 =	rddreg [dreg:$0x1]  }
0x3: {  	s3 =	simm.s32 $0x0;
	s2 =	srdreg.scid;
	s5 =	stileid.u32  }
0x4: {  	s17 =	simm.s32 $0x5;
	s18 =	simm.s32 $0x14000;
	s19 =	simm.s32 $0x14100  }
0x5: {  	s20 =	simm.s32 $0x14080;
	s21 =	simm.s32 $0x14180;
	s22 =	simm.s32 $0x3  }
0x6: {  	s28 =	simm.s32 $0x1;
	s29 =	simm.s32 $0x2;
	s30 =	simm.s32 $0x0  }
0x7: {  	[smem:$0x7FF] =	sst s3;
	s4 =	sadd.s32 $0x15C00, s0;
	s6 =	smul.u32 $0x2800, s5  }
0x8: {  	s2 =	sand.u32 $0x1, s2;
	s10 =	sadd.s32 $0xBC00, s0;
	s9 =	smul.u32 $0x18, s5  }
0x9: {  	s11 =	sadd.s32 $0x1C00, s0;
	s8 =	sadd.s32 $0x3CE00, s0;
	s12 =	smul.u32 $0x88, s5  }
0xa: {  	s25 =	smul.u32 $0x50000, s5;
	s31 =	sshll.u32 s5, $0x6;
	_ =	strace $0x80000047  }
0xb: {  	s7 =	smul.u32 $0x28000, s2;
	[dreg:$0x3] =	wrdreg s8;
	s23 =	ssub.s32 $0x2, s2  }
0xc: {  	p0 =	seq.s32 s2, $0x0;
	s24 =	sshrl.u32 s23, $0x1;
	s2 =	sadd.s32 $0x880, s9  }
0xd: {  	s26 =	sshrl.u32 s25, $0x2;
	s9 =	simm.s32 $0x43;
	s25 =	simm.s32 $0x4  }
0xe: {  	s6 =	sadd.s32 s6, s7;
	s13 =	ssub.s32 s23, s24;
	s2 =	smov.u32 @p0 s12  }
0xf: {  	s14 =	sadd.s32 s26, s1;
	s9 =	simm.s32 @!p0 $0xB;
	s23 =	simm.s32 $0x80  }
0x10: {  	s24 =	simm.s32 $0x14200;
	s26 =	simm.s32 $0x18200;
	s0 =	sadd.s32 s6, s0  }
0x11: {  	s2 =	sshll.u32 s2, $0x4;
	s6 =	sor.u32 $0x1C05, s31;
	s13 =	smax.u32 s13, $0x1  }
0x12: {  	s7 =	sadd.s32 s10, s2;
	s8 =	sadd.s32 s11, s2;
	s2 =	sor.u32 $0x10, s2  }
0x13: {  	s16 =	sshrl.u32 s14, $0x3;
	s12 =	sadd.s32 $0x3F600, s0;
	s10 =	sadd.s32 s10, s2  }
0x14: {  	s11 =	sadd.s32 s11, s2;
	s0 =	sadd.s32 $0x20, s8;
	s2 =	sadd.s32 $0x20, s7  }
.LBB2_1:
0x15: {  	s5 =	rddreg [dreg:$0x3]  }
0x16: {  	[spmem:s16], [sflag:s6] =	dma.local [hbm:s5], $0x2800  }
0x17: {  	_ =	swait.ge [sflag:s17], $0x2800  }
0x18: {  	[sflag:s17] =	ssyncset.done $0x0  }
0x19: {  	[sflag:s17] =	ssyncadd.s32 $0xFFFFD800  }
0x1a: {  	[bflag:$0x0] =	sbarrier.arrive $0xFFFF  }
0x1b: {  	[tilespmem:s18], [sflag:$0x3] =	stream.linear.gather [hbm4b:s7+s3], $0x80, $0x38;
	[tilespmem:$0x1C200] =	vst v63  }
0x1c: {  	_ = 	snop  }
0x1d: {  	[tilespmem:s19], [sflag:$0x3] =	stream.linear.gather [hbm4b:s8+s3], $0x80, $0x38;
	[tilespmem:$0x1C200] =	vst v63  }
0x1e: {  	_ = 	snop  }
0x1f: {  	[tilespmem:s20], [sflag:$0x4] =	stream.linear.gather [hbm4b:s10+s3], $0x80, $0x38;
	[tilespmem:$0x1C200] =	vst v63  }
0x20: {  	_ = 	snop  }
0x21: {  	[tilespmem:s21], [sflag:$0x4] =	stream.linear.gather [hbm4b:s11+s3], $0x80, $0x38;
	[tilespmem:$0x1C200] =	vst v63  }
0x22: {  	_ =	swait.ge [sflag:s22], $0x80  }
0x23: {  	[sflag:s22] =	ssyncset.done $0x0  }
0x24: {  	[sflag:s22] =	ssyncadd.s32 $0xFFFFFF80  }
0x25: {  	_ =	swait.ge [sflag:s22], $0x80  }
0x26: {  	[sflag:s22] =	ssyncset.done $0x0  }
0x27: {  	[sflag:s22] =	ssyncadd.s32 $0xFFFFFF80  }
0x28: {  	[tilespmem:s24], [sflag:$0x1] =	stream.indirect.gather [hbm4b:s4+s23], $0x80, s18, s23, $0xb8;
	[tilespmem:$0x1C200] =	vst v63  }
0x29: {  	_ =	swait.ge [sflag:s25], $0x80  }
0x2a: {  	[sflag:s25] =	ssyncset.done $0x0  }
0x2b: {  	[sflag:s25] =	ssyncadd.s32 $0xFFFFFF80  }
0x2c: {  	_ =	swait.ge [sflag:s25], $0x80  }
0x2d: {  	[sflag:s25] =	ssyncset.done $0x0  }
0x2e: {  	[sflag:s25] =	ssyncadd.s32 $0xFFFFFF80  }
0x2f: {  	[tilespmem:s26], [sflag:$0x2] =	stream.indirect.gather [hbm4b:s4+s23], $0x80, s20, s23, $0xb8;
	[tilespmem:$0x1C200] =	vst v63  }
0x30: {  	_ =	swait.ge [sflag:s28], $0x4000  }
0x31: {  	[sflag:s28] =	ssyncset.done $0x0  }
0x32: {  	[sflag:s28] =	ssyncadd.s32 $0xFFFFC000  }
0x33: {  	[tilespmem:s18], [sflag:$0x3] =	stream.linear.gather [hbm4b:s2+s3], $0x80, $0x38;
	[tilespmem:$0x1C200] =	vst v63  }
0x34: {  	_ = 	snop  }
0x35: {  	[spmem:s1] =	stream.indirect.scatter.add.f32 [tilespmem:s24], [sflag:$0x5], $0x80, s19, s23, $0xb8;
	[tilespmem:$0x1C200] =	vst v63  }
0x36: {  	_ =	swait.ge [sflag:s17], $0x4000  }
0x37: {  	[sflag:s17] =	ssyncset.done $0x0  }
0x38: {  	[sflag:s17] =	ssyncadd.s32 $0xFFFFC000  }
0x39: {  	[tilespmem:s19], [sflag:$0x3] =	stream.linear.gather [hbm4b:s0+s3], $0x80, $0x38;
	[tilespmem:$0x1C200] =	vst v63  }
0x3a: {  	_ =	swait.ge [sflag:s22], $0x80  }
0x3b: {  	[sflag:s22] =	ssyncset.done $0x0  }
0x3c: {  	[sflag:s22] =	ssyncadd.s32 $0xFFFFFF80  }
0x3d: {  	_ =	swait.ge [sflag:s22], $0x80  }
0x3e: {  	[sflag:s22] =	ssyncset.done $0x0  }
0x3f: {  	[sflag:s22] =	ssyncadd.s32 $0xFFFFFF80  }
0x40: {  	[tilespmem:s24], [sflag:$0x1] =	stream.indirect.gather [hbm4b:s4+s23], $0x80, s18, s23, $0xb8;
	[tilespmem:$0x1C200] =	vst v63  }
0x41: {  	_ =	swait.ge [sflag:s29], $0x4000  }
0x42: {  	[sflag:s29] =	ssyncset.done $0x0  }
0x43: {  	s14 =	sadd.s32 $0x10, s2;
	[sflag:s29] =	ssyncadd.s32 $0xFFFFC000  }
0x44: {  	[tilespmem:s20], [sflag:$0x4] =	stream.linear.gather [hbm4b:s14+s3], $0x80, $0x38;
	[tilespmem:$0x1C200] =	vst v63  }
0x45: {  	_ = 	snop  }
0x46: {  	[spmem:s1] =	stream.indirect.scatter.add.f32 [tilespmem:s26], [sflag:$0x5], $0x80, s21, s23, $0xb8;
	[tilespmem:$0x1C200] =	vst v63  }
0x47: {  	_ =	swait.ge [sflag:s17], $0x4000  }
0x48: {  	[sflag:s17] =	ssyncset.done $0x0  }
0x49: {  	s15 =	sadd.s32 $0x10, s0;
	p0 =	sne.s32 s9, $0x1;
	[sflag:s17] =	ssyncadd.s32 $0xFFFFC000  }
0x4a: {  	[tilespmem:s21], [sflag:$0x4] =	stream.linear.gather [hbm4b:s15+s3], $0x80, $0x38;
	[tilespmem:$0x1C200] =	vst v63  }
.Ltmp0:
0x4b: {  	_ =	swait.ge [sflag:s25], $0x80;
	(pc) =	sbr.rel @!p0 .LBB2_3-.Ltmp0, $4  }
0x4c: {  	[sflag:s25] =	ssyncset.done $0x0  }
0x4d: {  	[sflag:s25] =	ssyncadd.s32 $0xFFFFFF80  }
0x4e: {  	s31 =	sadd.s32 $0xFFFFFFFF, s9;
	_ =	swait.ge [sflag:s25], $0x80  }
0x4f: {  	s14 =	smov.u32 s0;
	s15 =	smov.u32 s2;
	[sflag:s25] =	ssyncset.done $0x0  }
.LBB2_2:
0x50: {  	[sflag:s25] =	ssyncadd.s32 $0xFFFFFF80;
	s14 =	sadd.s32 $0x20, s14;
	s15 =	sadd.s32 $0x20, s15  }
0x51: {  	[tilespmem:s26], [sflag:$0x2] =	stream.indirect.gather [hbm4b:s4+s23], $0x80, s20, s23, $0xb8;
	[tilespmem:$0x1C200] =	vst v63  }
0x52: {  	p0 =	sne.s32 s31, $0x1;
	s31 =	sadd.s32 $0xFFFFFFFF, s31;
	_ =	swait.ge [sflag:s28], $0x4000  }
0x53: {  	[sflag:s28] =	ssyncset.done $0x0  }
0x54: {  	[sflag:s28] =	ssyncadd.s32 $0xFFFFC000  }
0x55: {  	[tilespmem:s18], [sflag:$0x3] =	stream.linear.gather [hbm4b:s15+s3], $0x80, $0x38;
	[tilespmem:$0x1C200] =	vst v63  }
0x56: {  	_ = 	snop  }
0x57: {  	[spmem:s1] =	stream.indirect.scatter.add.f32 [tilespmem:s24], [sflag:$0x5], $0x80, s19, s23, $0xb8;
	[tilespmem:$0x1C200] =	vst v63  }
0x58: {  	_ =	swait.ge [sflag:s17], $0x4000  }
0x59: {  	[sflag:s17] =	ssyncset.done $0x0  }
0x5a: {  	[sflag:s17] =	ssyncadd.s32 $0xFFFFC000  }
0x5b: {  	[tilespmem:s19], [sflag:$0x3] =	stream.linear.gather [hbm4b:s14+s3], $0x80, $0x38;
	[tilespmem:$0x1C200] =	vst v63  }
0x5c: {  	_ =	swait.ge [sflag:s22], $0x80  }
0x5d: {  	[sflag:s22] =	ssyncset.done $0x0  }
0x5e: {  	[sflag:s22] =	ssyncadd.s32 $0xFFFFFF80  }
0x5f: {  	_ =	swait.ge [sflag:s22], $0x80  }
0x60: {  	[sflag:s22] =	ssyncset.done $0x0  }
0x61: {  	[sflag:s22] =	ssyncadd.s32 $0xFFFFFF80  }
0x62: {  	[tilespmem:s24], [sflag:$0x1] =	stream.indirect.gather [hbm4b:s4+s23], $0x80, s18, s23, $0xb8;
	[tilespmem:$0x1C200] =	vst v63  }
0x63: {  	_ =	swait.ge [sflag:s29], $0x4000  }
0x64: {  	[sflag:s29] =	ssyncset.done $0x0  }
0x65: {  	s5 =	sadd.s32 $0x10, s15;
	[sflag:s29] =	ssyncadd.s32 $0xFFFFC000  }
0x66: {  	[tilespmem:s20], [sflag:$0x4] =	stream.linear.gather [hbm4b:s5+s3], $0x80, $0x38;
	[tilespmem:$0x1C200] =	vst v63  }
0x67: {  	_ = 	snop  }
0x68: {  	[spmem:s1] =	stream.indirect.scatter.add.f32 [tilespmem:s26], [sflag:$0x5], $0x80, s21, s23, $0xb8;
	[tilespmem:$0x1C200] =	vst v63  }
0x69: {  	_ =	swait.ge [sflag:s17], $0x4000  }
0x6a: {  	[sflag:s17] =	ssyncset.done $0x0  }
0x6b: {  	s5 =	sadd.s32 $0x10, s14;
	[sflag:s17] =	ssyncadd.s32 $0xFFFFC000  }
0x6c: {  	[tilespmem:s21], [sflag:$0x4] =	stream.linear.gather [hbm4b:s5+s3], $0x80, $0x38;
	[tilespmem:$0x1C200] =	vst v63  }
.Ltmp1:
0x6d: {  	_ =	swait.ge [sflag:s25], $0x80;
	(pc) =	sbr.rel @p0 .LBB2_2-.Ltmp1, $4  }
0x6e: {  	[sflag:s25] =	ssyncset.done $0x0  }
0x6f: {  	[sflag:s25] =	ssyncadd.s32 $0xFFFFFF80  }
0x70: {  	_ =	swait.ge [sflag:s25], $0x80  }
0x71: {  	[sflag:s25] =	ssyncset.done $0x0  }
.LBB2_3:
0x72: {  	[sflag:s25] =	ssyncadd.s32 $0xFFFFFF80  }
0x73: {  	[tilespmem:s26], [sflag:$0x2] =	stream.indirect.gather [hbm4b:s4+s23], $0x80, s20, s23, $0xb8;
	[tilespmem:$0x1C200] =	vst v63  }
0x74: {  	_ =	swait.ge [sflag:s28], $0x4000  }
0x75: {  	[sflag:s28] =	ssyncset.done $0x0  }
0x76: {  	[sflag:s28] =	ssyncadd.s32 $0xFFFFC000  }
0x77: {  	[spmem:s1] =	stream.indirect.scatter.add.f32 [tilespmem:s24], [sflag:$0x5], $0x80, s19, s23, $0xb8;
	[tilespmem:$0x1C200] =	vst v63  }
0x78: {  	_ =	swait.ge [sflag:s17], $0x4000  }
0x79: {  	[sflag:s17] =	ssyncset.done $0x0  }
0x7a: {  	[sflag:s17] =	ssyncadd.s32 $0xFFFFC000  }
0x7b: {  	_ =	swait.ge [sflag:s29], $0x4000  }
0x7c: {  	[sflag:s29] =	ssyncset.done $0x0  }
0x7d: {  	[sflag:s29] =	ssyncadd.s32 $0xFFFFC000  }
0x7e: {  	[spmem:s1] =	stream.indirect.scatter.add.f32 [tilespmem:s26], [sflag:$0x5], $0x80, s21, s23, $0xb8;
	[tilespmem:$0x1C200] =	vst v63  }
0x7f: {  	_ =	swait.ge [sflag:s17], $0x4000  }
0x80: {  	s30 =	sadd.s32 $0x1, s30;
	[sflag:s17] =	ssyncset.done $0x0  }
0x81: {  	p0 =	sne.s32 s30, s13;
	[sflag:s17] =	ssyncadd.s32 $0xFFFFC000  }
.Ltmp2:
0x82: {  	[bflag:$0x0] =	sbarrier.arrive $0xFFFF;
	(pc) =	sbr.rel @p0 .LBB2_1-.Ltmp2, $4  }
0x83: {  	[hbm:s12], [sflag:s6] =	dma.local [spmem:s16], $0x2800  }
0x84: {  	_ =	swait.ge [sflag:s17], $0x2800  }
0x85: {  	[sflag:s17] =	ssyncset.done $0x0  }
0x86: {  	[sflag:s17] =	ssyncadd.s32 $0xFFFFD800  }
0x87: {  	_ =	sfence.sel $0x180000  }
0x88: {  	[bflag:$0x0] =	sbarrier.arrive $0xFFFF  }
0x89: {  	_ =	strace $0x90000047  }
0x8a: {  	s0 =	stileid.u32;
	[bflag:$0x2] =	sbarrier.arrive $0xFFFF  }
0x8b: {  	p0 =	sne.s32 s0, $0x0;
	s0 =	rddreg [dreg:$0x2]  }
0x8c: {  	s0 =	sadd.s32 @!p0 $0x100000, s0  }
0x8d: {  	[sflag:s0] =	ssyncadd.tile.s32 @!p0 $0x1;
	_ =	shalt  }
.Lfunc_end2:
_tile_overlayer_lowered:
.L_overlay_start_2:
0x8e: {  	(tag) =	ssettag $0x2  }
0x8f: {  	s0 =	rddreg [dreg:$0x0];
	s2 =	stileid.u32  }
0x90: {  	s1 =	rddreg [dreg:$0x1];
	p0 =	sne.s32 s2, $0x0  }
0x91: {  	s3 =	rddreg [dreg:$0x2];
	[bflag:$0x3] =	sbarrier.arrive $0xFFFF;
	s2 =	simm.s32 @!p0 $0x1C05  }
0x92: {  	[timem:s3], [sflag:s2] =	dma.local @!p0 [hbm:s0], s1  }
0x93: {  	s0 =	simm.s32 @!p0 $0x5  }
0x94: {  	_ =	swait.ge @!p0 [sflag:s0], s1  }
0x95: {  	s1 =	ssub.s32 @!p0 $0x0, s1;
	[sflag:s0] =	ssyncset.done @!p0 $0x0  }
0x96: {  	[sflag:s0] =	ssyncadd.s32 @!p0 s1  }
0x97: {  	[bflag:$0x3] =	sbarrier.arrive $0xFFFF  }
0x98: {  	_ =	shalt  }

// kernel: kernel.15.cloned.1.call-start
scs
__scs_entry_jumppad:
0x0: {  	(pc) =	sbr.rel $0x88, $3  }
0x1: {  	(tag) =	ssettag $0x0;
	lr =	simm.s32 $0x1  }
0x2: {  	[smem:$0x3F93] =	sst lr;
	_ =	strace $0xD0000000  }
0x3: {  	_ = 	snop  }
0x4: {  	_ = 	snop  }
0x5: {  	_ = 	snop  }
0x6: {  	_ = 	snop  }
0x7: {  	_ = 	snop  }
__scs_overlays_trampoline_lowered:
0x8: {  	[smem:$0x3FA2] =	sst s0  }
0x9: {  	[smem:$0x3FA3] =	sst s1  }
0xa: {  	[smem:$0x3FA4] =	sst s2  }
0xb: {  	[smem:$0x3FA5] =	sst s3  }
0xc: {  	[smem:$0x3FA6] =	sst s4  }
0xd: {  	[smem:$0x3FA7] =	sst s5  }
0xe: {  	[smem:$0x3FA8] =	sst s6  }
0xf: {  	[smem:$0x3FA9] =	sst s7  }
0x10: {  	[smem:$0x3FAA] =	sst s8  }
0x11: {  	[smem:$0x3FAB] =	sst s9;
	s0 =	simm.s32 @!p0 $0x0  }
0x12: {  	s1 =	sld [smem:$0x3F91];
	s0 =	simm.s32 @p0 $0x1  }
0x13: {  	[smem:$0x3FAC] =	sst s0;
	s0 =	simm.s32 @!p1 $0x0  }
0x14: {  	s2 =	sld [smem:$0x3F90];
	s0 =	simm.s32 @p1 $0x1  }
0x15: {  	[smem:$0x3FAD] =	sst s0;
	s0 =	simm.s32 @!p2 $0x0  }
0x16: {  	s3 =	sld [smem:$0x3FDB];
	s0 =	simm.s32 @p2 $0x1  }
0x17: {  	s4 =	simm.s32 $0x1BF5;
	[smem:$0x3FAF] =	sst s0  }
0x18: {  	s0 =	sld [smem:$0x3F92];
	_ =	swait.ge [sflag:s4], $0x0  }
0x19: {  	s7 =	sld [smem:$0x3F93]  }
0x1a: {  	s8 =	sadd.s32 $0xFFFFE003, lr  }
0x1b: {  	s9 =	sadd.s32 $0xFFFFFEF7, lr;
	s5 =	simm.s32 $0xFFFFFFFF;
	p2 =	slt.u32 s8, $0xFFFFF086  }
0x1c: {  	p1 =	slt.u32 s9, $0xF7A;
	s5 =	simm.s32 @!p2 $0x0  }
0x1d: {  	s5 =	simm.s32 @p1 $0x1;
	p0 =	seq.s32 s7, s2  }
0x1e: {  	s7 =	smul.u32 @!p0 $0xF7A, s2;
	p2 =	seq.s32 @!p0 s5, $0x0  }
0x1f: {  	s9 =	smul.u32 $0xF7A, s1;
	s8 =	simm.s32 @!p0 $0x1BF5;
	p2 =	por !p2, p0  }
0x20: {  	[sflag:s8] =	ssyncset.s32 @!p0 $0xFFFFF086;
	s6 =	sadd.s32 @!p0 s3, s7;
	s7 =	simm.s32 @!p0 $0x108  }
0x21: {  	s3 =	sadd.s32 s3, s9;
	s6 =	sadd.s32 @!p0 $0x88, s6;
	s7 =	simm.s32 @p2 $0x1082  }
0x22: {  	[simem:s7], [sflag:s8] =	dma.local @!p0 [hbm:s6], $0xF7A  }
0x23: {  	s9 =	sor.u32 $0xD0000000, s2;
	s6 =	simm.s32 $0x108;
	_ =	swait.ge @!p0 [sflag:s8], $0x0  }
0x24: {  	s3 =	sadd.s32 $0x88, s3;
	s6 =	simm.s32 @!p1 $0x1082;
	[sflag:s4] =	ssyncset.s32 $0xFFFFF086  }
0x25: {  	[simem:s6], [sflag:s4] =	dma.local [hbm:s3], $0xF7A  }
0x26: {  	[smem:$0x3F93] =	sst s1;
	(tag) =	ssettag s2;
	_ =	strace s9  }
0x27: {  	s1 =	sld [smem:$0x3FA3]  }
0x28: {  	s2 =	sld [smem:$0x3FA4]  }
0x29: {  	s4 =	sld [smem:$0x3FA6]  }
0x2a: {  	p0 =	seq.s32 s5, $0x0;
	s5 =	sld [smem:$0x3FA7]  }
0x2b: {  	s6 =	sld [smem:$0x3FA8]  }
0x2c: {  	s7 =	sld [smem:$0x3FA9]  }
0x2d: {  	s3 =	simm.s32 $0x108;
	s8 =	sld [smem:$0x3FAA]  }
0x2e: {  	s3 =	simm.s32 @!p0 $0x1082;
	s9 =	sld [smem:$0x3FAB]  }
0x2f: {  	lr =	sadd.s32 s0, s3;
	s0 =	sld [smem:$0x3FA2]  }
0x30: {  	s3 =	sld [smem:$0x3FA5]  }
0x31: {  	[smem:$0x3FAE] =	sst s10  }
0x32: {  	s10 =	sld [smem:$0x3FAC];
	_ =	sdelay $0x3  }
0x33: {  	p0 =	seq.s32 s10, $0x1;
	s10 =	sld [smem:$0x3FAE];
	_ =	sdelay $0x3  }
0x34: {  	[smem:$0x3FAE] =	sst s10  }
0x35: {  	s10 =	sld [smem:$0x3FAD];
	_ =	sdelay $0x3  }
0x36: {  	p1 =	seq.s32 s10, $0x1;
	s10 =	sld [smem:$0x3FAE];
	_ =	sdelay $0x3  }
0x37: {  	[smem:$0x3FAE] =	sst s10  }
0x38: {  	s10 =	sld [smem:$0x3FAF]  }
0x39: {  	_ = 	snop;
	(pc) =	sbr.ind lr, $3  }
0x3a: {  	_ = 	snop  }
0x3b: {  	_ = 	snop  }
0x3c: {  	p2 =	seq.s32 s10, $0x1;
	s10 =	sld [smem:$0x3FAE]  }
0x3d: {  	_ =	shalt  }
0x3e: {  	_ =	shalt  }
0x3f: {  	_ =	shalt  }
0x40: {  	_ =	shalt  }
0x41: {  	_ =	shalt  }
0x42: {  	_ =	shalt  }
0x43: {  	_ =	shalt  }
0x44: {  	_ =	shalt  }
0x45: {  	_ =	shalt  }
0x46: {  	_ =	shalt  }
0x47: {  	_ =	shalt  }
0x48: {  	_ =	shalt  }
0x49: {  	_ =	shalt  }
0x4a: {  	_ =	shalt  }
0x4b: {  	_ =	shalt  }
0x4c: {  	_ =	shalt  }
0x4d: {  	_ =	shalt  }
0x4e: {  	_ =	shalt  }
0x4f: {  	_ =	shalt  }
0x50: {  	_ =	shalt  }
0x51: {  	_ =	shalt  }
0x52: {  	_ =	shalt  }
0x53: {  	_ =	shalt  }
0x54: {  	_ =	shalt  }
0x55: {  	_ =	shalt  }
0x56: {  	_ =	shalt  }
0x57: {  	_ =	shalt  }
0x58: {  	_ =	shalt  }
0x59: {  	_ =	shalt  }
0x5a: {  	_ =	shalt  }
0x5b: {  	_ =	shalt  }
0x5c: {  	_ =	shalt  }
0x5d: {  	_ =	shalt  }
0x5e: {  	_ =	shalt  }
0x5f: {  	_ =	shalt  }
0x60: {  	_ =	shalt  }
0x61: {  	_ =	shalt  }
0x62: {  	_ =	shalt  }
0x63: {  	_ =	shalt  }
0x64: {  	_ =	shalt  }
0x65: {  	_ =	shalt  }
0x66: {  	_ =	shalt  }
0x67: {  	_ =	shalt  }
0x68: {  	_ =	shalt  }
0x69: {  	_ =	shalt  }
0x6a: {  	_ =	shalt  }
0x6b: {  	_ =	shalt  }
0x6c: {  	_ =	shalt  }
0x6d: {  	_ =	shalt  }
0x6e: {  	_ =	shalt  }
0x6f: {  	_ =	shalt  }
0x70: {  	_ =	shalt  }
0x71: {  	_ =	shalt  }
0x72: {  	_ =	shalt  }
0x73: {  	_ =	shalt  }
0x74: {  	_ =	shalt  }
0x75: {  	_ =	shalt  }
0x76: {  	_ =	shalt  }
0x77: {  	_ =	shalt  }
0x78: {  	_ =	shalt  }
0x79: {  	_ =	shalt  }
0x7a: {  	_ =	shalt  }
0x7b: {  	_ =	shalt  }
0x7c: {  	_ =	shalt  }
0x7d: {  	_ =	shalt  }
0x7e: {  	_ =	shalt  }
0x7f: {  	_ =	shalt  }
0x80: {  	_ =	shalt  }
0x81: {  	_ =	shalt  }
0x82: {  	_ =	shalt  }
0x83: {  	_ =	shalt  }
0x84: {  	_ =	shalt  }
0x85: {  	_ =	shalt  }
0x86: {  	_ =	shalt  }
0x87: {  	_ =	shalt  }
.Lfunc_end0:
.L_simem_size_0:
called_computation.2_lowered:
.L_overlay_start_0:
0x88: {  	s2 =	sld [smem:$0x3FD9]  }
0x89: {  	s3 =	sld [smem:$0x3FFE];
	_ =	sdelay $0x1  }
0x8a: {  	s1 =	srdreg.scid  }
0x8b: {  	s0 =	sand.u32 $0x1, s1  }
0x8c: {  	s16 =	sshll.u32 s0, $0xA;
	s2 =	sadd.s32 s3, s2  }
0x8d: {  	s2 =	sadd.s32 s2, s16  }
0x8e: {  	[smem:$0x3FBA] =	sst s2  }
0x8f: {  	_ = 	snop  }
0x90: {  	(tm) =	ssettm $0x1  }
0x91: {  	s17 =	sld [smem:$0x3FFB];
	_ =	sdelay $0x3  }
0x92: {  	_ =	strace s17  }
0x93: {  	s2 =	sld [smem:$0x3FFC];
	_ =	sdelay $0x3  }
0x94: {  	_ =	strace s2  }
0x95: {  	s2 =	sld [smem:$0x3FFD];
	_ =	sdelay $0x3  }
0x96: {  	_ =	strace s2  }
0x97: {  	_ =	strace $0x8FFFFFFF  }
0x98: {  	s18 =	sld [smem:$0x3FDB];
	_ =	sdelay $0x1  }
0x99: {  	s19 =	simm.s32 $_scs_section_size  }
0x9a: {  	s4 =	simm.s32 $_size__tile_overlayer_lowered;
	s5 =	simm.s32 $_tile_overlayer_lowered  }
0x9b: {  	s22 =	simm.s32 $0x1BFF;
	s21 =	sshll.u32 s5, $0x1;
	s2 =	sadd.s32 s19, s18  }
0x9c: {  	s6 =	simm.s32 $0x0;
	s20 =	sshll.u32 s4, $0x1;
	s4 =	sadd.s32 s21, s2  }
0x9d: {  	[timem:s6], [sflag:s22] =	dma.local [hbm:s4], s20  }
0x9e: {  	_ =	swait.ge [sflag:s22], s20  }
0x9f: {  	s3 =	ssub.s32 $0x0, s20;
	[sflag:s22] =	ssyncset.done $0x0  }
0xa0: {  	[sflag:s22] =	ssyncadd.s32 s3;
	_ =	sdelay $0x1  }
0xa1: {  	s23 =	simm.s32 $0x1B8B  }
0xa2: {  	_ =	swait.ge [sflag:s23], $0x1  }
0xa3: {  	[sflag:s23] =	ssyncset.done $0x0  }
0xa4: {  	s25 =	simm.s32 $0x1B8E;
	s24 =	sld [smem:$0x3FFE];
	[sflag:s23] =	ssyncadd.s32 $0xFFFFFFFF  }
0xa5: {  	s26 =	simm.s32 $execute0_lowered;
	[smem:$0x3FD2] =	sst s25  }
0xa6: {  	s4 =	sshll.u32 s26, $0x1;
	_ =	strace $0x8000004C;
	[dreg:$0x1] =	wrdreg $0xFFFFFFFF  }
0xa7: {  	s28 =	simm.s32 $_size_execute0_lowered;
	s2 =	sadd.s32 s2, s4;
	[dreg:$0x0] =	wrdreg $0x0  }
0xa8: {  	s4 =	sshll.u32 s28, $0x1;
	[dreg:$0x2] =	wrdreg s2  }
0xa9: {  	[dreg:$0x3] =	wrdreg s4  }
0xaa: {  	[dreg:$0x4] =	wrdreg $0xC0  }
0xab: {  	_ =	task [dreg:s6], $0x5FFFF  }
0xac: {  	[dreg:$0x1] =	wrdreg $0xFFFFFFFF  }
0xad: {  	[dreg:$0x0] =	wrdreg $0x60  }
0xae: {  	[dreg:$0x2] =	wrdreg s24  }
0xaf: {  	[dreg:$0x3] =	wrdreg $0x0  }
0xb0: {  	[dreg:$0x4] =	wrdreg $0x9  }
0xb1: {  	_ =	task.clear_ibuf [dreg:s6], $0x5FFFF;
	_ =	strace $0x9000004C  }
0xb2: {  	s29 =	simm.s32 $0x9;
	_ =	strace $0x8000004E  }
0xb3: {  	_ =	swait.ge [sflag:s29], $0x1  }
0xb4: {  	[sflag:s29] =	ssyncadd.s32 $0xFFFFFFFF  }
0xb5: {  	_ =	strace $0x9000004E  }
0xb6: {  	_ =	sfence  }
0xb7: {  	s30 =	sld [smem:$0x0];
	_ =	sdelay $0x2  }
0xb8: {  	s31 =	sshll.u32 s1, $0xD;
	s1 =	sshrl.u32 s1, $0x2  }
0xb9: {  	s3 =	sand.u32 $0x4000, s31;
	s1 =	sadd.s32 s1, s30  }
0xba: {  	s0 =	sor.u32 s3, s0;
	s1 =	sshll.u32 s1, $0x11  }
0xbb: {  	s0 =	sor.u32 s1, s0  }
0xbc: {  	s0 =	sadd.s32 $0x8F2B, s0  }
0xbd: {  	[sflag:s0] =	ssyncadd.remote.s32 $0x1  }
0xbe: {  	_ =	sfence.sel $0xFFFF  }
0xbf: {  	[dreg:$0x0] =	wrdreg $0xFFFFFFFF;
	(pc) =	sbr.abs _section_cstart, $3  }
0xc0: {  	[dreg:$0x1] =	wrdreg $0xFFFFFFFF  }
0xc1: {  	_ =	task.clear_ibuf [dreg:s6], $0x2FFFF;
	_ =	strace $0x9FFFFFFF  }
0xc2: {  	(tm) =	ssettm $0x7FFFFFFF  }
0xc3: {  	_ =	shalt  }
tec
execute0_lowered:
.L_overlay_start_1:
0x0: {  	(tag) =	ssettag $0x1  }
0x1: {  	s0 =	rddreg [dreg:$0x0]  }
0x2: {  	s1 =	rddreg [dreg:$0x1]  }
0x3: {  	s3 =	simm.s32 $0x0;
	s2 =	srdreg.scid;
	s5 =	stileid.u32  }
0x4: {  	s17 =	simm.s32 $0x5;
	s18 =	simm.s32 $0x14000;
	s19 =	simm.s32 $0x14100  }
0x5: {  	s20 =	simm.s32 $0x14080;
	s21 =	simm.s32 $0x14180;
	s22 =	simm.s32 $0x3  }
0x6: {  	s28 =	simm.s32 $0x1;
	s29 =	simm.s32 $0x2;
	s30 =	simm.s32 $0x0  }
0x7: {  	[smem:$0x7FF] =	sst s3;
	s4 =	sadd.s32 $0x15C00, s0;
	s6 =	smul.u32 $0x2800, s5  }
0x8: {  	s2 =	sand.u32 $0x1, s2;
	s10 =	sadd.s32 $0xBC00, s0;
	s9 =	smul.u32 $0x18, s5  }
0x9: {  	s11 =	sadd.s32 $0x1C00, s0;
	s8 =	sadd.s32 $0x3CE00, s0;
	s12 =	smul.u32 $0x88, s5  }
0xa: {  	s25 =	smul.u32 $0x50000, s5;
	s31 =	sshll.u32 s5, $0x6;
	_ =	strace $0x8000004D  }
0xb: {  	s7 =	smul.u32 $0x28000, s2;
	[dreg:$0x3] =	wrdreg s8;
	s23 =	ssub.s32 $0x2, s2  }
0xc: {  	p0 =	seq.s32 s2, $0x0;
	s24 =	sshrl.u32 s23, $0x1;
	s2 =	sadd.s32 $0x880, s9  }
0xd: {  	s26 =	sshrl.u32 s25, $0x2;
	s9 =	simm.s32 $0x43;
	s25 =	simm.s32 $0x4  }
0xe: {  	s6 =	sadd.s32 s6, s7;
	s13 =	ssub.s32 s23, s24;
	s2 =	smov.u32 @p0 s12  }
0xf: {  	s14 =	sadd.s32 s26, s1;
	s9 =	simm.s32 @!p0 $0xB;
	s23 =	simm.s32 $0x80  }
0x10: {  	s24 =	simm.s32 $0x14200;
	s26 =	simm.s32 $0x18200;
	s0 =	sadd.s32 s6, s0  }
0x11: {  	s2 =	sshll.u32 s2, $0x4;
	s6 =	sor.u32 $0x1C05, s31;
	s13 =	smax.u32 s13, $0x1  }
0x12: {  	s7 =	sadd.s32 s10, s2;
	s8 =	sadd.s32 s11, s2;
	s2 =	sor.u32 $0x10, s2  }
0x13: {  	s16 =	sshrl.u32 s14, $0x3;
	s12 =	sadd.s32 $0x66800, s0;
	s10 =	sadd.s32 s10, s2  }
0x14: {  	s11 =	sadd.s32 s11, s2;
	s0 =	sadd.s32 $0x20, s8;
	s2 =	sadd.s32 $0x20, s7  }
.LBB2_1:
0x15: {  	s5 =	rddreg [dreg:$0x3]  }
0x16: {  	[spmem:s16], [sflag:s6] =	dma.local [hbm:s5], $0x2800  }
0x17: {  	_ =	swait.ge [sflag:s17], $0x2800  }
0x18: {  	[sflag:s17] =	ssyncset.done $0x0  }
0x19: {  	[sflag:s17] =	ssyncadd.s32 $0xFFFFD800  }
0x1a: {  	[bflag:$0x0] =	sbarrier.arrive $0xFFFF  }
0x1b: {  	[tilespmem:s18], [sflag:$0x3] =	stream.linear.gather [hbm4b:s7+s3], $0x80, $0x38;
	[tilespmem:$0x1C200] =	vst v63  }
0x1c: {  	_ = 	snop  }
0x1d: {  	[tilespmem:s19], [sflag:$0x3] =	stream.linear.gather [hbm4b:s8+s3], $0x80, $0x38;
	[tilespmem:$0x1C200] =	vst v63  }
0x1e: {  	_ = 	snop  }
0x1f: {  	[tilespmem:s20], [sflag:$0x4] =	stream.linear.gather [hbm4b:s10+s3], $0x80, $0x38;
	[tilespmem:$0x1C200] =	vst v63  }
0x20: {  	_ = 	snop  }
0x21: {  	[tilespmem:s21], [sflag:$0x4] =	stream.linear.gather [hbm4b:s11+s3], $0x80, $0x38;
	[tilespmem:$0x1C200] =	vst v63  }
0x22: {  	_ =	swait.ge [sflag:s22], $0x80  }
0x23: {  	[sflag:s22] =	ssyncset.done $0x0  }
0x24: {  	[sflag:s22] =	ssyncadd.s32 $0xFFFFFF80  }
0x25: {  	_ =	swait.ge [sflag:s22], $0x80  }
0x26: {  	[sflag:s22] =	ssyncset.done $0x0  }
0x27: {  	[sflag:s22] =	ssyncadd.s32 $0xFFFFFF80  }
0x28: {  	[tilespmem:s24], [sflag:$0x1] =	stream.indirect.gather [hbm4b:s4+s23], $0x80, s18, s23, $0xb8;
	[tilespmem:$0x1C200] =	vst v63  }
0x29: {  	_ =	swait.ge [sflag:s25], $0x80  }
0x2a: {  	[sflag:s25] =	ssyncset.done $0x0  }
0x2b: {  	[sflag:s25] =	ssyncadd.s32 $0xFFFFFF80  }
0x2c: {  	_ =	swait.ge [sflag:s25], $0x80  }
0x2d: {  	[sflag:s25] =	ssyncset.done $0x0  }
0x2e: {  	[sflag:s25] =	ssyncadd.s32 $0xFFFFFF80  }
0x2f: {  	[tilespmem:s26], [sflag:$0x2] =	stream.indirect.gather [hbm4b:s4+s23], $0x80, s20, s23, $0xb8;
	[tilespmem:$0x1C200] =	vst v63  }
0x30: {  	_ =	swait.ge [sflag:s28], $0x4000  }
0x31: {  	[sflag:s28] =	ssyncset.done $0x0  }
0x32: {  	[sflag:s28] =	ssyncadd.s32 $0xFFFFC000  }
0x33: {  	[tilespmem:s18], [sflag:$0x3] =	stream.linear.gather [hbm4b:s2+s3], $0x80, $0x38;
	[tilespmem:$0x1C200] =	vst v63  }
0x34: {  	_ = 	snop  }
0x35: {  	[spmem:s1] =	stream.indirect.scatter.add.f32 [tilespmem:s24], [sflag:$0x5], $0x80, s19, s23, $0xb8;
	[tilespmem:$0x1C200] =	vst v63  }
0x36: {  	_ =	swait.ge [sflag:s17], $0x4000  }
0x37: {  	[sflag:s17] =	ssyncset.done $0x0  }
0x38: {  	[sflag:s17] =	ssyncadd.s32 $0xFFFFC000  }
0x39: {  	[tilespmem:s19], [sflag:$0x3] =	stream.linear.gather [hbm4b:s0+s3], $0x80, $0x38;
	[tilespmem:$0x1C200] =	vst v63  }
0x3a: {  	_ =	swait.ge [sflag:s22], $0x80  }
0x3b: {  	[sflag:s22] =	ssyncset.done $0x0  }
0x3c: {  	[sflag:s22] =	ssyncadd.s32 $0xFFFFFF80  }
0x3d: {  	_ =	swait.ge [sflag:s22], $0x80  }
0x3e: {  	[sflag:s22] =	ssyncset.done $0x0  }
0x3f: {  	[sflag:s22] =	ssyncadd.s32 $0xFFFFFF80  }
0x40: {  	[tilespmem:s24], [sflag:$0x1] =	stream.indirect.gather [hbm4b:s4+s23], $0x80, s18, s23, $0xb8;
	[tilespmem:$0x1C200] =	vst v63  }
0x41: {  	_ =	swait.ge [sflag:s29], $0x4000  }
0x42: {  	[sflag:s29] =	ssyncset.done $0x0  }
0x43: {  	s14 =	sadd.s32 $0x10, s2;
	[sflag:s29] =	ssyncadd.s32 $0xFFFFC000  }
0x44: {  	[tilespmem:s20], [sflag:$0x4] =	stream.linear.gather [hbm4b:s14+s3], $0x80, $0x38;
	[tilespmem:$0x1C200] =	vst v63  }
0x45: {  	_ = 	snop  }
0x46: {  	[spmem:s1] =	stream.indirect.scatter.add.f32 [tilespmem:s26], [sflag:$0x5], $0x80, s21, s23, $0xb8;
	[tilespmem:$0x1C200] =	vst v63  }
0x47: {  	_ =	swait.ge [sflag:s17], $0x4000  }
0x48: {  	[sflag:s17] =	ssyncset.done $0x0  }
0x49: {  	s15 =	sadd.s32 $0x10, s0;
	p0 =	sne.s32 s9, $0x1;
	[sflag:s17] =	ssyncadd.s32 $0xFFFFC000  }
0x4a: {  	[tilespmem:s21], [sflag:$0x4] =	stream.linear.gather [hbm4b:s15+s3], $0x80, $0x38;
	[tilespmem:$0x1C200] =	vst v63  }
.Ltmp0:
0x4b: {  	_ =	swait.ge [sflag:s25], $0x80;
	(pc) =	sbr.rel @!p0 .LBB2_3-.Ltmp0, $4  }
0x4c: {  	[sflag:s25] =	ssyncset.done $0x0  }
0x4d: {  	[sflag:s25] =	ssyncadd.s32 $0xFFFFFF80  }
0x4e: {  	s31 =	sadd.s32 $0xFFFFFFFF, s9;
	_ =	swait.ge [sflag:s25], $0x80  }
0x4f: {  	s14 =	smov.u32 s0;
	s15 =	smov.u32 s2;
	[sflag:s25] =	ssyncset.done $0x0  }
.LBB2_2:
0x50: {  	[sflag:s25] =	ssyncadd.s32 $0xFFFFFF80;
	s14 =	sadd.s32 $0x20, s14;
	s15 =	sadd.s32 $0x20, s15  }
0x51: {  	[tilespmem:s26], [sflag:$0x2] =	stream.indirect.gather [hbm4b:s4+s23], $0x80, s20, s23, $0xb8;
	[tilespmem:$0x1C200] =	vst v63  }
0x52: {  	p0 =	sne.s32 s31, $0x1;
	s31 =	sadd.s32 $0xFFFFFFFF, s31;
	_ =	swait.ge [sflag:s28], $0x4000  }
0x53: {  	[sflag:s28] =	ssyncset.done $0x0  }
0x54: {  	[sflag:s28] =	ssyncadd.s32 $0xFFFFC000  }
0x55: {  	[tilespmem:s18], [sflag:$0x3] =	stream.linear.gather [hbm4b:s15+s3], $0x80, $0x38;
	[tilespmem:$0x1C200] =	vst v63  }
0x56: {  	_ = 	snop  }
0x57: {  	[spmem:s1] =	stream.indirect.scatter.add.f32 [tilespmem:s24], [sflag:$0x5], $0x80, s19, s23, $0xb8;
	[tilespmem:$0x1C200] =	vst v63  }
0x58: {  	_ =	swait.ge [sflag:s17], $0x4000  }
0x59: {  	[sflag:s17] =	ssyncset.done $0x0  }
0x5a: {  	[sflag:s17] =	ssyncadd.s32 $0xFFFFC000  }
0x5b: {  	[tilespmem:s19], [sflag:$0x3] =	stream.linear.gather [hbm4b:s14+s3], $0x80, $0x38;
	[tilespmem:$0x1C200] =	vst v63  }
0x5c: {  	_ =	swait.ge [sflag:s22], $0x80  }
0x5d: {  	[sflag:s22] =	ssyncset.done $0x0  }
0x5e: {  	[sflag:s22] =	ssyncadd.s32 $0xFFFFFF80  }
0x5f: {  	_ =	swait.ge [sflag:s22], $0x80  }
0x60: {  	[sflag:s22] =	ssyncset.done $0x0  }
0x61: {  	[sflag:s22] =	ssyncadd.s32 $0xFFFFFF80  }
0x62: {  	[tilespmem:s24], [sflag:$0x1] =	stream.indirect.gather [hbm4b:s4+s23], $0x80, s18, s23, $0xb8;
	[tilespmem:$0x1C200] =	vst v63  }
0x63: {  	_ =	swait.ge [sflag:s29], $0x4000  }
0x64: {  	[sflag:s29] =	ssyncset.done $0x0  }
0x65: {  	s5 =	sadd.s32 $0x10, s15;
	[sflag:s29] =	ssyncadd.s32 $0xFFFFC000  }
0x66: {  	[tilespmem:s20], [sflag:$0x4] =	stream.linear.gather [hbm4b:s5+s3], $0x80, $0x38;
	[tilespmem:$0x1C200] =	vst v63  }
0x67: {  	_ = 	snop  }
0x68: {  	[spmem:s1] =	stream.indirect.scatter.add.f32 [tilespmem:s26], [sflag:$0x5], $0x80, s21, s23, $0xb8;
	[tilespmem:$0x1C200] =	vst v63  }
0x69: {  	_ =	swait.ge [sflag:s17], $0x4000  }
0x6a: {  	[sflag:s17] =	ssyncset.done $0x0  }
0x6b: {  	s5 =	sadd.s32 $0x10, s14;
	[sflag:s17] =	ssyncadd.s32 $0xFFFFC000  }
0x6c: {  	[tilespmem:s21], [sflag:$0x4] =	stream.linear.gather [hbm4b:s5+s3], $0x80, $0x38;
	[tilespmem:$0x1C200] =	vst v63  }
.Ltmp1:
0x6d: {  	_ =	swait.ge [sflag:s25], $0x80;
	(pc) =	sbr.rel @p0 .LBB2_2-.Ltmp1, $4  }
0x6e: {  	[sflag:s25] =	ssyncset.done $0x0  }
0x6f: {  	[sflag:s25] =	ssyncadd.s32 $0xFFFFFF80  }
0x70: {  	_ =	swait.ge [sflag:s25], $0x80  }
0x71: {  	[sflag:s25] =	ssyncset.done $0x0  }
.LBB2_3:
0x72: {  	[sflag:s25] =	ssyncadd.s32 $0xFFFFFF80  }
0x73: {  	[tilespmem:s26], [sflag:$0x2] =	stream.indirect.gather [hbm4b:s4+s23], $0x80, s20, s23, $0xb8;
	[tilespmem:$0x1C200] =	vst v63  }
0x74: {  	_ =	swait.ge [sflag:s28], $0x4000  }
0x75: {  	[sflag:s28] =	ssyncset.done $0x0  }
0x76: {  	[sflag:s28] =	ssyncadd.s32 $0xFFFFC000  }
0x77: {  	[spmem:s1] =	stream.indirect.scatter.add.f32 [tilespmem:s24], [sflag:$0x5], $0x80, s19, s23, $0xb8;
	[tilespmem:$0x1C200] =	vst v63  }
0x78: {  	_ =	swait.ge [sflag:s17], $0x4000  }
0x79: {  	[sflag:s17] =	ssyncset.done $0x0  }
0x7a: {  	[sflag:s17] =	ssyncadd.s32 $0xFFFFC000  }
0x7b: {  	_ =	swait.ge [sflag:s29], $0x4000  }
0x7c: {  	[sflag:s29] =	ssyncset.done $0x0  }
0x7d: {  	[sflag:s29] =	ssyncadd.s32 $0xFFFFC000  }
0x7e: {  	[spmem:s1] =	stream.indirect.scatter.add.f32 [tilespmem:s26], [sflag:$0x5], $0x80, s21, s23, $0xb8;
	[tilespmem:$0x1C200] =	vst v63  }
0x7f: {  	_ =	swait.ge [sflag:s17], $0x4000  }
0x80: {  	s30 =	sadd.s32 $0x1, s30;
	[sflag:s17] =	ssyncset.done $0x0  }
0x81: {  	p0 =	sne.s32 s30, s13;
	[sflag:s17] =	ssyncadd.s32 $0xFFFFC000  }
.Ltmp2:
0x82: {  	[bflag:$0x0] =	sbarrier.arrive $0xFFFF;
	(pc) =	sbr.rel @p0 .LBB2_1-.Ltmp2, $4  }
0x83: {  	[hbm:s12], [sflag:s6] =	dma.local [spmem:s16], $0x2800  }
0x84: {  	_ =	swait.ge [sflag:s17], $0x2800  }
0x85: {  	[sflag:s17] =	ssyncset.done $0x0  }
0x86: {  	[sflag:s17] =	ssyncadd.s32 $0xFFFFD800  }
0x87: {  	_ =	sfence.sel $0x180000  }
0x88: {  	[bflag:$0x0] =	sbarrier.arrive $0xFFFF  }
0x89: {  	_ =	strace $0x9000004D  }
0x8a: {  	s0 =	stileid.u32;
	[bflag:$0x2] =	sbarrier.arrive $0xFFFF  }
0x8b: {  	p0 =	sne.s32 s0, $0x0;
	s0 =	rddreg [dreg:$0x2]  }
0x8c: {  	s0 =	sadd.s32 @!p0 $0x100000, s0  }
0x8d: {  	[sflag:s0] =	ssyncadd.tile.s32 @!p0 $0x1;
	_ =	shalt  }
.Lfunc_end2:
_tile_overlayer_lowered:
.L_overlay_start_2:
0x8e: {  	(tag) =	ssettag $0x2  }
0x8f: {  	s0 =	rddreg [dreg:$0x0];
	s2 =	stileid.u32  }
0x90: {  	s1 =	rddreg [dreg:$0x1];
	p0 =	sne.s32 s2, $0x0  }
0x91: {  	s3 =	rddreg [dreg:$0x2];
	[bflag:$0x3] =	sbarrier.arrive $0xFFFF;
	s2 =	simm.s32 @!p0 $0x1C05  }
0x92: {  	[timem:s3], [sflag:s2] =	dma.local @!p0 [hbm:s0], s1  }
0x93: {  	s0 =	simm.s32 @!p0 $0x5  }
0x94: {  	_ =	swait.ge @!p0 [sflag:s0], s1  }
0x95: {  	s1 =	ssub.s32 @!p0 $0x0, s1;
	[sflag:s0] =	ssyncset.done @!p0 $0x0  }
0x96: {  	[sflag:s0] =	ssyncadd.s32 @!p0 s1  }
0x97: {  	[bflag:$0x3] =	sbarrier.arrive $0xFFFF  }
0x98: {  	_ =	shalt  }

// kernel: kernel.9.cloned.1.call-start
scs
__scs_entry_jumppad:
0x0: {  	(pc) =	sbr.rel $0x88, $3  }
0x1: {  	(tag) =	ssettag $0x0;
	lr =	simm.s32 $0x1  }
0x2: {  	[smem:$0x3F93] =	sst lr;
	_ =	strace $0xD0000000  }
0x3: {  	_ = 	snop  }
0x4: {  	_ = 	snop  }
0x5: {  	_ = 	snop  }
0x6: {  	_ = 	snop  }
0x7: {  	_ = 	snop  }
__scs_overlays_trampoline_lowered:
0x8: {  	[smem:$0x3FA2] =	sst s0  }
0x9: {  	[smem:$0x3FA3] =	sst s1  }
0xa: {  	[smem:$0x3FA4] =	sst s2  }
0xb: {  	[smem:$0x3FA5] =	sst s3  }
0xc: {  	[smem:$0x3FA6] =	sst s4  }
0xd: {  	[smem:$0x3FA7] =	sst s5  }
0xe: {  	[smem:$0x3FA8] =	sst s6  }
0xf: {  	[smem:$0x3FA9] =	sst s7  }
0x10: {  	[smem:$0x3FAA] =	sst s8  }
0x11: {  	[smem:$0x3FAB] =	sst s9;
	s0 =	simm.s32 @!p0 $0x0  }
0x12: {  	s1 =	sld [smem:$0x3F91];
	s0 =	simm.s32 @p0 $0x1  }
0x13: {  	[smem:$0x3FAC] =	sst s0;
	s0 =	simm.s32 @!p1 $0x0  }
0x14: {  	s2 =	sld [smem:$0x3F90];
	s0 =	simm.s32 @p1 $0x1  }
0x15: {  	[smem:$0x3FAD] =	sst s0;
	s0 =	simm.s32 @!p2 $0x0  }
0x16: {  	s3 =	sld [smem:$0x3FDB];
	s0 =	simm.s32 @p2 $0x1  }
0x17: {  	s4 =	simm.s32 $0x1BF5;
	[smem:$0x3FAF] =	sst s0  }
0x18: {  	s0 =	sld [smem:$0x3F92];
	_ =	swait.ge [sflag:s4], $0x0  }
0x19: {  	s7 =	sld [smem:$0x3F93]  }
0x1a: {  	s8 =	sadd.s32 $0xFFFFE003, lr  }
0x1b: {  	s9 =	sadd.s32 $0xFFFFFEF7, lr;
	s5 =	simm.s32 $0xFFFFFFFF;
	p2 =	slt.u32 s8, $0xFFFFF086  }
0x1c: {  	p1 =	slt.u32 s9, $0xF7A;
	s5 =	simm.s32 @!p2 $0x0  }
0x1d: {  	s5 =	simm.s32 @p1 $0x1;
	p0 =	seq.s32 s7, s2  }
0x1e: {  	s7 =	smul.u32 @!p0 $0xF7A, s2;
	p2 =	seq.s32 @!p0 s5, $0x0  }
0x1f: {  	s9 =	smul.u32 $0xF7A, s1;
	s8 =	simm.s32 @!p0 $0x1BF5;
	p2 =	por !p2, p0  }
0x20: {  	[sflag:s8] =	ssyncset.s32 @!p0 $0xFFFFF086;
	s6 =	sadd.s32 @!p0 s3, s7;
	s7 =	simm.s32 @!p0 $0x108  }
0x21: {  	s3 =	sadd.s32 s3, s9;
	s6 =	sadd.s32 @!p0 $0x88, s6;
	s7 =	simm.s32 @p2 $0x1082  }
0x22: {  	[simem:s7], [sflag:s8] =	dma.local @!p0 [hbm:s6], $0xF7A  }
0x23: {  	s9 =	sor.u32 $0xD0000000, s2;
	s6 =	simm.s32 $0x108;
	_ =	swait.ge @!p0 [sflag:s8], $0x0  }
0x24: {  	s3 =	sadd.s32 $0x88, s3;
	s6 =	simm.s32 @!p1 $0x1082;
	[sflag:s4] =	ssyncset.s32 $0xFFFFF086  }
0x25: {  	[simem:s6], [sflag:s4] =	dma.local [hbm:s3], $0xF7A  }
0x26: {  	[smem:$0x3F93] =	sst s1;
	(tag) =	ssettag s2;
	_ =	strace s9  }
0x27: {  	s1 =	sld [smem:$0x3FA3]  }
0x28: {  	s2 =	sld [smem:$0x3FA4]  }
0x29: {  	s4 =	sld [smem:$0x3FA6]  }
0x2a: {  	p0 =	seq.s32 s5, $0x0;
	s5 =	sld [smem:$0x3FA7]  }
0x2b: {  	s6 =	sld [smem:$0x3FA8]  }
0x2c: {  	s7 =	sld [smem:$0x3FA9]  }
0x2d: {  	s3 =	simm.s32 $0x108;
	s8 =	sld [smem:$0x3FAA]  }
0x2e: {  	s3 =	simm.s32 @!p0 $0x1082;
	s9 =	sld [smem:$0x3FAB]  }
0x2f: {  	lr =	sadd.s32 s0, s3;
	s0 =	sld [smem:$0x3FA2]  }
0x30: {  	s3 =	sld [smem:$0x3FA5]  }
0x31: {  	[smem:$0x3FAE] =	sst s10  }
0x32: {  	s10 =	sld [smem:$0x3FAC];
	_ =	sdelay $0x3  }
0x33: {  	p0 =	seq.s32 s10, $0x1;
	s10 =	sld [smem:$0x3FAE];
	_ =	sdelay $0x3  }
0x34: {  	[smem:$0x3FAE] =	sst s10  }
0x35: {  	s10 =	sld [smem:$0x3FAD];
	_ =	sdelay $0x3  }
0x36: {  	p1 =	seq.s32 s10, $0x1;
	s10 =	sld [smem:$0x3FAE];
	_ =	sdelay $0x3  }
0x37: {  	[smem:$0x3FAE] =	sst s10  }
0x38: {  	s10 =	sld [smem:$0x3FAF]  }
0x39: {  	_ = 	snop;
	(pc) =	sbr.ind lr, $3  }
0x3a: {  	_ = 	snop  }
0x3b: {  	_ = 	snop  }
0x3c: {  	p2 =	seq.s32 s10, $0x1;
	s10 =	sld [smem:$0x3FAE]  }
0x3d: {  	_ =	shalt  }
0x3e: {  	_ =	shalt  }
0x3f: {  	_ =	shalt  }
0x40: {  	_ =	shalt  }
0x41: {  	_ =	shalt  }
0x42: {  	_ =	shalt  }
0x43: {  	_ =	shalt  }
0x44: {  	_ =	shalt  }
0x45: {  	_ =	shalt  }
0x46: {  	_ =	shalt  }
0x47: {  	_ =	shalt  }
0x48: {  	_ =	shalt  }
0x49: {  	_ =	shalt  }
0x4a: {  	_ =	shalt  }
0x4b: {  	_ =	shalt  }
0x4c: {  	_ =	shalt  }
0x4d: {  	_ =	shalt  }
0x4e: {  	_ =	shalt  }
0x4f: {  	_ =	shalt  }
0x50: {  	_ =	shalt  }
0x51: {  	_ =	shalt  }
0x52: {  	_ =	shalt  }
0x53: {  	_ =	shalt  }
0x54: {  	_ =	shalt  }
0x55: {  	_ =	shalt  }
0x56: {  	_ =	shalt  }
0x57: {  	_ =	shalt  }
0x58: {  	_ =	shalt  }
0x59: {  	_ =	shalt  }
0x5a: {  	_ =	shalt  }
0x5b: {  	_ =	shalt  }
0x5c: {  	_ =	shalt  }
0x5d: {  	_ =	shalt  }
0x5e: {  	_ =	shalt  }
0x5f: {  	_ =	shalt  }
0x60: {  	_ =	shalt  }
0x61: {  	_ =	shalt  }
0x62: {  	_ =	shalt  }
0x63: {  	_ =	shalt  }
0x64: {  	_ =	shalt  }
0x65: {  	_ =	shalt  }
0x66: {  	_ =	shalt  }
0x67: {  	_ =	shalt  }
0x68: {  	_ =	shalt  }
0x69: {  	_ =	shalt  }
0x6a: {  	_ =	shalt  }
0x6b: {  	_ =	shalt  }
0x6c: {  	_ =	shalt  }
0x6d: {  	_ =	shalt  }
0x6e: {  	_ =	shalt  }
0x6f: {  	_ =	shalt  }
0x70: {  	_ =	shalt  }
0x71: {  	_ =	shalt  }
0x72: {  	_ =	shalt  }
0x73: {  	_ =	shalt  }
0x74: {  	_ =	shalt  }
0x75: {  	_ =	shalt  }
0x76: {  	_ =	shalt  }
0x77: {  	_ =	shalt  }
0x78: {  	_ =	shalt  }
0x79: {  	_ =	shalt  }
0x7a: {  	_ =	shalt  }
0x7b: {  	_ =	shalt  }
0x7c: {  	_ =	shalt  }
0x7d: {  	_ =	shalt  }
0x7e: {  	_ =	shalt  }
0x7f: {  	_ =	shalt  }
0x80: {  	_ =	shalt  }
0x81: {  	_ =	shalt  }
0x82: {  	_ =	shalt  }
0x83: {  	_ =	shalt  }
0x84: {  	_ =	shalt  }
0x85: {  	_ =	shalt  }
0x86: {  	_ =	shalt  }
0x87: {  	_ =	shalt  }
.Lfunc_end0:
.L_simem_size_0:
called_computation_lowered:
.L_overlay_start_0:
0x88: {  	s2 =	sld [smem:$0x3FD9]  }
0x89: {  	s3 =	sld [smem:$0x3FFE];
	_ =	sdelay $0x1  }
0x8a: {  	s1 =	srdreg.scid  }
0x8b: {  	s0 =	sand.u32 $0x1, s1  }
0x8c: {  	s17 =	sshll.u32 s0, $0xA;
	s2 =	sadd.s32 s3, s2  }
0x8d: {  	s2 =	sadd.s32 s2, s17  }
0x8e: {  	[smem:$0x3FBA] =	sst s2  }
0x8f: {  	_ = 	snop  }
0x90: {  	(tm) =	ssettm $0x1  }
0x91: {  	s18 =	sld [smem:$0x3FFB];
	_ =	sdelay $0x3  }
0x92: {  	_ =	strace s18  }
0x93: {  	s2 =	sld [smem:$0x3FFC];
	_ =	sdelay $0x3  }
0x94: {  	_ =	strace s2  }
0x95: {  	s2 =	sld [smem:$0x3FFD];
	_ =	sdelay $0x3  }
0x96: {  	_ =	strace s2  }
0x97: {  	_ =	strace $0x8FFFFFFF  }
0x98: {  	s19 =	sld [smem:$0x3FDB];
	_ =	sdelay $0x1  }
0x99: {  	s20 =	simm.s32 $_scs_section_size  }
0x9a: {  	s4 =	simm.s32 $_size__tile_overlayer_lowered;
	s5 =	simm.s32 $_tile_overlayer_lowered  }
0x9b: {  	s6 =	simm.s32 $0x1BFF;
	s21 =	sshll.u32 s5, $0x1;
	s3 =	sadd.s32 s20, s19  }
0x9c: {  	s22 =	simm.s32 $0x0;
	s4 =	sshll.u32 s4, $0x1;
	s5 =	sadd.s32 s21, s3  }
0x9d: {  	[timem:s22], [sflag:s6] =	dma.local [hbm:s5], s4  }
0x9e: {  	_ =	swait.ge [sflag:s6], s4  }
0x9f: {  	s4 =	ssub.s32 $0x0, s4;
	[sflag:s6] =	ssyncset.done $0x0  }
0xa0: {  	[sflag:s6] =	ssyncadd.s32 s4;
	_ =	sdelay $0x1  }
0xa1: {  	s23 =	simm.s32 $0x1B8B  }
0xa2: {  	_ =	swait.ge [sflag:s23], $0x1  }
0xa3: {  	[sflag:s23] =	ssyncset.done $0x0  }
0xa4: {  	[sflag:s23] =	ssyncadd.s32 $0xFFFFFFFF  }
0xa5: {  	s4 =	sld [smem:$0x0]  }
0xa6: {  	s5 =	sand.u32 $0xFFFFFFFE, s1  }
0xa7: {  	p0 =	sne.s32 s1, s5  }
0xa8: {  	s5 =	sshll.u32 @p0 s5, $0xE  }
0xa9: {  	s5 =	sadd.s32 @p0 $0x11B8D, s5;
	s6 =	sshll.u32 @p0 s4, $0x11  }
0xaa: {  	s5 =	sor.u32 @p0 s6, s5  }
0xab: {  	[sflag:s5] =	ssyncadd.remote.s32 @p0 $0x1;
	_ =	sdelay $0x1  }
0xac: {  	s5 =	simm.s32 @p0 $0x1B8D  }
0xad: {  	_ =	swait.eq @p0 [sflag:s5], $0x1  }
0xae: {  	[sflag:s5] =	ssyncadd.s32 @p0 $0xFFFFFFFF  }
0xaf: {  	s6 =	sshll.u32 @!p0 s1, $0xE  }
0xb0: {  	s6 =	sor.u32 @!p0 $0x4000, s6;
	s5 =	simm.s32 @!p0 $0x1B8D  }
0xb1: {  	s4 =	sshll.u32 @!p0 s4, $0x11;
	s6 =	sadd.s32 @!p0 $0x11B8D, s6;
	_ =	swait.eq @!p0 [sflag:s5], $0x1  }
0xb2: {  	s4 =	sor.u32 @!p0 s4, s6;
	[sflag:s5] =	ssyncadd.s32 @!p0 $0xFFFFFFFF  }
0xb3: {  	s25 =	simm.s32 $0x1B8E;
	s24 =	sld [smem:$0x3FFE];
	[sflag:s4] =	ssyncadd.remote.s32 @!p0 $0x1  }
0xb4: {  	s26 =	simm.s32 $execute0_lowered;
	[smem:$0x3FD2] =	sst s25  }
0xb5: {  	s5 =	sshll.u32 s26, $0x1;
	_ =	strace $0x80000049;
	[dreg:$0x1] =	wrdreg $0xFFFFFFFF  }
0xb6: {  	s28 =	simm.s32 $_size_execute0_lowered;
	s3 =	sadd.s32 s3, s5;
	[dreg:$0x0] =	wrdreg $0x0  }
0xb7: {  	s5 =	sshll.u32 s28, $0x1;
	[dreg:$0x2] =	wrdreg s3  }
0xb8: {  	[dreg:$0x3] =	wrdreg s5  }
0xb9: {  	[dreg:$0x4] =	wrdreg $0xC0  }
0xba: {  	_ =	task [dreg:s22], $0x5FFFF  }
0xbb: {  	[dreg:$0x1] =	wrdreg $0xFFFFFFFF  }
0xbc: {  	[dreg:$0x0] =	wrdreg $0x60  }
0xbd: {  	[dreg:$0x2] =	wrdreg s24  }
0xbe: {  	[dreg:$0x3] =	wrdreg $0x0  }
0xbf: {  	[dreg:$0x4] =	wrdreg $0x9  }
0xc0: {  	_ =	task.clear_ibuf [dreg:s22], $0x5FFFF;
	_ =	strace $0x90000049  }
0xc1: {  	s29 =	simm.s32 $0x9;
	_ =	strace $0x8000004B  }
0xc2: {  	_ =	swait.ge [sflag:s29], $0x1  }
0xc3: {  	[sflag:s29] =	ssyncadd.s32 $0xFFFFFFFF  }
0xc4: {  	_ =	strace $0x9000004B  }
0xc5: {  	_ =	sfence  }
0xc6: {  	s30 =	sld [smem:$0x0];
	_ =	sdelay $0x2  }
0xc7: {  	s31 =	sshll.u32 s1, $0xD;
	s1 =	sshrl.u32 s1, $0x2  }
0xc8: {  	s4 =	sand.u32 $0x4000, s31;
	s1 =	sadd.s32 s1, s30  }
0xc9: {  	s0 =	sor.u32 s4, s0;
	s1 =	sshll.u32 s1, $0x11  }
0xca: {  	s0 =	sor.u32 s1, s0  }
0xcb: {  	s0 =	sadd.s32 $0x8F2B, s0  }
0xcc: {  	[sflag:s0] =	ssyncadd.remote.s32 $0x1  }
0xcd: {  	_ =	sfence.sel $0xFFFF  }
0xce: {  	[dreg:$0x0] =	wrdreg $0xFFFFFFFF;
	(pc) =	sbr.abs _section_cstart, $3  }
0xcf: {  	[dreg:$0x1] =	wrdreg $0xFFFFFFFF  }
0xd0: {  	_ =	task.clear_ibuf [dreg:s22], $0x2FFFF;
	_ =	strace $0x9FFFFFFF  }
0xd1: {  	(tm) =	ssettm $0x7FFFFFFF  }
tec
execute0_lowered:
.L_overlay_start_1:
0x0: {  	(tag) =	ssettag $0x1  }
0x1: {  	s6 =	rddreg [dreg:$0x0];
	s0 =	stileid.u32  }
0x2: {  	s1 =	srdreg.scid;
	s2 =	rddreg [dreg:$0x1]  }
0x3: {  	s14 =	simm.s32 $0x3;
	s15 =	simm.s32 $0x14100;
	s16 =	simm.s32 $0x14000  }
0x4: {  	s17 =	simm.s32 $0x80;
	s18 =	simm.s32 $0x14080;
	s3 =	smul.u32 $0x4C, s0  }
0x5: {  	s19 =	simm.s32 $0x1;
	s20 =	simm.s32 $0x2;
	s4 =	smul.u32 $0x54, s0  }
0x6: {  	s21 =	simm.s32 $0x0;
	s5 =	sand.u32 $0x1, s1;
	s8 =	smul.u32 $0x2800, s0  }
0x7: {  	s1 =	rddreg [dreg:$0x2];
	s9 =	smul.u32 $0x50000, s0;
	s31 =	sshll.u32 s0, $0x6  }
0x8: {  	p0 =	seq.s32 s5, $0x0;
	s26 =	smul.u32 $0x28000, s5;
	s28 =	ssub.s32 $0x2, s5  }
0x9: {  	s5 =	sadd.s32 $0x8F600, s6;
	s7 =	sadd.s32 $0x540, s3;
	s3 =	simm.s32 $0x0  }
0xa: {  	s29 =	sshrl.u32 s28, $0x1;
	s30 =	sshrl.u32 s9, $0x2;
	s7 =	smov.u32 @p0 s4  }
0xb: {  	[smem:$0x7FF] =	sst s3;
	s11 =	ssub.s32 s28, s29;
	s13 =	sadd.s32 s30, s2  }
0xc: {  	s4 =	sshll.u32 s7, $0x4;
	_ =	strace $0x8000004A;
	s7 =	sadd.s32 s8, s26  }
0xd: {  	s11 =	smax.u32 s11, $0x1;
	s13 =	sshrl.u32 s13, $0x3;
	s12 =	sadd.s32 s4, s6  }
0xe: {  	s4 =	sadd.s32 $0x3CE00, s6;
	s10 =	sadd.s32 s7, s6;
	s6 =	sor.u32 $0x1C03, s31  }
0xf: {  	s7 =	simm.s32 $0x29;
	s8 =	sadd.s32 $0x1C00, s12;
	s9 =	sadd.s32 $0x1C10, s12  }
0x10: {  	s7 =	simm.s32 @!p0 $0x25;
	s10 =	sadd.s32 $0x8FE00, s10;
	s12 =	sadd.s32 $0x1C30, s12  }
.LBB2_1:
0x11: {  	[spmem:s13], [sflag:s6] =	dma.local [hbm:s4], $0x2800  }
0x12: {  	_ =	swait.ge [sflag:s14], $0x2800  }
0x13: {  	[sflag:s14] =	ssyncset.done $0x0  }
0x14: {  	[sflag:s14] =	ssyncadd.s32 $0xFFFFD800  }
0x15: {  	[tilespmem:s15], [sflag:$0x3] =	stream.linear.gather [hbm4b:s5+s3], $0x4000, $0x38;
	[tilespmem:$0x18100] =	vst v63  }
0x16: {  	_ =	swait.ge [sflag:s14], $0x4000  }
0x17: {  	[sflag:s14] =	ssyncset.done $0x0  }
0x18: {  	[sflag:s14] =	ssyncadd.s32 $0xFFFFC000  }
0x19: {  	[bflag:$0x0] =	sbarrier.arrive $0xFFFF  }
0x1a: {  	[tilespmem:s16], [sflag:$0x3] =	stream.linear.gather [hbm4b:s8+s3], $0x80, $0x38;
	[tilespmem:$0x18100] =	vst v63  }
0x1b: {  	_ =	swait.ge [sflag:s14], $0x80  }
0x1c: {  	[sflag:s14] =	ssyncset.done $0x0  }
0x1d: {  	[sflag:s14] =	ssyncadd.s32 $0xFFFFFF80  }
0x1e: {  	[spmem:s2] =	stream.indirect.scatter.add.f32 [tilespmem:s15], [sflag:$0x1], $0x80, s16, s17, $0xb8;
	[tilespmem:$0x18100] =	vst v63  }
0x1f: {  	_ = 	snop  }
0x20: {  	[tilespmem:s18], [sflag:$0x3] =	stream.linear.gather [hbm4b:s9+s3], $0x80, $0x38;
	[tilespmem:$0x18100] =	vst v63  }
0x21: {  	_ =	swait.ge [sflag:s14], $0x80  }
0x22: {  	[sflag:s14] =	ssyncset.done $0x0  }
0x23: {  	[sflag:s14] =	ssyncadd.s32 $0xFFFFFF80  }
0x24: {  	[spmem:s2] =	stream.indirect.scatter.add.f32 [tilespmem:s15], [sflag:$0x2], $0x80, s18, s17, $0xb8;
	[tilespmem:$0x18100] =	vst v63  }
0x25: {  	_ =	swait.ge [sflag:s19], $0x4000  }
0x26: {  	[sflag:s19] =	ssyncset.done $0x0  }
0x27: {  	s22 =	sadd.s32 $0xFFFFFFF0, s12;
	[sflag:s19] =	ssyncadd.s32 $0xFFFFC000  }
0x28: {  	[tilespmem:s16], [sflag:$0x3] =	stream.linear.gather [hbm4b:s22+s3], $0x80, $0x38;
	[tilespmem:$0x18100] =	vst v63  }
0x29: {  	_ =	swait.ge [sflag:s14], $0x80  }
0x2a: {  	[sflag:s14] =	ssyncset.done $0x0  }
0x2b: {  	[sflag:s14] =	ssyncadd.s32 $0xFFFFFF80  }
0x2c: {  	[spmem:s2] =	stream.indirect.scatter.add.f32 [tilespmem:s15], [sflag:$0x1], $0x80, s16, s17, $0xb8;
	[tilespmem:$0x18100] =	vst v63  }
0x2d: {  	_ =	swait.ge [sflag:s20], $0x4000  }
0x2e: {  	p0 =	sne.s32 s7, $0x1;
	[sflag:s20] =	ssyncset.done $0x0  }
.Ltmp0:
0x2f: {  	[sflag:s20] =	ssyncadd.s32 $0xFFFFC000;
	(pc) =	sbr.rel @!p0 .LBB2_3-.Ltmp0, $4  }
0x30: {  	[tilespmem:s18], [sflag:$0x3] =	stream.linear.gather [hbm4b:s12+s3], $0x80, $0x38;
	[tilespmem:$0x18100] =	vst v63  }
0x31: {  	_ =	swait.ge [sflag:s14], $0x80  }
0x32: {  	[sflag:s14] =	ssyncset.done $0x0  }
0x33: {  	s23 =	sadd.s32 $0x20, s12;
	s22 =	sadd.s32 $0xFFFFFFFF, s7;
	[sflag:s14] =	ssyncadd.s32 $0xFFFFFF80  }
.LBB2_2:
0x34: {  	[spmem:s2] =	stream.indirect.scatter.add.f32 [tilespmem:s15], [sflag:$0x2], $0x80, s18, s17, $0xb8;
	[tilespmem:$0x18100] =	vst v63  }
0x35: {  	p0 =	sne.s32 s22, $0x1;
	s22 =	sadd.s32 $0xFFFFFFFF, s22;
	_ =	swait.ge [sflag:s19], $0x4000  }
0x36: {  	[sflag:s19] =	ssyncset.done $0x0  }
0x37: {  	s24 =	sadd.s32 $0xFFFFFFF0, s23;
	[sflag:s19] =	ssyncadd.s32 $0xFFFFC000  }
0x38: {  	[tilespmem:s16], [sflag:$0x3] =	stream.linear.gather [hbm4b:s24+s3], $0x80, $0x38;
	[tilespmem:$0x18100] =	vst v63  }
0x39: {  	_ =	swait.ge [sflag:s14], $0x80  }
0x3a: {  	[sflag:s14] =	ssyncset.done $0x0  }
0x3b: {  	[sflag:s14] =	ssyncadd.s32 $0xFFFFFF80  }
0x3c: {  	[spmem:s2] =	stream.indirect.scatter.add.f32 [tilespmem:s15], [sflag:$0x1], $0x80, s16, s17, $0xb8;
	[tilespmem:$0x18100] =	vst v63  }
0x3d: {  	_ =	swait.ge [sflag:s20], $0x4000  }
0x3e: {  	[sflag:s20] =	ssyncset.done $0x0  }
.Ltmp1:
0x3f: {  	[sflag:s20] =	ssyncadd.s32 $0xFFFFC000;
	(pc) =	sbr.rel @p0 .LBB2_2-.Ltmp1, $4  }
0x40: {  	[tilespmem:s18], [sflag:$0x3] =	stream.linear.gather [hbm4b:s23+s3], $0x80, $0x38;
	[tilespmem:$0x18100] =	vst v63  }
0x41: {  	_ =	swait.ge [sflag:s14], $0x80  }
0x42: {  	[sflag:s14] =	ssyncset.done $0x0  }
0x43: {  	s23 =	sadd.s32 $0x20, s23;
	[sflag:s14] =	ssyncadd.s32 $0xFFFFFF80  }
.LBB2_3:
0x44: {  	[spmem:s2] =	stream.indirect.scatter.add.f32 [tilespmem:s15], [sflag:$0x2], $0x80, s18, s17, $0xb8;
	[tilespmem:$0x18100] =	vst v63  }
0x45: {  	_ =	swait.ge [sflag:s19], $0x4000  }
0x46: {  	[sflag:s19] =	ssyncset.done $0x0  }
0x47: {  	[sflag:s19] =	ssyncadd.s32 $0xFFFFC000  }
0x48: {  	_ =	swait.ge [sflag:s20], $0x4000  }
0x49: {  	s21 =	sadd.s32 $0x1, s21;
	[sflag:s20] =	ssyncset.done $0x0  }
0x4a: {  	p0 =	sne.s32 s21, s11;
	[sflag:s20] =	ssyncadd.s32 $0xFFFFC000  }
.Ltmp2:
0x4b: {  	[bflag:$0x0] =	sbarrier.arrive $0xFFFF;
	(pc) =	sbr.rel @p0 .LBB2_1-.Ltmp2, $4  }
0x4c: {  	[hbm:s10], [sflag:s6] =	dma.local [spmem:s13], $0x2800  }
0x4d: {  	_ =	swait.ge [sflag:s14], $0x2800  }
0x4e: {  	[sflag:s14] =	ssyncset.done $0x0  }
0x4f: {  	[sflag:s14] =	ssyncadd.s32 $0xFFFFD800  }
0x50: {  	_ =	sfence.sel $0x180000  }
0x51: {  	[bflag:$0x0] =	sbarrier.arrive $0xFFFF  }
0x52: {  	p0 =	sne.s32 s0, $0x0;
	_ =	strace $0x9000004A  }
0x53: {  	s0 =	sadd.s32 @!p0 $0x100000, s1;
	[bflag:$0x2] =	sbarrier.arrive $0xFFFF  }
0x54: {  	[sflag:s0] =	ssyncadd.tile.s32 @!p0 $0x1;
	_ =	shalt  }
.Lfunc_end2:
_tile_overlayer_lowered:
.L_overlay_start_2:
0x55: {  	(tag) =	ssettag $0x2  }
0x56: {  	s0 =	rddreg [dreg:$0x0];
	s2 =	stileid.u32  }
0x57: {  	s1 =	rddreg [dreg:$0x1];
	p0 =	sne.s32 s2, $0x0  }
0x58: {  	s3 =	rddreg [dreg:$0x2];
	[bflag:$0x3] =	sbarrier.arrive $0xFFFF;
	s2 =	simm.s32 @!p0 $0x1C03  }
0x59: {  	[timem:s3], [sflag:s2] =	dma.local @!p0 [hbm:s0], s1  }
0x5a: {  	s0 =	simm.s32 @!p0 $0x3  }
0x5b: {  	_ =	swait.ge @!p0 [sflag:s0], s1  }
0x5c: {  	s1 =	ssub.s32 @!p0 $0x0, s1;
	[sflag:s0] =	ssyncset.done @!p0 $0x0  }
0x5d: {  	[sflag:s0] =	ssyncadd.s32 @!p0 s1  }
0x5e: {  	[bflag:$0x3] =	sbarrier.arrive $0xFFFF  }
0x5f: {  	_ =	shalt  }

</sc_bundles>
